<compile_context>
chip_gen: v7x
topology: tpu7x:2x2x1
jax: 0.10.2.dev20260603
libtpu: 0.0.44.dev20260713+nightly
codegen_flags: <defaults>
</compile_context>

<pallas_src>
import functools

import jax
import jax.numpy as jnp
from jax import lax
from jax.experimental import pallas as pl
from jax.experimental.pallas import tpu as pltpu
from jax.experimental.pallas import tpu_sc as plsc

Z_DIM = 101
LATENT_DIM = 92
N_ATOMS = 100000

L = 16
ROWS_PER_CHUNK = 125
N_CHUNKS = N_ATOMS // ROWS_PER_CHUNK
N_WORKERS = 32
CHUNKS_PER_WORKER = N_CHUNKS // N_WORKERS
ROWS_PER_WORKER = ROWS_PER_CHUNK * CHUNKS_PER_WORKER
IDX_PAD = 3136
N_COLG = 6
RU = 5
TAB_PAD = Z_DIM * LATENT_DIM + 20
NBUF = 2


def _make_sc_gather():
    mesh = plsc.VectorSubcoreMesh(core_axis_name="c", subcore_axis_name="s")
    nc = mesh.num_cores

    @functools.partial(
        pl.kernel,
        out_type=jax.ShapeDtypeStruct((N_CHUNKS, ROWS_PER_CHUNK, LATENT_DIM),
                                      jnp.float32),
        mesh=mesh,
        scratch_types=(
            [pltpu.VMEM((TAB_PAD,), jnp.float32),
             pltpu.VMEM((1, IDX_PAD), jnp.int32)]
            + [pltpu.VMEM((ROWS_PER_CHUNK, LATENT_DIM), jnp.float32)
               for _ in range(NBUF)]
            + [pltpu.SemaphoreType.DMA for _ in range(NBUF)]
        ),
        compiler_params=pltpu.CompilerParams(use_tc_tiling_on_sc=False,
                                             needs_layout_passes=False),
    )
    def gather_kernel(z_hbm, tab_hbm, out_hbm, tab_v, idx_v, *bufs_and_sems):
        stags = bufs_and_sems[:NBUF]
        sems = bufs_and_sems[NBUF:]
        wid = lax.axis_index("s") * nc + lax.axis_index("c")
        base = wid * CHUNKS_PER_WORKER
        pltpu.sync_copy(tab_hbm, tab_v)
        pltpu.sync_copy(z_hbm.at[wid], idx_v)

        lanes = lax.iota(jnp.int32, L)
        zeros = jnp.zeros((L,), jnp.int32)
        tail_mask = lanes < LATENT_DIM - (N_COLG - 1) * L
        tail_cols = (N_COLG - 1) * L + lanes

        def fill(c, stag_v):
            @plsc.parallel_loop(0, ROWS_PER_CHUNK, step=RU, unroll=5)
            def rowblk(r0):
                vidx = idx_v[0, pl.ds(c * ROWS_PER_CHUNK + r0, L)]
                for u in range(RU):
                    r = r0 + u
                    s = vidx[u] * LATENT_DIM
                    for g in range(N_COLG - 1):
                        stag_v[r, pl.ds(g * L, L)] = \
                            tab_v[pl.ds(s + g * L, L)]
                    vals = tab_v[pl.ds(s + (N_COLG - 1) * L, L)]
                    plsc.store_scatter(stag_v, [zeros + r, tail_cols],
                                       vals, mask=tail_mask)

        def chunk(c, carry):
            def phase(stag_v, sem):
                @pl.when(c >= NBUF)
                def _():
                    pltpu.make_async_copy(stag_v,
                                          out_hbm.at[base + c - NBUF],
                                          sem).wait()
                fill(c, stag_v)
                pltpu.async_copy(stag_v, out_hbm.at[base + c], sem)

            lax.switch(c % NBUF,
                       [functools.partial(phase, stags[i], sems[i])
                        for i in range(NBUF)])
            return carry

        lax.fori_loop(0, CHUNKS_PER_WORKER, chunk, 0)
        for k in range(CHUNKS_PER_WORKER - NBUF, CHUNKS_PER_WORKER):
            i = k % NBUF
            pltpu.make_async_copy(stags[i], out_hbm.at[base + k],
                                  sems[i]).wait()

    return gather_kernel


_sc_gather = _make_sc_gather()


@jax.jit
def kernel(z, features):
    zw = z.reshape(N_WORKERS, ROWS_PER_WORKER)
    zw = jnp.pad(zw, ((0, 0), (0, IDX_PAD - ROWS_PER_WORKER)))
    z3 = zw.reshape(N_WORKERS, 1, IDX_PAD)
    tab = jnp.pad(features.reshape(Z_DIM * LATENT_DIM),
                  (0, TAB_PAD - Z_DIM * LATENT_DIM))
    out = _sc_gather(z3, tab)
    return out.reshape(N_ATOMS, LATENT_DIM)

# --- scband reference (transcript-rebuilt; emitter-appended) ---
"""Pipeline reference for scband-atomic-number-encoding-27290222198791 (READ-ONLY COPY).

The authoritative reference and input builder live on the scoring server;
editing this copy changes nothing except your own understanding.
"""

import jax, jax.numpy as jnp
import numpy as np

Z_DIM = 101
LATENT_DIM = 92
N_ATOMS = 100000


def setup_inputs(seed: int = 0) -> dict:
    key = jax.random.key(seed)
    k1, k2 = jax.random.split(key)
    z = jax.random.randint(k1, (N_ATOMS,), 0, Z_DIM, dtype=jnp.int32)
    # Stand-in for the atom_init.json feature table (CGCNN-style: 101 x 92).
    # Frozen parameter in the original module (requires_grad=False).
    features = jax.random.normal(k2, (Z_DIM, LATENT_DIM), dtype=jnp.float32)
    return {"z": z, "features": features}


def reference(z, features):
    # AtomicNumberEncoding.forward: embedding lookup features[z]
    return jnp.take(features, z, axis=0)

if __name__ == "__main__":
    import jax
    _d = setup_inputs()
    print(jax.jit(kernel)(*tuple(_d.values())))

</pallas_src>

<mosaic_0001>
#map = affine_map<(d0, d1) -> (0, 0, 0)>
#map1 = affine_map<(d0, d1) -> (0)>
module attributes {stable_mosaic.version = 14 : i64} {
  func.func @gather_kernel(%arg0: i32, %arg1: i32, %arg2: memref<32x1x3136xi32, #tpu.memory_space<hbm>>, %arg3: memref<9312xf32, #tpu.memory_space<hbm>>, %arg4: memref<800x125x92xf32, #tpu.memory_space<hbm>>, %arg5: memref<9312xf32, #tpu.memory_space<vmem>>, %arg6: memref<1x3136xi32, #tpu.memory_space<vmem>>, %arg7: memref<125x92xf32, #tpu.memory_space<vmem>>, %arg8: memref<125x92xf32, #tpu.memory_space<vmem>>, %arg9: memref<!tpu.dma_semaphore, #tpu.memory_space<semaphore_mem>>, %arg10: memref<!tpu.dma_semaphore, #tpu.memory_space<semaphore_mem>>) attributes {dimension_semantics = [#tpu.dimension_semantics<core_parallel>, #tpu.dimension_semantics<subcore_parallel>], iteration_bounds = array<i64: 2, 16>, scalar_prefetch = 0 : i64, scratch_operands = 6 : i64, tpu.core_type = #tpu.core_type<sc_vector_subcore>, window_params = [{transform_indices = #map}, {transform_indices = #map1}, {transform_indices = #map}]} {
    %mul3A = arith.constant 2 : i32
    %mul3A_0 = arith.muli %arg1, %mul3A : i32
    %add3A = arith.addi %mul3A_0, %arg0 : i32
    %mul3A_1 = arith.constant 25 : i32
    %mul3A_2 = arith.muli %add3A, %mul3A_1 : i32
    "tpu.region"() ({
      %run_scoped3A = tpu.sem_alloc : memref<!tpu.dma_semaphore, #tpu.memory_space<semaphore_mem>>
      tpu.enqueue_dma source(%arg3 : memref<9312xf32, #tpu.memory_space<hbm>>) target(%arg5 : memref<9312xf32, #tpu.memory_space<vmem>>) target_semaphore(%run_scoped3A : memref<!tpu.dma_semaphore, #tpu.memory_space<semaphore_mem>>)
      tpu.wait_dma2 semaphore(%run_scoped3A : memref<!tpu.dma_semaphore, #tpu.memory_space<semaphore_mem>>) src(%arg3 : memref<9312xf32, #tpu.memory_space<hbm>>) dst(%arg5 : memref<9312xf32, #tpu.memory_space<vmem>>)
      tpu.yield
    }) : () -> ()
    "tpu.region"() ({
      %run_scoped3A = tpu.sem_alloc : memref<!tpu.dma_semaphore, #tpu.memory_space<semaphore_mem>>
      %dma_start3A = arith.constant 0 : i32
      %dma_start3A_33 = arith.constant 0 : i32
      %dma_start3A_34 = tpu.memref_slice %arg2[%add3A, %dma_start3A, %dma_start3A_33] : memref<32x1x3136xi32, #tpu.memory_space<hbm>> -> memref<1x1x3136xi32, #tpu.memory_space<hbm>>
      %dma_start3A_35 = tpu.memref_squeeze %dma_start3A_34 : memref<1x1x3136xi32, #tpu.memory_space<hbm>> -> memref<1x3136xi32, #tpu.memory_space<hbm>>
      %dma_start3A_36 = arith.constant 0 : i32
      %dma_start3A_37 = arith.constant 0 : i32
      %dma_start3A_38 = tpu.memref_slice %arg2[%add3A, %dma_start3A_36, %dma_start3A_37] : memref<32x1x3136xi32, #tpu.memory_space<hbm>> -> memref<1x1x3136xi32, #tpu.memory_space<hbm>>
      %dma_start3A_39 = tpu.memref_squeeze %dma_start3A_38 : memref<1x1x3136xi32, #tpu.memory_space<hbm>> -> memref<1x3136xi32, #tpu.memory_space<hbm>>
      tpu.enqueue_dma source(%dma_start3A_39 : memref<1x3136xi32, #tpu.memory_space<hbm>>) target(%arg6 : memref<1x3136xi32, #tpu.memory_space<vmem>>) target_semaphore(%run_scoped3A : memref<!tpu.dma_semaphore, #tpu.memory_space<semaphore_mem>>)
      %dma_wait3A_40 = arith.constant 0 : i32
      %dma_wait3A_41 = arith.constant 0 : i32
      %dma_wait3A_42 = tpu.memref_slice %arg2[%add3A, %dma_wait3A_40, %dma_wait3A_41] : memref<32x1x3136xi32, #tpu.memory_space<hbm>> -> memref<1x1x3136xi32, #tpu.memory_space<hbm>>
      %dma_wait3A_43 = tpu.memref_squeeze %dma_wait3A_42 : memref<1x1x3136xi32, #tpu.memory_space<hbm>> -> memref<1x3136xi32, #tpu.memory_space<hbm>>
      %dma_wait3A_44 = arith.constant 0 : i32
      %dma_wait3A_45 = arith.constant 0 : i32
      %dma_wait3A_46 = tpu.memref_slice %arg2[%add3A, %dma_wait3A_44, %dma_wait3A_45] : memref<32x1x3136xi32, #tpu.memory_space<hbm>> -> memref<1x1x3136xi32, #tpu.memory_space<hbm>>
      %dma_wait3A_47 = tpu.memref_squeeze %dma_wait3A_46 : memref<1x1x3136xi32, #tpu.memory_space<hbm>> -> memref<1x3136xi32, #tpu.memory_space<hbm>>
      tpu.wait_dma2 semaphore(%run_scoped3A : memref<!tpu.dma_semaphore, #tpu.memory_space<semaphore_mem>>) src(%dma_wait3A_47 : memref<1x3136xi32, #tpu.memory_space<hbm>>) dst(%arg6 : memref<1x3136xi32, #tpu.memory_space<vmem>>)
      tpu.yield
    }) : () -> ()
    %iota3A = tpu.iota {dimensions = array<i32: 0>} : vector<16xi32>
    %broadcast_in_dim3A = arith.constant 0 : i32
    %broadcast_in_dim3A_3 = vector.broadcast %broadcast_in_dim3A : i32 to vector<16xi32>
    %lt3A = arith.constant 12 : i32
    %lt3A_4 = vector.broadcast %lt3A : i32 to vector<16xi32>
    %lt3A_5 = arith.cmpi slt, %iota3A, %lt3A_4 : vector<16xi32>
    %add3A_6 = arith.constant 80 : i32
    %add3A_7 = vector.broadcast %add3A_6 : i32 to vector<16xi32>
    %add3A_8 = arith.addi %add3A_7, %iota3A : vector<16xi32>
    %scan3A = arith.constant 0 : i32
    %scan3A_9 = arith.constant 0 : i32
    %scan3A_10 = arith.constant 25 : i32
    %scan3A_11 = arith.addi %scan3A_9, %scan3A_10 : i32
    %scan3A_12 = arith.constant 1 : i32
    scf.for %scan3A_33 = %scan3A_9 to %scan3A_11 step %scan3A_12  : i32 {
      %jit3A = arith.constant 2 : i32
      %eq3A = arith.constant 0 : i32
      %eq3A_34 = arith.cmpi eq, %jit3A, %eq3A : i32
      %jit3A_35 = arith.constant 1 : i32
      %select_n3A = arith.select %eq3A_34, %jit3A_35, %jit3A : i32
      %rem3A = arith.remsi %scan3A_33, %select_n3A : i32
      %ne3A = arith.constant 0 : i32
      %ne3A_36 = arith.cmpi ne, %rem3A, %ne3A : i32
      %lt3A_37 = arith.constant 0 : i32
      %lt3A_38 = arith.cmpi slt, %rem3A, %lt3A_37 : i32
      %lt3A_39 = arith.constant 0 : i32
      %lt3A_40 = arith.cmpi slt, %select_n3A, %lt3A_39 : i32
      %ne3A_41 = arith.xori %lt3A_38, %lt3A_40 : i1
      %and3A = arith.andi %ne3A_41, %ne3A_36 : i1
      %add3A_42 = arith.addi %rem3A, %select_n3A : i32
      %select_n3A_43 = arith.select %and3A, %add3A_42, %rem3A : i32
      %clamp3A = arith.constant 0 : i32
      %clamp3A_44 = arith.constant 1 : i32
      %clamp3A_45 = arith.maxsi %select_n3A_43, %clamp3A : i32
      %clamp3A_46 = arith.minsi %clamp3A_45, %clamp3A_44 : i32
      %cond3A = arith.constant 0 : i32
      %cond3A_47 = arith.cmpi ne, %clamp3A_46, %cond3A : i32
      scf.if %cond3A_47 {
        %ge3A = arith.constant 2 : i32
        %ge3A_48 = arith.cmpi sge, %scan3A_33, %ge3A : i32
        %convert_element_type3A = arith.extui %ge3A_48 : i1 to i32
        %cond3A_49 = arith.constant 0 : i32
        %cond3A_50 = arith.cmpi ne, %convert_element_type3A, %cond3A_49 : i32
        scf.if %cond3A_50 {
          %add3A_61 = arith.addi %mul3A_2, %scan3A_33 : i32
          %sub3A = arith.constant 2 : i32
          %sub3A_62 = arith.subi %add3A_61, %sub3A : i32
          %dma_wait3A_63 = arith.constant 0 : i32
          %dma_wait3A_64 = arith.constant 0 : i32
          %dma_wait3A_65 = tpu.memref_slice %arg4[%sub3A_62, %dma_wait3A_63, %dma_wait3A_64] : memref<800x125x92xf32, #tpu.memory_space<hbm>> -> memref<1x125x92xf32, #tpu.memory_space<hbm>>
          %dma_wait3A_66 = tpu.memref_squeeze %dma_wait3A_65 : memref<1x125x92xf32, #tpu.memory_space<hbm>> -> memref<125x92xf32, #tpu.memory_space<hbm>>
          %dma_wait3A_67 = arith.constant 0 : i32
          %dma_wait3A_68 = arith.constant 0 : i32
          %dma_wait3A_69 = tpu.memref_slice %arg4[%sub3A_62, %dma_wait3A_67, %dma_wait3A_68] : memref<800x125x92xf32, #tpu.memory_space<hbm>> -> memref<1x125x92xf32, #tpu.memory_space<hbm>>
          %dma_wait3A_70 = tpu.memref_squeeze %dma_wait3A_69 : memref<1x125x92xf32, #tpu.memory_space<hbm>> -> memref<125x92xf32, #tpu.memory_space<hbm>>
          tpu.wait_dma2 semaphore(%arg10 : memref<!tpu.dma_semaphore, #tpu.memory_space<semaphore_mem>>) src(%arg8 : memref<125x92xf32, #tpu.memory_space<vmem>>) dst(%dma_wait3A_70 : memref<125x92xf32, #tpu.memory_space<hbm>>)
        } else {
        }
        %parallel_loop3A = arith.constant 0 : i32
        %parallel_loop3A_51 = arith.constant 125 : i32
        %parallel_loop3A_52 = arith.constant 5 : i32
        scf.for %parallel_loop3A_61 = %parallel_loop3A to %parallel_loop3A_51 step %parallel_loop3A_52  : i32 {
          %parallel_loop3A_62 = arith.constant 125 : i32
          %parallel_loop3A_63 = arith.muli %scan3A_33, %parallel_loop3A_62 : i32
          %parallel_loop3A_64 = arith.addi %parallel_loop3A_63, %parallel_loop3A_61 : i32
          %parallel_loop3A_65 = arith.constant 0 : i32
          %parallel_loop3A_66 = arith.index_cast %parallel_loop3A_65 : i32 to index
          %parallel_loop3A_67 = arith.index_cast %parallel_loop3A_64 : i32 to index
          %parallel_loop3A_68 = tpu.vector_load %arg6[%parallel_loop3A_66, %parallel_loop3A_67] {strides = array<i32>} : memref<1x3136xi32, #tpu.memory_space<vmem>>, vector<16xi32>,
          %parallel_loop3A_69 = arith.constant 0 : i32
          %parallel_loop3A_70 = arith.addi %parallel_loop3A_61, %parallel_loop3A_69 : i32
          %parallel_loop3A_71 = vector.extract_strided_slice %parallel_loop3A_68 {offsets = [0], sizes = [1], strides = [1]} : vector<16xi32> to vector<1xi32>
          %parallel_loop3A_72 = vector.extract %parallel_loop3A_71[0] : i32 from vector<1xi32>
          %parallel_loop3A_73 = arith.constant 92 : i32
          %parallel_loop3A_74 = arith.muli %parallel_loop3A_72, %parallel_loop3A_73 : i32
          %parallel_loop3A_75 = arith.constant 0 : i32
          %parallel_loop3A_76 = arith.addi %parallel_loop3A_74, %parallel_loop3A_75 : i32
          %parallel_loop3A_77 = arith.index_cast %parallel_loop3A_76 : i32 to index
          %parallel_loop3A_78 = tpu.vector_load %arg5[%parallel_loop3A_77] {strides = array<i32>} : memref<9312xf32, #tpu.memory_space<vmem>>, vector<16xf32>,
          %parallel_loop3A_79 = arith.index_cast %parallel_loop3A_70 : i32 to index
          %parallel_loop3A_80 = arith.constant 0 : index
          %parallel_loop3A_81 = tpu.vector_load %arg8[%parallel_loop3A_79, %parallel_loop3A_80] {strides = array<i32>} : memref<125x92xf32, #tpu.memory_space<vmem>>, vector<16xf32>,
          tpu.vector_store %arg8[%parallel_loop3A_79, %parallel_loop3A_80], %parallel_loop3A_78 {strides = array<i32>} : memref<125x92xf32, #tpu.memory_space<vmem>>, vector<16xf32>,
          %parallel_loop3A_82 = arith.constant 16 : i32
          %parallel_loop3A_83 = arith.addi %parallel_loop3A_74, %parallel_loop3A_82 : i32
          %parallel_loop3A_84 = arith.index_cast %parallel_loop3A_83 : i32 to index
          %parallel_loop3A_85 = tpu.vector_load %arg5[%parallel_loop3A_84] {strides = array<i32>} : memref<9312xf32, #tpu.memory_space<vmem>>, vector<16xf32>,
          %parallel_loop3A_86 = arith.index_cast %parallel_loop3A_70 : i32 to index
          %parallel_loop3A_87 = arith.constant 16 : index
          %parallel_loop3A_88 = tpu.vector_load %arg8[%parallel_loop3A_86, %parallel_loop3A_87] {strides = array<i32>} : memref<125x92xf32, #tpu.memory_space<vmem>>, vector<16xf32>,
          tpu.vector_store %arg8[%parallel_loop3A_86, %parallel_loop3A_87], %parallel_loop3A_85 {strides = array<i32>} : memref<125x92xf32, #tpu.memory_space<vmem>>, vector<16xf32>,
          %parallel_loop3A_89 = arith.constant 32 : i32
          %parallel_loop3A_90 = arith.addi %parallel_loop3A_74, %parallel_loop3A_89 : i32
          %parallel_loop3A_91 = arith.index_cast %parallel_loop3A_90 : i32 to index
          %parallel_loop3A_92 = tpu.vector_load %arg5[%parallel_loop3A_91] {strides = array<i32>} : memref<9312xf32, #tpu.memory_space<vmem>>, vector<16xf32>,
          %parallel_loop3A_93 = arith.index_cast %parallel_loop3A_70 : i32 to index
          %parallel_loop3A_94 = arith.constant 32 : index
          %parallel_loop3A_95 = tpu.vector_load %arg8[%parallel_loop3A_93, %parallel_loop3A_94] {strides = array<i32>} : memref<125x92xf32, #tpu.memory_space<vmem>>, vector<16xf32>,
          tpu.vector_store %arg8[%parallel_loop3A_93, %parallel_loop3A_94], %parallel_loop3A_92 {strides = array<i32>} : memref<125x92xf32, #tpu.memory_space<vmem>>, vector<16xf32>,
          %parallel_loop3A_96 = arith.constant 48 : i32
          %parallel_loop3A_97 = arith.addi %parallel_loop3A_74, %parallel_loop3A_96 : i32
          %parallel_loop3A_98 = arith.index_cast %parallel_loop3A_97 : i32 to index
          %parallel_loop3A_99 = tpu.vector_load %arg5[%parallel_loop3A_98] {strides = array<i32>} : memref<9312xf32, #tpu.memory_space<vmem>>, vector<16xf32>,
          %parallel_loop3A_100 = arith.index_cast %parallel_loop3A_70 : i32 to index
          %parallel_loop3A_101 = arith.constant 48 : index
          %parallel_loop3A_102 = tpu.vector_load %arg8[%parallel_loop3A_100, %parallel_loop3A_101] {strides = array<i32>} : memref<125x92xf32, #tpu.memory_space<vmem>>, vector<16xf32>,
          tpu.vector_store %arg8[%parallel_loop3A_100, %parallel_loop3A_101], %parallel_loop3A_99 {strides = array<i32>} : memref<125x92xf32, #tpu.memory_space<vmem>>, vector<16xf32>,
          %parallel_loop3A_103 = arith.constant 64 : i32
          %parallel_loop3A_104 = arith.addi %parallel_loop3A_74, %parallel_loop3A_103 : i32
          %parallel_loop3A_105 = arith.index_cast %parallel_loop3A_104 : i32 to index
          %parallel_loop3A_106 = tpu.vector_load %arg5[%parallel_loop3A_105] {strides = array<i32>} : memref<9312xf32, #tpu.memory_space<vmem>>, vector<16xf32>,
          %parallel_loop3A_107 = arith.index_cast %parallel_loop3A_70 : i32 to index
          %parallel_loop3A_108 = arith.constant 64 : index
          %parallel_loop3A_109 = tpu.vector_load %arg8[%parallel_loop3A_107, %parallel_loop3A_108] {strides = array<i32>} : memref<125x92xf32, #tpu.memory_space<vmem>>, vector<16xf32>,
          tpu.vector_store %arg8[%parallel_loop3A_107, %parallel_loop3A_108], %parallel_loop3A_106 {strides = array<i32>} : memref<125x92xf32, #tpu.memory_space<vmem>>, vector<16xf32>,
          %parallel_loop3A_110 = arith.constant 80 : i32
          %parallel_loop3A_111 = arith.addi %parallel_loop3A_74, %parallel_loop3A_110 : i32
          %parallel_loop3A_112 = arith.index_cast %parallel_loop3A_111 : i32 to index
          %parallel_loop3A_113 = tpu.vector_load %arg5[%parallel_loop3A_112] {strides = array<i32>} : memref<9312xf32, #tpu.memory_space<vmem>>, vector<16xf32>,
          %parallel_loop3A_114 = vector.broadcast %parallel_loop3A_70 : i32 to vector<16xi32>
          %parallel_loop3A_115 = arith.addi %broadcast_in_dim3A_3, %parallel_loop3A_114 : vector<16xi32>
          tpu.vector_store_idx %arg8[%parallel_loop3A_115, %add3A_8], %parallel_loop3A_113 masked %lt3A_5 : memref<125x92xf32, #tpu.memory_space<vmem>>[vector<16xi32>, vector<16xi32>], vector<16xf32>, vector<16xi1>
          %parallel_loop3A_116 = arith.constant 1 : i32
          %parallel_loop3A_117 = arith.addi %parallel_loop3A_61, %parallel_loop3A_116 : i32
          %parallel_loop3A_118 = vector.extract_strided_slice %parallel_loop3A_68 {offsets = [1], sizes = [1], strides = [1]} : vector<16xi32> to vector<1xi32>
          %parallel_loop3A_119 = vector.extract %parallel_loop3A_118[0] : i32 from vector<1xi32>
          %parallel_loop3A_120 = arith.constant 92 : i32
          %parallel_loop3A_121 = arith.muli %parallel_loop3A_119, %parallel_loop3A_120 : i32
          %parallel_loop3A_122 = arith.constant 0 : i32
          %parallel_loop3A_123 = arith.addi %parallel_loop3A_121, %parallel_loop3A_122 : i32
          %parallel_loop3A_124 = arith.index_cast %parallel_loop3A_123 : i32 to index
          %parallel_loop3A_125 = tpu.vector_load %arg5[%parallel_loop3A_124] {strides = array<i32>} : memref<9312xf32, #tpu.memory_space<vmem>>, vector<16xf32>,
          %parallel_loop3A_126 = arith.index_cast %parallel_loop3A_117 : i32 to index
          %parallel_loop3A_127 = arith.constant 0 : index
          %parallel_loop3A_128 = tpu.vector_load %arg8[%parallel_loop3A_126, %parallel_loop3A_127] {strides = array<i32>} : memref<125x92xf32, #tpu.memory_space<vmem>>, vector<16xf32>,
          tpu.vector_store %arg8[%parallel_loop3A_126, %parallel_loop3A_127], %parallel_loop3A_125 {strides = array<i32>} : memref<125x92xf32, #tpu.memory_space<vmem>>, vector<16xf32>,
          %parallel_loop3A_129 = arith.constant 16 : i32
          %parallel_loop3A_130 = arith.addi %parallel_loop3A_121, %parallel_loop3A_129 : i32
          %parallel_loop3A_131 = arith.index_cast %parallel_loop3A_130 : i32 to index
          %parallel_loop3A_132 = tpu.vector_load %arg5[%parallel_loop3A_131] {strides = array<i32>} : memref<9312xf32, #tpu.memory_space<vmem>>, vector<16xf32>,
          %parallel_loop3A_133 = arith.index_cast %parallel_loop3A_117 : i32 to index
          %parallel_loop3A_134 = arith.constant 16 : index
          %parallel_loop3A_135 = tpu.vector_load %arg8[%parallel_loop3A_133, %parallel_loop3A_134] {strides = array<i32>} : memref<125x92xf32, #tpu.memory_space<vmem>>, vector<16xf32>,
          tpu.vector_store %arg8[%parallel_loop3A_133, %parallel_loop3A_134], %parallel_loop3A_132 {strides = array<i32>} : memref<125x92xf32, #tpu.memory_space<vmem>>, vector<16xf32>,
          %parallel_loop3A_136 = arith.constant 32 : i32
          %parallel_loop3A_137 = arith.addi %parallel_loop3A_121, %parallel_loop3A_136 : i32
          %parallel_loop3A_138 = arith.index_cast %parallel_loop3A_137 : i32 to index
          %parallel_loop3A_139 = tpu.vector_load %arg5[%parallel_loop3A_138] {strides = array<i32>} : memref<9312xf32, #tpu.memory_space<vmem>>, vector<16xf32>,
          %parallel_loop3A_140 = arith.index_cast %parallel_loop3A_117 : i32 to index
          %parallel_loop3A_141 = arith.constant 32 : index
          %parallel_loop3A_142 = tpu.vector_load %arg8[%parallel_loop3A_140, %parallel_loop3A_141] {strides = array<i32>} : memref<125x92xf32, #tpu.memory_space<vmem>>, vector<16xf32>,
          tpu.vector_store %arg8[%parallel_loop3A_140, %parallel_loop3A_141], %parallel_loop3A_139 {strides = array<i32>} : memref<125x92xf32, #tpu.memory_space<vmem>>, vector<16xf32>,
          %parallel_loop3A_143 = arith.constant 48 : i32
          %parallel_loop3A_144 = arith.addi %parallel_loop3A_121, %parallel_loop3A_143 : i32
          %parallel_loop3A_145 = arith.index_cast %parallel_loop3A_144 : i32 to index
          %parallel_loop3A_146 = tpu.vector_load %arg5[%parallel_loop3A_145] {strides = array<i32>} : memref<9312xf32, #tpu.memory_space<vmem>>, vector<16xf32>,
          %parallel_loop3A_147 = arith.index_cast %parallel_loop3A_117 : i32 to index
          %parallel_loop3A_148 = arith.constant 48 : index
          %parallel_loop3A_149 = tpu.vector_load %arg8[%parallel_loop3A_147, %parallel_loop3A_148] {strides = array<i32>} : memref<125x92xf32, #tpu.memory_space<vmem>>, vector<16xf32>,
          tpu.vector_store %arg8[%parallel_loop3A_147, %parallel_loop3A_148], %parallel_loop3A_146 {strides = array<i32>} : memref<125x92xf32, #tpu.memory_space<vmem>>, vector<16xf32>,
          %parallel_loop3A_150 = arith.constant 64 : i32
          %parallel_loop3A_151 = arith.addi %parallel_loop3A_121, %parallel_loop3A_150 : i32
          %parallel_loop3A_152 = arith.index_cast %parallel_loop3A_151 : i32 to index
          %parallel_loop3A_153 = tpu.vector_load %arg5[%parallel_loop3A_152] {strides = array<i32>} : memref<9312xf32, #tpu.memory_space<vmem>>, vector<16xf32>,
          %parallel_loop3A_154 = arith.index_cast %parallel_loop3A_117 : i32 to index
          %parallel_loop3A_155 = arith.constant 64 : index
          %parallel_loop3A_156 = tpu.vector_load %arg8[%parallel_loop3A_154, %parallel_loop3A_155] {strides = array<i32>} : memref<125x92xf32, #tpu.memory_space<vmem>>, vector<16xf32>,
          tpu.vector_store %arg8[%parallel_loop3A_154, %parallel_loop3A_155], %parallel_loop3A_153 {strides = array<i32>} : memref<125x92xf32, #tpu.memory_space<vmem>>, vector<16xf32>,
          %parallel_loop3A_157 = arith.constant 80 : i32
          %parallel_loop3A_158 = arith.addi %parallel_loop3A_121, %parallel_loop3A_157 : i32
          %parallel_loop3A_159 = arith.index_cast %parallel_loop3A_158 : i32 to index
          %parallel_loop3A_160 = tpu.vector_load %arg5[%parallel_loop3A_159] {strides = array<i32>} : memref<9312xf32, #tpu.memory_space<vmem>>, vector<16xf32>,
          %parallel_loop3A_161 = vector.broadcast %parallel_loop3A_117 : i32 to vector<16xi32>
          %parallel_loop3A_162 = arith.addi %broadcast_in_dim3A_3, %parallel_loop3A_161 : vector<16xi32>
          tpu.vector_store_idx %arg8[%parallel_loop3A_162, %add3A_8], %parallel_loop3A_160 masked %lt3A_5 : memref<125x92xf32, #tpu.memory_space<vmem>>[vector<16xi32>, vector<16xi32>], vector<16xf32>, vector<16xi1>
          %parallel_loop3A_163 = arith.constant 2 : i32
          %parallel_loop3A_164 = arith.addi %parallel_loop3A_61, %parallel_loop3A_163 : i32
          %parallel_loop3A_165 = vector.extract_strided_slice %parallel_loop3A_68 {offsets = [2], sizes = [1], strides = [1]} : vector<16xi32> to vector<1xi32>
          %parallel_loop3A_166 = vector.extract %parallel_loop3A_165[0] : i32 from vector<1xi32>
          %parallel_loop3A_167 = arith.constant 92 : i32
          %parallel_loop3A_168 = arith.muli %parallel_loop3A_166, %parallel_loop3A_167 : i32
          %parallel_loop3A_169 = arith.constant 0 : i32
          %parallel_loop3A_170 = arith.addi %parallel_loop3A_168, %parallel_loop3A_169 : i32
          %parallel_loop3A_171 = arith.index_cast %parallel_loop3A_170 : i32 to index
          %parallel_loop3A_172 = tpu.vector_load %arg5[%parallel_loop3A_171] {strides = array<i32>} : memref<9312xf32, #tpu.memory_space<vmem>>, vector<16xf32>,
          %parallel_loop3A_173 = arith.index_cast %parallel_loop3A_164 : i32 to index
          %parallel_loop3A_174 = arith.constant 0 : index
          %parallel_loop3A_175 = tpu.vector_load %arg8[%parallel_loop3A_173, %parallel_loop3A_174] {strides = array<i32>} : memref<125x92xf32, #tpu.memory_space<vmem>>, vector<16xf32>,
          tpu.vector_store %arg8[%parallel_loop3A_173, %parallel_loop3A_174], %parallel_loop3A_172 {strides = array<i32>} : memref<125x92xf32, #tpu.memory_space<vmem>>, vector<16xf32>,
          %parallel_loop3A_176 = arith.constant 16 : i32
          %parallel_loop3A_177 = arith.addi %parallel_loop3A_168, %parallel_loop3A_176 : i32
          %parallel_loop3A_178 = arith.index_cast %parallel_loop3A_177 : i32 to index
          %parallel_loop3A_179 = tpu.vector_load %arg5[%parallel_loop3A_178] {strides = array<i32>} : memref<9312xf32, #tpu.memory_space<vmem>>, vector<16xf32>,
          %parallel_loop3A_180 = arith.index_cast %parallel_loop3A_164 : i32 to index
          %parallel_loop3A_181 = arith.constant 16 : index
          %parallel_loop3A_182 = tpu.vector_load %arg8[%parallel_loop3A_180, %parallel_loop3A_181] {strides = array<i32>} : memref<125x92xf32, #tpu.memory_space<vmem>>, vector<16xf32>,
          tpu.vector_store %arg8[%parallel_loop3A_180, %parallel_loop3A_181], %parallel_loop3A_179 {strides = array<i32>} : memref<125x92xf32, #tpu.memory_space<vmem>>, vector<16xf32>,
          %parallel_loop3A_183 = arith.constant 32 : i32
          %parallel_loop3A_184 = arith.addi %parallel_loop3A_168, %parallel_loop3A_183 : i32
          %parallel_loop3A_185 = arith.index_cast %parallel_loop3A_184 : i32 to index
          %parallel_loop3A_186 = tpu.vector_load %arg5[%parallel_loop3A_185] {strides = array<i32>} : memref<9312xf32, #tpu.memory_space<vmem>>, vector<16xf32>,
          %parallel_loop3A_187 = arith.index_cast %parallel_loop3A_164 : i32 to index
          %parallel_loop3A_188 = arith.constant 32 : index
          %parallel_loop3A_189 = tpu.vector_load %arg8[%parallel_loop3A_187, %parallel_loop3A_188] {strides = array<i32>} : memref<125x92xf32, #tpu.memory_space<vmem>>, vector<16xf32>,
          tpu.vector_store %arg8[%parallel_loop3A_187, %parallel_loop3A_188], %parallel_loop3A_186 {strides = array<i32>} : memref<125x92xf32, #tpu.memory_space<vmem>>, vector<16xf32>,
          %parallel_loop3A_190 = arith.constant 48 : i32
          %parallel_loop3A_191 = arith.addi %parallel_loop3A_168, %parallel_loop3A_190 : i32
          %parallel_loop3A_192 = arith.index_cast %parallel_loop3A_191 : i32 to index
          %parallel_loop3A_193 = tpu.vector_load %arg5[%parallel_loop3A_192] {strides = array<i32>} : memref<9312xf32, #tpu.memory_space<vmem>>, vector<16xf32>,
          %parallel_loop3A_194 = arith.index_cast %parallel_loop3A_164 : i32 to index
          %parallel_loop3A_195 = arith.constant 48 : index
          %parallel_loop3A_196 = tpu.vector_load %arg8[%parallel_loop3A_194, %parallel_loop3A_195] {strides = array<i32>} : memref<125x92xf32, #tpu.memory_space<vmem>>, vector<16xf32>,
          tpu.vector_store %arg8[%parallel_loop3A_194, %parallel_loop3A_195], %parallel_loop3A_193 {strides = array<i32>} : memref<125x92xf32, #tpu.memory_space<vmem>>, vector<16xf32>,
          %parallel_loop3A_197 = arith.constant 64 : i32
          %parallel_loop3A_198 = arith.addi %parallel_loop3A_168, %parallel_loop3A_197 : i32
          %parallel_loop3A_199 = arith.index_cast %parallel_loop3A_198 : i32 to index
          %parallel_loop3A_200 = tpu.vector_load %arg5[%parallel_loop3A_199] {strides = array<i32>} : memref<9312xf32, #tpu.memory_space<vmem>>, vector<16xf32>,
          %parallel_loop3A_201 = arith.index_cast %parallel_loop3A_164 : i32 to index
          %parallel_loop3A_202 = arith.constant 64 : index
          %parallel_loop3A_203 = tpu.vector_load %arg8[%parallel_loop3A_201, %parallel_loop3A_202] {strides = array<i32>} : memref<125x92xf32, #tpu.memory_space<vmem>>, vector<16xf32>,
          tpu.vector_store %arg8[%parallel_loop3A_201, %parallel_loop3A_202], %parallel_loop3A_200 {strides = array<i32>} : memref<125x92xf32, #tpu.memory_space<vmem>>, vector<16xf32>,
          %parallel_loop3A_204 = arith.constant 80 : i32
          %parallel_loop3A_205 = arith.addi %parallel_loop3A_168, %parallel_loop3A_204 : i32
          %parallel_loop3A_206 = arith.index_cast %parallel_loop3A_205 : i32 to index
          %parallel_loop3A_207 = tpu.vector_load %arg5[%parallel_loop3A_206] {strides = array<i32>} : memref<9312xf32, #tpu.memory_space<vmem>>, vector<16xf32>,
          %parallel_loop3A_208 = vector.broadcast %parallel_loop3A_164 : i32 to vector<16xi32>
          %parallel_loop3A_209 = arith.addi %broadcast_in_dim3A_3, %parallel_loop3A_208 : vector<16xi32>
          tpu.vector_store_idx %arg8[%parallel_loop3A_209, %add3A_8], %parallel_loop3A_207 masked %lt3A_5 : memref<125x92xf32, #tpu.memory_space<vmem>>[vector<16xi32>, vector<16xi32>], vector<16xf32>, vector<16xi1>
          %parallel_loop3A_210 = arith.constant 3 : i32
          %parallel_loop3A_211 = arith.addi %parallel_loop3A_61, %parallel_loop3A_210 : i32
          %parallel_loop3A_212 = vector.extract_strided_slice %parallel_loop3A_68 {offsets = [3], sizes = [1], strides = [1]} : vector<16xi32> to vector<1xi32>
          %parallel_loop3A_213 = vector.extract %parallel_loop3A_212[0] : i32 from vector<1xi32>
          %parallel_loop3A_214 = arith.constant 92 : i32
          %parallel_loop3A_215 = arith.muli %parallel_loop3A_213, %parallel_loop3A_214 : i32
          %parallel_loop3A_216 = arith.constant 0 : i32
          %parallel_loop3A_217 = arith.addi %parallel_loop3A_215, %parallel_loop3A_216 : i32
          %parallel_loop3A_218 = arith.index_cast %parallel_loop3A_217 : i32 to index
          %parallel_loop3A_219 = tpu.vector_load %arg5[%parallel_loop3A_218] {strides = array<i32>} : memref<9312xf32, #tpu.memory_space<vmem>>, vector<16xf32>,
          %parallel_loop3A_220 = arith.index_cast %parallel_loop3A_211 : i32 to index
          %parallel_loop3A_221 = arith.constant 0 : index
          %parallel_loop3A_222 = tpu.vector_load %arg8[%parallel_loop3A_220, %parallel_loop3A_221] {strides = array<i32>} : memref<125x92xf32, #tpu.memory_space<vmem>>, vector<16xf32>,
          tpu.vector_store %arg8[%parallel_loop3A_220, %parallel_loop3A_221], %parallel_loop3A_219 {strides = array<i32>} : memref<125x92xf32, #tpu.memory_space<vmem>>, vector<16xf32>,
          %parallel_loop3A_223 = arith.constant 16 : i32
          %parallel_loop3A_224 = arith.addi %parallel_loop3A_215, %parallel_loop3A_223 : i32
          %parallel_loop3A_225 = arith.index_cast %parallel_loop3A_224 : i32 to index
          %parallel_loop3A_226 = tpu.vector_load %arg5[%parallel_loop3A_225] {strides = array<i32>} : memref<9312xf32, #tpu.memory_space<vmem>>, vector<16xf32>,
          %parallel_loop3A_227 = arith.index_cast %parallel_loop3A_211 : i32 to index
          %parallel_loop3A_228 = arith.constant 16 : index
          %parallel_loop3A_229 = tpu.vector_load %arg8[%parallel_loop3A_227, %parallel_loop3A_228] {strides = array<i32>} : memref<125x92xf32, #tpu.memory_space<vmem>>, vector<16xf32>,
          tpu.vector_store %arg8[%parallel_loop3A_227, %parallel_loop3A_228], %parallel_loop3A_226 {strides = array<i32>} : memref<125x92xf32, #tpu.memory_space<vmem>>, vector<16xf32>,
          %parallel_loop3A_230 = arith.constant 32 : i32
          %parallel_loop3A_231 = arith.addi %parallel_loop3A_215, %parallel_loop3A_230 : i32
          %parallel_loop3A_232 = arith.index_cast %parallel_loop3A_231 : i32 to index
          %parallel_loop3A_233 = tpu.vector_load %arg5[%parallel_loop3A_232] {strides = array<i32>} : memref<9312xf32, #tpu.memory_space<vmem>>, vector<16xf32>,
          %parallel_loop3A_234 = arith.index_cast %parallel_loop3A_211 : i32 to index
          %parallel_loop3A_235 = arith.constant 32 : index
          %parallel_loop3A_236 = tpu.vector_load %arg8[%parallel_loop3A_234, %parallel_loop3A_235] {strides = array<i32>} : memref<125x92xf32, #tpu.memory_space<vmem>>, vector<16xf32>,
          tpu.vector_store %arg8[%parallel_loop3A_234, %parallel_loop3A_235], %parallel_loop3A_233 {strides = array<i32>} : memref<125x92xf32, #tpu.memory_space<vmem>>, vector<16xf32>,
          %parallel_loop3A_237 = arith.constant 48 : i32
          %parallel_loop3A_238 = arith.addi %parallel_loop3A_215, %parallel_loop3A_237 : i32
          %parallel_loop3A_239 = arith.index_cast %parallel_loop3A_238 : i32 to index
          %parallel_loop3A_240 = tpu.vector_load %arg5[%parallel_loop3A_239] {strides = array<i32>} : memref<9312xf32, #tpu.memory_space<vmem>>, vector<16xf32>,
          %parallel_loop3A_241 = arith.index_cast %parallel_loop3A_211 : i32 to index
          %parallel_loop3A_242 = arith.constant 48 : index
          %parallel_loop3A_243 = tpu.vector_load %arg8[%parallel_loop3A_241, %parallel_loop3A_242] {strides = array<i32>} : memref<125x92xf32, #tpu.memory_space<vmem>>, vector<16xf32>,
          tpu.vector_store %arg8[%parallel_loop3A_241, %parallel_loop3A_242], %parallel_loop3A_240 {strides = array<i32>} : memref<125x92xf32, #tpu.memory_space<vmem>>, vector<16xf32>,
          %parallel_loop3A_244 = arith.constant 64 : i32
          %parallel_loop3A_245 = arith.addi %parallel_loop3A_215, %parallel_loop3A_244 : i32
          %parallel_loop3A_246 = arith.index_cast %parallel_loop3A_245 : i32 to index
          %parallel_loop3A_247 = tpu.vector_load %arg5[%parallel_loop3A_246] {strides = array<i32>} : memref<9312xf32, #tpu.memory_space<vmem>>, vector<16xf32>,
          %parallel_loop3A_248 = arith.index_cast %parallel_loop3A_211 : i32 to index
          %parallel_loop3A_249 = arith.constant 64 : index
          %parallel_loop3A_250 = tpu.vector_load %arg8[%parallel_loop3A_248, %parallel_loop3A_249] {strides = array<i32>} : memref<125x92xf32, #tpu.memory_space<vmem>>, vector<16xf32>,
          tpu.vector_store %arg8[%parallel_loop3A_248, %parallel_loop3A_249], %parallel_loop3A_247 {strides = array<i32>} : memref<125x92xf32, #tpu.memory_space<vmem>>, vector<16xf32>,
          %parallel_loop3A_251 = arith.constant 80 : i32
          %parallel_loop3A_252 = arith.addi %parallel_loop3A_215, %parallel_loop3A_251 : i32
          %parallel_loop3A_253 = arith.index_cast %parallel_loop3A_252 : i32 to index
          %parallel_loop3A_254 = tpu.vector_load %arg5[%parallel_loop3A_253] {strides = array<i32>} : memref<9312xf32, #tpu.memory_space<vmem>>, vector<16xf32>,
          %parallel_loop3A_255 = vector.broadcast %parallel_loop3A_211 : i32 to vector<16xi32>
          %parallel_loop3A_256 = arith.addi %broadcast_in_dim3A_3, %parallel_loop3A_255 : vector<16xi32>
          tpu.vector_store_idx %arg8[%parallel_loop3A_256, %add3A_8], %parallel_loop3A_254 masked %lt3A_5 : memref<125x92xf32, #tpu.memory_space<vmem>>[vector<16xi32>, vector<16xi32>], vector<16xf32>, vector<16xi1>
          %parallel_loop3A_257 = arith.constant 4 : i32
          %parallel_loop3A_258 = arith.addi %parallel_loop3A_61, %parallel_loop3A_257 : i32
          %parallel_loop3A_259 = vector.extract_strided_slice %parallel_loop3A_68 {offsets = [4], sizes = [1], strides = [1]} : vector<16xi32> to vector<1xi32>
          %parallel_loop3A_260 = vector.extract %parallel_loop3A_259[0] : i32 from vector<1xi32>
          %parallel_loop3A_261 = arith.constant 92 : i32
          %parallel_loop3A_262 = arith.muli %parallel_loop3A_260, %parallel_loop3A_261 : i32
          %parallel_loop3A_263 = arith.constant 0 : i32
          %parallel_loop3A_264 = arith.addi %parallel_loop3A_262, %parallel_loop3A_263 : i32
          %parallel_loop3A_265 = arith.index_cast %parallel_loop3A_264 : i32 to index
          %parallel_loop3A_266 = tpu.vector_load %arg5[%parallel_loop3A_265] {strides = array<i32>} : memref<9312xf32, #tpu.memory_space<vmem>>, vector<16xf32>,
          %parallel_loop3A_267 = arith.index_cast %parallel_loop3A_258 : i32 to index
          %parallel_loop3A_268 = arith.constant 0 : index
          %parallel_loop3A_269 = tpu.vector_load %arg8[%parallel_loop3A_267, %parallel_loop3A_268] {strides = array<i32>} : memref<125x92xf32, #tpu.memory_space<vmem>>, vector<16xf32>,
          tpu.vector_store %arg8[%parallel_loop3A_267, %parallel_loop3A_268], %parallel_loop3A_266 {strides = array<i32>} : memref<125x92xf32, #tpu.memory_space<vmem>>, vector<16xf32>,
          %parallel_loop3A_270 = arith.constant 16 : i32
          %parallel_loop3A_271 = arith.addi %parallel_loop3A_262, %parallel_loop3A_270 : i32
          %parallel_loop3A_272 = arith.index_cast %parallel_loop3A_271 : i32 to index
          %parallel_loop3A_273 = tpu.vector_load %arg5[%parallel_loop3A_272] {strides = array<i32>} : memref<9312xf32, #tpu.memory_space<vmem>>, vector<16xf32>,
          %parallel_loop3A_274 = arith.index_cast %parallel_loop3A_258 : i32 to index
          %parallel_loop3A_275 = arith.constant 16 : index
          %parallel_loop3A_276 = tpu.vector_load %arg8[%parallel_loop3A_274, %parallel_loop3A_275] {strides = array<i32>} : memref<125x92xf32, #tpu.memory_space<vmem>>, vector<16xf32>,
          tpu.vector_store %arg8[%parallel_loop3A_274, %parallel_loop3A_275], %parallel_loop3A_273 {strides = array<i32>} : memref<125x92xf32, #tpu.memory_space<vmem>>, vector<16xf32>,
          %parallel_loop3A_277 = arith.constant 32 : i32
          %parallel_loop3A_278 = arith.addi %parallel_loop3A_262, %parallel_loop3A_277 : i32
          %parallel_loop3A_279 = arith.index_cast %parallel_loop3A_278 : i32 to index
          %parallel_loop3A_280 = tpu.vector_load %arg5[%parallel_loop3A_279] {strides = array<i32>} : memref<9312xf32, #tpu.memory_space<vmem>>, vector<16xf32>,
          %parallel_loop3A_281 = arith.index_cast %parallel_loop3A_258 : i32 to index
          %parallel_loop3A_282 = arith.constant 32 : index
          %parallel_loop3A_283 = tpu.vector_load %arg8[%parallel_loop3A_281, %parallel_loop3A_282] {strides = array<i32>} : memref<125x92xf32, #tpu.memory_space<vmem>>, vector<16xf32>,
          tpu.vector_store %arg8[%parallel_loop3A_281, %parallel_loop3A_282], %parallel_loop3A_280 {strides = array<i32>} : memref<125x92xf32, #tpu.memory_space<vmem>>, vector<16xf32>,
          %parallel_loop3A_284 = arith.constant 48 : i32
          %parallel_loop3A_285 = arith.addi %parallel_loop3A_262, %parallel_loop3A_284 : i32
          %parallel_loop3A_286 = arith.index_cast %parallel_loop3A_285 : i32 to index
          %parallel_loop3A_287 = tpu.vector_load %arg5[%parallel_loop3A_286] {strides = array<i32>} : memref<9312xf32, #tpu.memory_space<vmem>>, vector<16xf32>,
          %parallel_loop3A_288 = arith.index_cast %parallel_loop3A_258 : i32 to index
          %parallel_loop3A_289 = arith.constant 48 : index
          %parallel_loop3A_290 = tpu.vector_load %arg8[%parallel_loop3A_288, %parallel_loop3A_289] {strides = array<i32>} : memref<125x92xf32, #tpu.memory_space<vmem>>, vector<16xf32>,
          tpu.vector_store %arg8[%parallel_loop3A_288, %parallel_loop3A_289], %parallel_loop3A_287 {strides = array<i32>} : memref<125x92xf32, #tpu.memory_space<vmem>>, vector<16xf32>,
          %parallel_loop3A_291 = arith.constant 64 : i32
          %parallel_loop3A_292 = arith.addi %parallel_loop3A_262, %parallel_loop3A_291 : i32
          %parallel_loop3A_293 = arith.index_cast %parallel_loop3A_292 : i32 to index
          %parallel_loop3A_294 = tpu.vector_load %arg5[%parallel_loop3A_293] {strides = array<i32>} : memref<9312xf32, #tpu.memory_space<vmem>>, vector<16xf32>,
          %parallel_loop3A_295 = arith.index_cast %parallel_loop3A_258 : i32 to index
          %parallel_loop3A_296 = arith.constant 64 : index
          %parallel_loop3A_297 = tpu.vector_load %arg8[%parallel_loop3A_295, %parallel_loop3A_296] {strides = array<i32>} : memref<125x92xf32, #tpu.memory_space<vmem>>, vector<16xf32>,
          tpu.vector_store %arg8[%parallel_loop3A_295, %parallel_loop3A_296], %parallel_loop3A_294 {strides = array<i32>} : memref<125x92xf32, #tpu.memory_space<vmem>>, vector<16xf32>,
          %parallel_loop3A_298 = arith.constant 80 : i32
          %parallel_loop3A_299 = arith.addi %parallel_loop3A_262, %parallel_loop3A_298 : i32
          %parallel_loop3A_300 = arith.index_cast %parallel_loop3A_299 : i32 to index
          %parallel_loop3A_301 = tpu.vector_load %arg5[%parallel_loop3A_300] {strides = array<i32>} : memref<9312xf32, #tpu.memory_space<vmem>>, vector<16xf32>,
          %parallel_loop3A_302 = vector.broadcast %parallel_loop3A_258 : i32 to vector<16xi32>
          %parallel_loop3A_303 = arith.addi %broadcast_in_dim3A_3, %parallel_loop3A_302 : vector<16xi32>
          tpu.vector_store_idx %arg8[%parallel_loop3A_303, %add3A_8], %parallel_loop3A_301 masked %lt3A_5 : memref<125x92xf32, #tpu.memory_space<vmem>>[vector<16xi32>, vector<16xi32>], vector<16xf32>, vector<16xi1>
        } {sc.loop_unroll_factor = 5 : i64, sc.parallel_access}
        %add3A_53 = arith.addi %mul3A_2, %scan3A_33 : i32
        %dma_start3A = arith.constant 0 : i32
        %dma_start3A_54 = arith.constant 0 : i32
        %dma_start3A_55 = tpu.memref_slice %arg4[%add3A_53, %dma_start3A, %dma_start3A_54] : memref<800x125x92xf32, #tpu.memory_space<hbm>> -> memref<1x125x92xf32, #tpu.memory_space<hbm>>
        %dma_start3A_56 = tpu.memref_squeeze %dma_start3A_55 : memref<1x125x92xf32, #tpu.memory_space<hbm>> -> memref<125x92xf32, #tpu.memory_space<hbm>>
        %dma_start3A_57 = arith.constant 0 : i32
        %dma_start3A_58 = arith.constant 0 : i32
        %dma_start3A_59 = tpu.memref_slice %arg4[%add3A_53, %dma_start3A_57, %dma_start3A_58] : memref<800x125x92xf32, #tpu.memory_space<hbm>> -> memref<1x125x92xf32, #tpu.memory_space<hbm>>
        %dma_start3A_60 = tpu.memref_squeeze %dma_start3A_59 : memref<1x125x92xf32, #tpu.memory_space<hbm>> -> memref<125x92xf32, #tpu.memory_space<hbm>>
        tpu.enqueue_dma source(%arg8 : memref<125x92xf32, #tpu.memory_space<vmem>>) target(%dma_start3A_60 : memref<125x92xf32, #tpu.memory_space<hbm>>) target_semaphore(%arg10 : memref<!tpu.dma_semaphore, #tpu.memory_space<semaphore_mem>>)
      } else {
        %ge3A = arith.constant 2 : i32
        %ge3A_48 = arith.cmpi sge, %scan3A_33, %ge3A : i32
        %convert_element_type3A = arith.extui %ge3A_48 : i1 to i32
        %cond3A_49 = arith.constant 0 : i32
        %cond3A_50 = arith.cmpi ne, %convert_element_type3A, %cond3A_49 : i32
        scf.if %cond3A_50 {
          %add3A_61 = arith.addi %mul3A_2, %scan3A_33 : i32
          %sub3A = arith.constant 2 : i32
          %sub3A_62 = arith.subi %add3A_61, %sub3A : i32
          %dma_wait3A_63 = arith.constant 0 : i32
          %dma_wait3A_64 = arith.constant 0 : i32
          %dma_wait3A_65 = tpu.memref_slice %arg4[%sub3A_62, %dma_wait3A_63, %dma_wait3A_64] : memref<800x125x92xf32, #tpu.memory_space<hbm>> -> memref<1x125x92xf32, #tpu.memory_space<hbm>>
          %dma_wait3A_66 = tpu.memref_squeeze %dma_wait3A_65 : memref<1x125x92xf32, #tpu.memory_space<hbm>> -> memref<125x92xf32, #tpu.memory_space<hbm>>
          %dma_wait3A_67 = arith.constant 0 : i32
          %dma_wait3A_68 = arith.constant 0 : i32
          %dma_wait3A_69 = tpu.memref_slice %arg4[%sub3A_62, %dma_wait3A_67, %dma_wait3A_68] : memref<800x125x92xf32, #tpu.memory_space<hbm>> -> memref<1x125x92xf32, #tpu.memory_space<hbm>>
          %dma_wait3A_70 = tpu.memref_squeeze %dma_wait3A_69 : memref<1x125x92xf32, #tpu.memory_space<hbm>> -> memref<125x92xf32, #tpu.memory_space<hbm>>
          tpu.wait_dma2 semaphore(%arg9 : memref<!tpu.dma_semaphore, #tpu.memory_space<semaphore_mem>>) src(%arg7 : memref<125x92xf32, #tpu.memory_space<vmem>>) dst(%dma_wait3A_70 : memref<125x92xf32, #tpu.memory_space<hbm>>)
        } else {
        }
        %parallel_loop3A = arith.constant 0 : i32
        %parallel_loop3A_51 = arith.constant 125 : i32
        %parallel_loop3A_52 = arith.constant 5 : i32
        scf.for %parallel_loop3A_61 = %parallel_loop3A to %parallel_loop3A_51 step %parallel_loop3A_52  : i32 {
          %parallel_loop3A_62 = arith.constant 125 : i32
          %parallel_loop3A_63 = arith.muli %scan3A_33, %parallel_loop3A_62 : i32
          %parallel_loop3A_64 = arith.addi %parallel_loop3A_63, %parallel_loop3A_61 : i32
          %parallel_loop3A_65 = arith.constant 0 : i32
          %parallel_loop3A_66 = arith.index_cast %parallel_loop3A_65 : i32 to index
          %parallel_loop3A_67 = arith.index_cast %parallel_loop3A_64 : i32 to index
          %parallel_loop3A_68 = tpu.vector_load %arg6[%parallel_loop3A_66, %parallel_loop3A_67] {strides = array<i32>} : memref<1x3136xi32, #tpu.memory_space<vmem>>, vector<16xi32>,
          %parallel_loop3A_69 = arith.constant 0 : i32
          %parallel_loop3A_70 = arith.addi %parallel_loop3A_61, %parallel_loop3A_69 : i32
          %parallel_loop3A_71 = vector.extract_strided_slice %parallel_loop3A_68 {offsets = [0], sizes = [1], strides = [1]} : vector<16xi32> to vector<1xi32>
          %parallel_loop3A_72 = vector.extract %parallel_loop3A_71[0] : i32 from vector<1xi32>
          %parallel_loop3A_73 = arith.constant 92 : i32
          %parallel_loop3A_74 = arith.muli %parallel_loop3A_72, %parallel_loop3A_73 : i32
          %parallel_loop3A_75 = arith.constant 0 : i32
          %parallel_loop3A_76 = arith.addi %parallel_loop3A_74, %parallel_loop3A_75 : i32
          %parallel_loop3A_77 = arith.index_cast %parallel_loop3A_76 : i32 to index
          %parallel_loop3A_78 = tpu.vector_load %arg5[%parallel_loop3A_77] {strides = array<i32>} : memref<9312xf32, #tpu.memory_space<vmem>>, vector<16xf32>,
          %parallel_loop3A_79 = arith.index_cast %parallel_loop3A_70 : i32 to index
          %parallel_loop3A_80 = arith.constant 0 : index
          %parallel_loop3A_81 = tpu.vector_load %arg7[%parallel_loop3A_79, %parallel_loop3A_80] {strides = array<i32>} : memref<125x92xf32, #tpu.memory_space<vmem>>, vector<16xf32>,
          tpu.vector_store %arg7[%parallel_loop3A_79, %parallel_loop3A_80], %parallel_loop3A_78 {strides = array<i32>} : memref<125x92xf32, #tpu.memory_space<vmem>>, vector<16xf32>,
          %parallel_loop3A_82 = arith.constant 16 : i32
          %parallel_loop3A_83 = arith.addi %parallel_loop3A_74, %parallel_loop3A_82 : i32
          %parallel_loop3A_84 = arith.index_cast %parallel_loop3A_83 : i32 to index
          %parallel_loop3A_85 = tpu.vector_load %arg5[%parallel_loop3A_84] {strides = array<i32>} : memref<9312xf32, #tpu.memory_space<vmem>>, vector<16xf32>,
          %parallel_loop3A_86 = arith.index_cast %parallel_loop3A_70 : i32 to index
          %parallel_loop3A_87 = arith.constant 16 : index
          %parallel_loop3A_88 = tpu.vector_load %arg7[%parallel_loop3A_86, %parallel_loop3A_87] {strides = array<i32>} : memref<125x92xf32, #tpu.memory_space<vmem>>, vector<16xf32>,
          tpu.vector_store %arg7[%parallel_loop3A_86, %parallel_loop3A_87], %parallel_loop3A_85 {strides = array<i32>} : memref<125x92xf32, #tpu.memory_space<vmem>>, vector<16xf32>,
          %parallel_loop3A_89 = arith.constant 32 : i32
          %parallel_loop3A_90 = arith.addi %parallel_loop3A_74, %parallel_loop3A_89 : i32
          %parallel_loop3A_91 = arith.index_cast %parallel_loop3A_90 : i32 to index
          %parallel_loop3A_92 = tpu.vector_load %arg5[%parallel_loop3A_91] {strides = array<i32>} : memref<9312xf32, #tpu.memory_space<vmem>>, vector<16xf32>,
          %parallel_loop3A_93 = arith.index_cast %parallel_loop3A_70 : i32 to index
          %parallel_loop3A_94 = arith.constant 32 : index
          %parallel_loop3A_95 = tpu.vector_load %arg7[%parallel_loop3A_93, %parallel_loop3A_94] {strides = array<i32>} : memref<125x92xf32, #tpu.memory_space<vmem>>, vector<16xf32>,
          tpu.vector_store %arg7[%parallel_loop3A_93, %parallel_loop3A_94], %parallel_loop3A_92 {strides = array<i32>} : memref<125x92xf32, #tpu.memory_space<vmem>>, vector<16xf32>,
          %parallel_loop3A_96 = arith.constant 48 : i32
          %parallel_loop3A_97 = arith.addi %parallel_loop3A_74, %parallel_loop3A_96 : i32
          %parallel_loop3A_98 = arith.index_cast %parallel_loop3A_97 : i32 to index
          %parallel_loop3A_99 = tpu.vector_load %arg5[%parallel_loop3A_98] {strides = array<i32>} : memref<9312xf32, #tpu.memory_space<vmem>>, vector<16xf32>,
          %parallel_loop3A_100 = arith.index_cast %parallel_loop3A_70 : i32 to index
          %parallel_loop3A_101 = arith.constant 48 : index
          %parallel_loop3A_102 = tpu.vector_load %arg7[%parallel_loop3A_100, %parallel_loop3A_101] {strides = array<i32>} : memref<125x92xf32, #tpu.memory_space<vmem>>, vector<16xf32>,
          tpu.vector_store %arg7[%parallel_loop3A_100, %parallel_loop3A_101], %parallel_loop3A_99 {strides = array<i32>} : memref<125x92xf32, #tpu.memory_space<vmem>>, vector<16xf32>,
          %parallel_loop3A_103 = arith.constant 64 : i32
          %parallel_loop3A_104 = arith.addi %parallel_loop3A_74, %parallel_loop3A_103 : i32
          %parallel_loop3A_105 = arith.index_cast %parallel_loop3A_104 : i32 to index
          %parallel_loop3A_106 = tpu.vector_load %arg5[%parallel_loop3A_105] {strides = array<i32>} : memref<9312xf32, #tpu.memory_space<vmem>>, vector<16xf32>,
          %parallel_loop3A_107 = arith.index_cast %parallel_loop3A_70 : i32 to index
          %parallel_loop3A_108 = arith.constant 64 : index
          %parallel_loop3A_109 = tpu.vector_load %arg7[%parallel_loop3A_107, %parallel_loop3A_108] {strides = array<i32>} : memref<125x92xf32, #tpu.memory_space<vmem>>, vector<16xf32>,
          tpu.vector_store %arg7[%parallel_loop3A_107, %parallel_loop3A_108], %parallel_loop3A_106 {strides = array<i32>} : memref<125x92xf32, #tpu.memory_space<vmem>>, vector<16xf32>,
          %parallel_loop3A_110 = arith.constant 80 : i32
          %parallel_loop3A_111 = arith.addi %parallel_loop3A_74, %parallel_loop3A_110 : i32
          %parallel_loop3A_112 = arith.index_cast %parallel_loop3A_111 : i32 to index
          %parallel_loop3A_113 = tpu.vector_load %arg5[%parallel_loop3A_112] {strides = array<i32>} : memref<9312xf32, #tpu.memory_space<vmem>>, vector<16xf32>,
          %parallel_loop3A_114 = vector.broadcast %parallel_loop3A_70 : i32 to vector<16xi32>
          %parallel_loop3A_115 = arith.addi %broadcast_in_dim3A_3, %parallel_loop3A_114 : vector<16xi32>
          tpu.vector_store_idx %arg7[%parallel_loop3A_115, %add3A_8], %parallel_loop3A_113 masked %lt3A_5 : memref<125x92xf32, #tpu.memory_space<vmem>>[vector<16xi32>, vector<16xi32>], vector<16xf32>, vector<16xi1>
          %parallel_loop3A_116 = arith.constant 1 : i32
          %parallel_loop3A_117 = arith.addi %parallel_loop3A_61, %parallel_loop3A_116 : i32
          %parallel_loop3A_118 = vector.extract_strided_slice %parallel_loop3A_68 {offsets = [1], sizes = [1], strides = [1]} : vector<16xi32> to vector<1xi32>
          %parallel_loop3A_119 = vector.extract %parallel_loop3A_118[0] : i32 from vector<1xi32>
          %parallel_loop3A_120 = arith.constant 92 : i32
          %parallel_loop3A_121 = arith.muli %parallel_loop3A_119, %parallel_loop3A_120 : i32
          %parallel_loop3A_122 = arith.constant 0 : i32
          %parallel_loop3A_123 = arith.addi %parallel_loop3A_121, %parallel_loop3A_122 : i32
          %parallel_loop3A_124 = arith.index_cast %parallel_loop3A_123 : i32 to index
          %parallel_loop3A_125 = tpu.vector_load %arg5[%parallel_loop3A_124] {strides = array<i32>} : memref<9312xf32, #tpu.memory_space<vmem>>, vector<16xf32>,
          %parallel_loop3A_126 = arith.index_cast %parallel_loop3A_117 : i32 to index
          %parallel_loop3A_127 = arith.constant 0 : index
          %parallel_loop3A_128 = tpu.vector_load %arg7[%parallel_loop3A_126, %parallel_loop3A_127] {strides = array<i32>} : memref<125x92xf32, #tpu.memory_space<vmem>>, vector<16xf32>,
          tpu.vector_store %arg7[%parallel_loop3A_126, %parallel_loop3A_127], %parallel_loop3A_125 {strides = array<i32>} : memref<125x92xf32, #tpu.memory_space<vmem>>, vector<16xf32>,
          %parallel_loop3A_129 = arith.constant 16 : i32
          %parallel_loop3A_130 = arith.addi %parallel_loop3A_121, %parallel_loop3A_129 : i32
          %parallel_loop3A_131 = arith.index_cast %parallel_loop3A_130 : i32 to index
          %parallel_loop3A_132 = tpu.vector_load %arg5[%parallel_loop3A_131] {strides = array<i32>} : memref<9312xf32, #tpu.memory_space<vmem>>, vector<16xf32>,
          %parallel_loop3A_133 = arith.index_cast %parallel_loop3A_117 : i32 to index
          %parallel_loop3A_134 = arith.constant 16 : index
          %parallel_loop3A_135 = tpu.vector_load %arg7[%parallel_loop3A_133, %parallel_loop3A_134] {strides = array<i32>} : memref<125x92xf32, #tpu.memory_space<vmem>>, vector<16xf32>,
          tpu.vector_store %arg7[%parallel_loop3A_133, %parallel_loop3A_134], %parallel_loop3A_132 {strides = array<i32>} : memref<125x92xf32, #tpu.memory_space<vmem>>, vector<16xf32>,
          %parallel_loop3A_136 = arith.constant 32 : i32
          %parallel_loop3A_137 = arith.addi %parallel_loop3A_121, %parallel_loop3A_136 : i32
          %parallel_loop3A_138 = arith.index_cast %parallel_loop3A_137 : i32 to index
          %parallel_loop3A_139 = tpu.vector_load %arg5[%parallel_loop3A_138] {strides = array<i32>} : memref<9312xf32, #tpu.memory_space<vmem>>, vector<16xf32>,
          %parallel_loop3A_140 = arith.index_cast %parallel_loop3A_117 : i32 to index
          %parallel_loop3A_141 = arith.constant 32 : index
          %parallel_loop3A_142 = tpu.vector_load %arg7[%parallel_loop3A_140, %parallel_loop3A_141] {strides = array<i32>} : memref<125x92xf32, #tpu.memory_space<vmem>>, vector<16xf32>,
          tpu.vector_store %arg7[%parallel_loop3A_140, %parallel_loop3A_141], %parallel_loop3A_139 {strides = array<i32>} : memref<125x92xf32, #tpu.memory_space<vmem>>, vector<16xf32>,
          %parallel_loop3A_143 = arith.constant 48 : i32
          %parallel_loop3A_144 = arith.addi %parallel_loop3A_121, %parallel_loop3A_143 : i32
          %parallel_loop3A_145 = arith.index_cast %parallel_loop3A_144 : i32 to index
          %parallel_loop3A_146 = tpu.vector_load %arg5[%parallel_loop3A_145] {strides = array<i32>} : memref<9312xf32, #tpu.memory_space<vmem>>, vector<16xf32>,
          %parallel_loop3A_147 = arith.index_cast %parallel_loop3A_117 : i32 to index
          %parallel_loop3A_148 = arith.constant 48 : index
          %parallel_loop3A_149 = tpu.vector_load %arg7[%parallel_loop3A_147, %parallel_loop3A_148] {strides = array<i32>} : memref<125x92xf32, #tpu.memory_space<vmem>>, vector<16xf32>,
          tpu.vector_store %arg7[%parallel_loop3A_147, %parallel_loop3A_148], %parallel_loop3A_146 {strides = array<i32>} : memref<125x92xf32, #tpu.memory_space<vmem>>, vector<16xf32>,
          %parallel_loop3A_150 = arith.constant 64 : i32
          %parallel_loop3A_151 = arith.addi %parallel_loop3A_121, %parallel_loop3A_150 : i32
          %parallel_loop3A_152 = arith.index_cast %parallel_loop3A_151 : i32 to index
          %parallel_loop3A_153 = tpu.vector_load %arg5[%parallel_loop3A_152] {strides = array<i32>} : memref<9312xf32, #tpu.memory_space<vmem>>, vector<16xf32>,
          %parallel_loop3A_154 = arith.index_cast %parallel_loop3A_117 : i32 to index
          %parallel_loop3A_155 = arith.constant 64 : index
          %parallel_loop3A_156 = tpu.vector_load %arg7[%parallel_loop3A_154, %parallel_loop3A_155] {strides = array<i32>} : memref<125x92xf32, #tpu.memory_space<vmem>>, vector<16xf32>,
          tpu.vector_store %arg7[%parallel_loop3A_154, %parallel_loop3A_155], %parallel_loop3A_153 {strides = array<i32>} : memref<125x92xf32, #tpu.memory_space<vmem>>, vector<16xf32>,
          %parallel_loop3A_157 = arith.constant 80 : i32
          %parallel_loop3A_158 = arith.addi %parallel_loop3A_121, %parallel_loop3A_157 : i32
          %parallel_loop3A_159 = arith.index_cast %parallel_loop3A_158 : i32 to index
          %parallel_loop3A_160 = tpu.vector_load %arg5[%parallel_loop3A_159] {strides = array<i32>} : memref<9312xf32, #tpu.memory_space<vmem>>, vector<16xf32>,
          %parallel_loop3A_161 = vector.broadcast %parallel_loop3A_117 : i32 to vector<16xi32>
          %parallel_loop3A_162 = arith.addi %broadcast_in_dim3A_3, %parallel_loop3A_161 : vector<16xi32>
          tpu.vector_store_idx %arg7[%parallel_loop3A_162, %add3A_8], %parallel_loop3A_160 masked %lt3A_5 : memref<125x92xf32, #tpu.memory_space<vmem>>[vector<16xi32>, vector<16xi32>], vector<16xf32>, vector<16xi1>
          %parallel_loop3A_163 = arith.constant 2 : i32
          %parallel_loop3A_164 = arith.addi %parallel_loop3A_61, %parallel_loop3A_163 : i32
          %parallel_loop3A_165 = vector.extract_strided_slice %parallel_loop3A_68 {offsets = [2], sizes = [1], strides = [1]} : vector<16xi32> to vector<1xi32>
          %parallel_loop3A_166 = vector.extract %parallel_loop3A_165[0] : i32 from vector<1xi32>
          %parallel_loop3A_167 = arith.constant 92 : i32
          %parallel_loop3A_168 = arith.muli %parallel_loop3A_166, %parallel_loop3A_167 : i32
          %parallel_loop3A_169 = arith.constant 0 : i32
          %parallel_loop3A_170 = arith.addi %parallel_loop3A_168, %parallel_loop3A_169 : i32
          %parallel_loop3A_171 = arith.index_cast %parallel_loop3A_170 : i32 to index
          %parallel_loop3A_172 = tpu.vector_load %arg5[%parallel_loop3A_171] {strides = array<i32>} : memref<9312xf32, #tpu.memory_space<vmem>>, vector<16xf32>,
          %parallel_loop3A_173 = arith.index_cast %parallel_loop3A_164 : i32 to index
          %parallel_loop3A_174 = arith.constant 0 : index
          %parallel_loop3A_175 = tpu.vector_load %arg7[%parallel_loop3A_173, %parallel_loop3A_174] {strides = array<i32>} : memref<125x92xf32, #tpu.memory_space<vmem>>, vector<16xf32>,
          tpu.vector_store %arg7[%parallel_loop3A_173, %parallel_loop3A_174], %parallel_loop3A_172 {strides = array<i32>} : memref<125x92xf32, #tpu.memory_space<vmem>>, vector<16xf32>,
          %parallel_loop3A_176 = arith.constant 16 : i32
          %parallel_loop3A_177 = arith.addi %parallel_loop3A_168, %parallel_loop3A_176 : i32
          %parallel_loop3A_178 = arith.index_cast %parallel_loop3A_177 : i32 to index
          %parallel_loop3A_179 = tpu.vector_load %arg5[%parallel_loop3A_178] {strides = array<i32>} : memref<9312xf32, #tpu.memory_space<vmem>>, vector<16xf32>,
          %parallel_loop3A_180 = arith.index_cast %parallel_loop3A_164 : i32 to index
          %parallel_loop3A_181 = arith.constant 16 : index
          %parallel_loop3A_182 = tpu.vector_load %arg7[%parallel_loop3A_180, %parallel_loop3A_181] {strides = array<i32>} : memref<125x92xf32, #tpu.memory_space<vmem>>, vector<16xf32>,
          tpu.vector_store %arg7[%parallel_loop3A_180, %parallel_loop3A_181], %parallel_loop3A_179 {strides = array<i32>} : memref<125x92xf32, #tpu.memory_space<vmem>>, vector<16xf32>,
          %parallel_loop3A_183 = arith.constant 32 : i32
          %parallel_loop3A_184 = arith.addi %parallel_loop3A_168, %parallel_loop3A_183 : i32
          %parallel_loop3A_185 = arith.index_cast %parallel_loop3A_184 : i32 to index
          %parallel_loop3A_186 = tpu.vector_load %arg5[%parallel_loop3A_185] {strides = array<i32>} : memref<9312xf32, #tpu.memory_space<vmem>>, vector<16xf32>,
          %parallel_loop3A_187 = arith.index_cast %parallel_loop3A_164 : i32 to index
          %parallel_loop3A_188 = arith.constant 32 : index
          %parallel_loop3A_189 = tpu.vector_load %arg7[%parallel_loop3A_187, %parallel_loop3A_188] {strides = array<i32>} : memref<125x92xf32, #tpu.memory_space<vmem>>, vector<16xf32>,
          tpu.vector_store %arg7[%parallel_loop3A_187, %parallel_loop3A_188], %parallel_loop3A_186 {strides = array<i32>} : memref<125x92xf32, #tpu.memory_space<vmem>>, vector<16xf32>,
          %parallel_loop3A_190 = arith.constant 48 : i32
          %parallel_loop3A_191 = arith.addi %parallel_loop3A_168, %parallel_loop3A_190 : i32
          %parallel_loop3A_192 = arith.index_cast %parallel_loop3A_191 : i32 to index
          %parallel_loop3A_193 = tpu.vector_load %arg5[%parallel_loop3A_192] {strides = array<i32>} : memref<9312xf32, #tpu.memory_space<vmem>>, vector<16xf32>,
          %parallel_loop3A_194 = arith.index_cast %parallel_loop3A_164 : i32 to index
          %parallel_loop3A_195 = arith.constant 48 : index
          %parallel_loop3A_196 = tpu.vector_load %arg7[%parallel_loop3A_194, %parallel_loop3A_195] {strides = array<i32>} : memref<125x92xf32, #tpu.memory_space<vmem>>, vector<16xf32>,
          tpu.vector_store %arg7[%parallel_loop3A_194, %parallel_loop3A_195], %parallel_loop3A_193 {strides = array<i32>} : memref<125x92xf32, #tpu.memory_space<vmem>>, vector<16xf32>,
          %parallel_loop3A_197 = arith.constant 64 : i32
          %parallel_loop3A_198 = arith.addi %parallel_loop3A_168, %parallel_loop3A_197 : i32
          %parallel_loop3A_199 = arith.index_cast %parallel_loop3A_198 : i32 to index
          %parallel_loop3A_200 = tpu.vector_load %arg5[%parallel_loop3A_199] {strides = array<i32>} : memref<9312xf32, #tpu.memory_space<vmem>>, vector<16xf32>,
          %parallel_loop3A_201 = arith.index_cast %parallel_loop3A_164 : i32 to index
          %parallel_loop3A_202 = arith.constant 64 : index
          %parallel_loop3A_203 = tpu.vector_load %arg7[%parallel_loop3A_201, %parallel_loop3A_202] {strides = array<i32>} : memref<125x92xf32, #tpu.memory_space<vmem>>, vector<16xf32>,
          tpu.vector_store %arg7[%parallel_loop3A_201, %parallel_loop3A_202], %parallel_loop3A_200 {strides = array<i32>} : memref<125x92xf32, #tpu.memory_space<vmem>>, vector<16xf32>,
          %parallel_loop3A_204 = arith.constant 80 : i32
          %parallel_loop3A_205 = arith.addi %parallel_loop3A_168, %parallel_loop3A_204 : i32
          %parallel_loop3A_206 = arith.index_cast %parallel_loop3A_205 : i32 to index
          %parallel_loop3A_207 = tpu.vector_load %arg5[%parallel_loop3A_206] {strides = array<i32>} : memref<9312xf32, #tpu.memory_space<vmem>>, vector<16xf32>,
          %parallel_loop3A_208 = vector.broadcast %parallel_loop3A_164 : i32 to vector<16xi32>
          %parallel_loop3A_209 = arith.addi %broadcast_in_dim3A_3, %parallel_loop3A_208 : vector<16xi32>
          tpu.vector_store_idx %arg7[%parallel_loop3A_209, %add3A_8], %parallel_loop3A_207 masked %lt3A_5 : memref<125x92xf32, #tpu.memory_space<vmem>>[vector<16xi32>, vector<16xi32>], vector<16xf32>, vector<16xi1>
          %parallel_loop3A_210 = arith.constant 3 : i32
          %parallel_loop3A_211 = arith.addi %parallel_loop3A_61, %parallel_loop3A_210 : i32
          %parallel_loop3A_212 = vector.extract_strided_slice %parallel_loop3A_68 {offsets = [3], sizes = [1], strides = [1]} : vector<16xi32> to vector<1xi32>
          %parallel_loop3A_213 = vector.extract %parallel_loop3A_212[0] : i32 from vector<1xi32>
          %parallel_loop3A_214 = arith.constant 92 : i32
          %parallel_loop3A_215 = arith.muli %parallel_loop3A_213, %parallel_loop3A_214 : i32
          %parallel_loop3A_216 = arith.constant 0 : i32
          %parallel_loop3A_217 = arith.addi %parallel_loop3A_215, %parallel_loop3A_216 : i32
          %parallel_loop3A_218 = arith.index_cast %parallel_loop3A_217 : i32 to index
          %parallel_loop3A_219 = tpu.vector_load %arg5[%parallel_loop3A_218] {strides = array<i32>} : memref<9312xf32, #tpu.memory_space<vmem>>, vector<16xf32>,
          %parallel_loop3A_220 = arith.index_cast %parallel_loop3A_211 : i32 to index
          %parallel_loop3A_221 = arith.constant 0 : index
          %parallel_loop3A_222 = tpu.vector_load %arg7[%parallel_loop3A_220, %parallel_loop3A_221] {strides = array<i32>} : memref<125x92xf32, #tpu.memory_space<vmem>>, vector<16xf32>,
          tpu.vector_store %arg7[%parallel_loop3A_220, %parallel_loop3A_221], %parallel_loop3A_219 {strides = array<i32>} : memref<125x92xf32, #tpu.memory_space<vmem>>, vector<16xf32>,
          %parallel_loop3A_223 = arith.constant 16 : i32
          %parallel_loop3A_224 = arith.addi %parallel_loop3A_215, %parallel_loop3A_223 : i32
          %parallel_loop3A_225 = arith.index_cast %parallel_loop3A_224 : i32 to index
          %parallel_loop3A_226 = tpu.vector_load %arg5[%parallel_loop3A_225] {strides = array<i32>} : memref<9312xf32, #tpu.memory_space<vmem>>, vector<16xf32>,
          %parallel_loop3A_227 = arith.index_cast %parallel_loop3A_211 : i32 to index
          %parallel_loop3A_228 = arith.constant 16 : index
          %parallel_loop3A_229 = tpu.vector_load %arg7[%parallel_loop3A_227, %parallel_loop3A_228] {strides = array<i32>} : memref<125x92xf32, #tpu.memory_space<vmem>>, vector<16xf32>,
          tpu.vector_store %arg7[%parallel_loop3A_227, %parallel_loop3A_228], %parallel_loop3A_226 {strides = array<i32>} : memref<125x92xf32, #tpu.memory_space<vmem>>, vector<16xf32>,
          %parallel_loop3A_230 = arith.constant 32 : i32
          %parallel_loop3A_231 = arith.addi %parallel_loop3A_215, %parallel_loop3A_230 : i32
          %parallel_loop3A_232 = arith.index_cast %parallel_loop3A_231 : i32 to index
          %parallel_loop3A_233 = tpu.vector_load %arg5[%parallel_loop3A_232] {strides = array<i32>} : memref<9312xf32, #tpu.memory_space<vmem>>, vector<16xf32>,
          %parallel_loop3A_234 = arith.index_cast %parallel_loop3A_211 : i32 to index
          %parallel_loop3A_235 = arith.constant 32 : index
          %parallel_loop3A_236 = tpu.vector_load %arg7[%parallel_loop3A_234, %parallel_loop3A_235] {strides = array<i32>} : memref<125x92xf32, #tpu.memory_space<vmem>>, vector<16xf32>,
          tpu.vector_store %arg7[%parallel_loop3A_234, %parallel_loop3A_235], %parallel_loop3A_233 {strides = array<i32>} : memref<125x92xf32, #tpu.memory_space<vmem>>, vector<16xf32>,
          %parallel_loop3A_237 = arith.constant 48 : i32
          %parallel_loop3A_238 = arith.addi %parallel_loop3A_215, %parallel_loop3A_237 : i32
          %parallel_loop3A_239 = arith.index_cast %parallel_loop3A_238 : i32 to index
          %parallel_loop3A_240 = tpu.vector_load %arg5[%parallel_loop3A_239] {strides = array<i32>} : memref<9312xf32, #tpu.memory_space<vmem>>, vector<16xf32>,
          %parallel_loop3A_241 = arith.index_cast %parallel_loop3A_211 : i32 to index
          %parallel_loop3A_242 = arith.constant 48 : index
          %parallel_loop3A_243 = tpu.vector_load %arg7[%parallel_loop3A_241, %parallel_loop3A_242] {strides = array<i32>} : memref<125x92xf32, #tpu.memory_space<vmem>>, vector<16xf32>,
          tpu.vector_store %arg7[%parallel_loop3A_241, %parallel_loop3A_242], %parallel_loop3A_240 {strides = array<i32>} : memref<125x92xf32, #tpu.memory_space<vmem>>, vector<16xf32>,
          %parallel_loop3A_244 = arith.constant 64 : i32
          %parallel_loop3A_245 = arith.addi %parallel_loop3A_215, %parallel_loop3A_244 : i32
          %parallel_loop3A_246 = arith.index_cast %parallel_loop3A_245 : i32 to index
          %parallel_loop3A_247 = tpu.vector_load %arg5[%parallel_loop3A_246] {strides = array<i32>} : memref<9312xf32, #tpu.memory_space<vmem>>, vector<16xf32>,
          %parallel_loop3A_248 = arith.index_cast %parallel_loop3A_211 : i32 to index
          %parallel_loop3A_249 = arith.constant 64 : index
          %parallel_loop3A_250 = tpu.vector_load %arg7[%parallel_loop3A_248, %parallel_loop3A_249] {strides = array<i32>} : memref<125x92xf32, #tpu.memory_space<vmem>>, vector<16xf32>,
          tpu.vector_store %arg7[%parallel_loop3A_248, %parallel_loop3A_249], %parallel_loop3A_247 {strides = array<i32>} : memref<125x92xf32, #tpu.memory_space<vmem>>, vector<16xf32>,
          %parallel_loop3A_251 = arith.constant 80 : i32
          %parallel_loop3A_252 = arith.addi %parallel_loop3A_215, %parallel_loop3A_251 : i32
          %parallel_loop3A_253 = arith.index_cast %parallel_loop3A_252 : i32 to index
          %parallel_loop3A_254 = tpu.vector_load %arg5[%parallel_loop3A_253] {strides = array<i32>} : memref<9312xf32, #tpu.memory_space<vmem>>, vector<16xf32>,
          %parallel_loop3A_255 = vector.broadcast %parallel_loop3A_211 : i32 to vector<16xi32>
          %parallel_loop3A_256 = arith.addi %broadcast_in_dim3A_3, %parallel_loop3A_255 : vector<16xi32>
          tpu.vector_store_idx %arg7[%parallel_loop3A_256, %add3A_8], %parallel_loop3A_254 masked %lt3A_5 : memref<125x92xf32, #tpu.memory_space<vmem>>[vector<16xi32>, vector<16xi32>], vector<16xf32>, vector<16xi1>
          %parallel_loop3A_257 = arith.constant 4 : i32
          %parallel_loop3A_258 = arith.addi %parallel_loop3A_61, %parallel_loop3A_257 : i32
          %parallel_loop3A_259 = vector.extract_strided_slice %parallel_loop3A_68 {offsets = [4], sizes = [1], strides = [1]} : vector<16xi32> to vector<1xi32>
          %parallel_loop3A_260 = vector.extract %parallel_loop3A_259[0] : i32 from vector<1xi32>
          %parallel_loop3A_261 = arith.constant 92 : i32
          %parallel_loop3A_262 = arith.muli %parallel_loop3A_260, %parallel_loop3A_261 : i32
          %parallel_loop3A_263 = arith.constant 0 : i32
          %parallel_loop3A_264 = arith.addi %parallel_loop3A_262, %parallel_loop3A_263 : i32
          %parallel_loop3A_265 = arith.index_cast %parallel_loop3A_264 : i32 to index
          %parallel_loop3A_266 = tpu.vector_load %arg5[%parallel_loop3A_265] {strides = array<i32>} : memref<9312xf32, #tpu.memory_space<vmem>>, vector<16xf32>,
          %parallel_loop3A_267 = arith.index_cast %parallel_loop3A_258 : i32 to index
          %parallel_loop3A_268 = arith.constant 0 : index
          %parallel_loop3A_269 = tpu.vector_load %arg7[%parallel_loop3A_267, %parallel_loop3A_268] {strides = array<i32>} : memref<125x92xf32, #tpu.memory_space<vmem>>, vector<16xf32>,
          tpu.vector_store %arg7[%parallel_loop3A_267, %parallel_loop3A_268], %parallel_loop3A_266 {strides = array<i32>} : memref<125x92xf32, #tpu.memory_space<vmem>>, vector<16xf32>,
          %parallel_loop3A_270 = arith.constant 16 : i32
          %parallel_loop3A_271 = arith.addi %parallel_loop3A_262, %parallel_loop3A_270 : i32
          %parallel_loop3A_272 = arith.index_cast %parallel_loop3A_271 : i32 to index
          %parallel_loop3A_273 = tpu.vector_load %arg5[%parallel_loop3A_272] {strides = array<i32>} : memref<9312xf32, #tpu.memory_space<vmem>>, vector<16xf32>,
          %parallel_loop3A_274 = arith.index_cast %parallel_loop3A_258 : i32 to index
          %parallel_loop3A_275 = arith.constant 16 : index
          %parallel_loop3A_276 = tpu.vector_load %arg7[%parallel_loop3A_274, %parallel_loop3A_275] {strides = array<i32>} : memref<125x92xf32, #tpu.memory_space<vmem>>, vector<16xf32>,
          tpu.vector_store %arg7[%parallel_loop3A_274, %parallel_loop3A_275], %parallel_loop3A_273 {strides = array<i32>} : memref<125x92xf32, #tpu.memory_space<vmem>>, vector<16xf32>,
          %parallel_loop3A_277 = arith.constant 32 : i32
          %parallel_loop3A_278 = arith.addi %parallel_loop3A_262, %parallel_loop3A_277 : i32
          %parallel_loop3A_279 = arith.index_cast %parallel_loop3A_278 : i32 to index
          %parallel_loop3A_280 = tpu.vector_load %arg5[%parallel_loop3A_279] {strides = array<i32>} : memref<9312xf32, #tpu.memory_space<vmem>>, vector<16xf32>,
          %parallel_loop3A_281 = arith.index_cast %parallel_loop3A_258 : i32 to index
          %parallel_loop3A_282 = arith.constant 32 : index
          %parallel_loop3A_283 = tpu.vector_load %arg7[%parallel_loop3A_281, %parallel_loop3A_282] {strides = array<i32>} : memref<125x92xf32, #tpu.memory_space<vmem>>, vector<16xf32>,
          tpu.vector_store %arg7[%parallel_loop3A_281, %parallel_loop3A_282], %parallel_loop3A_280 {strides = array<i32>} : memref<125x92xf32, #tpu.memory_space<vmem>>, vector<16xf32>,
          %parallel_loop3A_284 = arith.constant 48 : i32
          %parallel_loop3A_285 = arith.addi %parallel_loop3A_262, %parallel_loop3A_284 : i32
          %parallel_loop3A_286 = arith.index_cast %parallel_loop3A_285 : i32 to index
          %parallel_loop3A_287 = tpu.vector_load %arg5[%parallel_loop3A_286] {strides = array<i32>} : memref<9312xf32, #tpu.memory_space<vmem>>, vector<16xf32>,
          %parallel_loop3A_288 = arith.index_cast %parallel_loop3A_258 : i32 to index
          %parallel_loop3A_289 = arith.constant 48 : index
          %parallel_loop3A_290 = tpu.vector_load %arg7[%parallel_loop3A_288, %parallel_loop3A_289] {strides = array<i32>} : memref<125x92xf32, #tpu.memory_space<vmem>>, vector<16xf32>,
          tpu.vector_store %arg7[%parallel_loop3A_288, %parallel_loop3A_289], %parallel_loop3A_287 {strides = array<i32>} : memref<125x92xf32, #tpu.memory_space<vmem>>, vector<16xf32>,
          %parallel_loop3A_291 = arith.constant 64 : i32
          %parallel_loop3A_292 = arith.addi %parallel_loop3A_262, %parallel_loop3A_291 : i32
          %parallel_loop3A_293 = arith.index_cast %parallel_loop3A_292 : i32 to index
          %parallel_loop3A_294 = tpu.vector_load %arg5[%parallel_loop3A_293] {strides = array<i32>} : memref<9312xf32, #tpu.memory_space<vmem>>, vector<16xf32>,
          %parallel_loop3A_295 = arith.index_cast %parallel_loop3A_258 : i32 to index
          %parallel_loop3A_296 = arith.constant 64 : index
          %parallel_loop3A_297 = tpu.vector_load %arg7[%parallel_loop3A_295, %parallel_loop3A_296] {strides = array<i32>} : memref<125x92xf32, #tpu.memory_space<vmem>>, vector<16xf32>,
          tpu.vector_store %arg7[%parallel_loop3A_295, %parallel_loop3A_296], %parallel_loop3A_294 {strides = array<i32>} : memref<125x92xf32, #tpu.memory_space<vmem>>, vector<16xf32>,
          %parallel_loop3A_298 = arith.constant 80 : i32
          %parallel_loop3A_299 = arith.addi %parallel_loop3A_262, %parallel_loop3A_298 : i32
          %parallel_loop3A_300 = arith.index_cast %parallel_loop3A_299 : i32 to index
          %parallel_loop3A_301 = tpu.vector_load %arg5[%parallel_loop3A_300] {strides = array<i32>} : memref<9312xf32, #tpu.memory_space<vmem>>, vector<16xf32>,
          %parallel_loop3A_302 = vector.broadcast %parallel_loop3A_258 : i32 to vector<16xi32>
          %parallel_loop3A_303 = arith.addi %broadcast_in_dim3A_3, %parallel_loop3A_302 : vector<16xi32>
          tpu.vector_store_idx %arg7[%parallel_loop3A_303, %add3A_8], %parallel_loop3A_301 masked %lt3A_5 : memref<125x92xf32, #tpu.memory_space<vmem>>[vector<16xi32>, vector<16xi32>], vector<16xf32>, vector<16xi1>
        } {sc.loop_unroll_factor = 5 : i64, sc.parallel_access}
        %add3A_53 = arith.addi %mul3A_2, %scan3A_33 : i32
        %dma_start3A = arith.constant 0 : i32
        %dma_start3A_54 = arith.constant 0 : i32
        %dma_start3A_55 = tpu.memref_slice %arg4[%add3A_53, %dma_start3A, %dma_start3A_54] : memref<800x125x92xf32, #tpu.memory_space<hbm>> -> memref<1x125x92xf32, #tpu.memory_space<hbm>>
        %dma_start3A_56 = tpu.memref_squeeze %dma_start3A_55 : memref<1x125x92xf32, #tpu.memory_space<hbm>> -> memref<125x92xf32, #tpu.memory_space<hbm>>
        %dma_start3A_57 = arith.constant 0 : i32
        %dma_start3A_58 = arith.constant 0 : i32
        %dma_start3A_59 = tpu.memref_slice %arg4[%add3A_53, %dma_start3A_57, %dma_start3A_58] : memref<800x125x92xf32, #tpu.memory_space<hbm>> -> memref<1x125x92xf32, #tpu.memory_space<hbm>>
        %dma_start3A_60 = tpu.memref_squeeze %dma_start3A_59 : memref<1x125x92xf32, #tpu.memory_space<hbm>> -> memref<125x92xf32, #tpu.memory_space<hbm>>
        tpu.enqueue_dma source(%arg7 : memref<125x92xf32, #tpu.memory_space<vmem>>) target(%dma_start3A_60 : memref<125x92xf32, #tpu.memory_space<hbm>>) target_semaphore(%arg9 : memref<!tpu.dma_semaphore, #tpu.memory_space<semaphore_mem>>)
      }
    }
    %scan3A_13 = arith.constant 25 : i32
    %add3A_14 = arith.constant 23 : i32
    %add3A_15 = arith.addi %mul3A_2, %add3A_14 : i32
    %dma_wait3A = arith.constant 0 : i32
    %dma_wait3A_16 = arith.constant 0 : i32
    %dma_wait3A_17 = tpu.memref_slice %arg4[%add3A_15, %dma_wait3A, %dma_wait3A_16] : memref<800x125x92xf32, #tpu.memory_space<hbm>> -> memref<1x125x92xf32, #tpu.memory_space<hbm>>
    %dma_wait3A_18 = tpu.memref_squeeze %dma_wait3A_17 : memref<1x125x92xf32, #tpu.memory_space<hbm>> -> memref<125x92xf32, #tpu.memory_space<hbm>>
    %dma_wait3A_19 = arith.constant 0 : i32
    %dma_wait3A_20 = arith.constant 0 : i32
    %dma_wait3A_21 = tpu.memref_slice %arg4[%add3A_15, %dma_wait3A_19, %dma_wait3A_20] : memref<800x125x92xf32, #tpu.memory_space<hbm>> -> memref<1x125x92xf32, #tpu.memory_space<hbm>>
    %dma_wait3A_22 = tpu.memref_squeeze %dma_wait3A_21 : memref<1x125x92xf32, #tpu.memory_space<hbm>> -> memref<125x92xf32, #tpu.memory_space<hbm>>
    tpu.wait_dma2 semaphore(%arg10 : memref<!tpu.dma_semaphore, #tpu.memory_space<semaphore_mem>>) src(%arg8 : memref<125x92xf32, #tpu.memory_space<vmem>>) dst(%dma_wait3A_22 : memref<125x92xf32, #tpu.memory_space<hbm>>)
    %add3A_23 = arith.constant 24 : i32
    %add3A_24 = arith.addi %mul3A_2, %add3A_23 : i32
    %dma_wait3A_25 = arith.constant 0 : i32
    %dma_wait3A_26 = arith.constant 0 : i32
    %dma_wait3A_27 = tpu.memref_slice %arg4[%add3A_24, %dma_wait3A_25, %dma_wait3A_26] : memref<800x125x92xf32, #tpu.memory_space<hbm>> -> memref<1x125x92xf32, #tpu.memory_space<hbm>>
    %dma_wait3A_28 = tpu.memref_squeeze %dma_wait3A_27 : memref<1x125x92xf32, #tpu.memory_space<hbm>> -> memref<125x92xf32, #tpu.memory_space<hbm>>
    %dma_wait3A_29 = arith.constant 0 : i32
    %dma_wait3A_30 = arith.constant 0 : i32
    %dma_wait3A_31 = tpu.memref_slice %arg4[%add3A_24, %dma_wait3A_29, %dma_wait3A_30] : memref<800x125x92xf32, #tpu.memory_space<hbm>> -> memref<1x125x92xf32, #tpu.memory_space<hbm>>
    %dma_wait3A_32 = tpu.memref_squeeze %dma_wait3A_31 : memref<1x125x92xf32, #tpu.memory_space<hbm>> -> memref<125x92xf32, #tpu.memory_space<hbm>>
    tpu.wait_dma2 semaphore(%arg9 : memref<!tpu.dma_semaphore, #tpu.memory_space<semaphore_mem>>) src(%arg7 : memref<125x92xf32, #tpu.memory_space<vmem>>) dst(%dma_wait3A_32 : memref<125x92xf32, #tpu.memory_space<hbm>>)
    return
  }
}

</mosaic_0001>

<sc_bundles>
// kernel: kernel.3.cloned.1.call-start
scs
__scs_entry_jumppad:
0x0: {  	(pc) =	sbr.rel $0x88, $3  }
0x1: {  	(tag) =	ssettag $0x0;
	lr =	simm.s32 $0x1  }
0x2: {  	[smem:$0x3F9F] =	sst lr;
	_ =	strace $0xD0000000  }
0x3: {  	_ = 	snop  }
0x4: {  	_ = 	snop  }
0x5: {  	_ = 	snop  }
0x6: {  	_ = 	snop  }
0x7: {  	_ = 	snop  }
__scs_overlays_trampoline_lowered:
0x8: {  	[smem:$0x3FAE] =	sst s0  }
0x9: {  	[smem:$0x3FAF] =	sst s1  }
0xa: {  	[smem:$0x3FB0] =	sst s2  }
0xb: {  	[smem:$0x3FB1] =	sst s3  }
0xc: {  	[smem:$0x3FB2] =	sst s4  }
0xd: {  	[smem:$0x3FB3] =	sst s5  }
0xe: {  	[smem:$0x3FB4] =	sst s6  }
0xf: {  	[smem:$0x3FB5] =	sst s7  }
0x10: {  	[smem:$0x3FB6] =	sst s8  }
0x11: {  	[smem:$0x3FB7] =	sst s9;
	s0 =	simm.s32 @!p0 $0x0  }
0x12: {  	s1 =	sld [smem:$0x3F9D];
	s0 =	simm.s32 @p0 $0x1  }
0x13: {  	[smem:$0x3FB8] =	sst s0;
	s0 =	simm.s32 @!p1 $0x0  }
0x14: {  	s2 =	sld [smem:$0x3F9C];
	s0 =	simm.s32 @p1 $0x1  }
0x15: {  	[smem:$0x3FB9] =	sst s0;
	s0 =	simm.s32 @!p2 $0x0  }
0x16: {  	s3 =	sld [smem:$0x3FDB];
	s0 =	simm.s32 @p2 $0x1  }
0x17: {  	s4 =	simm.s32 $0x1BF5;
	[smem:$0x3FBB] =	sst s0  }
0x18: {  	s0 =	sld [smem:$0x3F9E];
	_ =	swait.ge [sflag:s4], $0x0  }
0x19: {  	s7 =	sld [smem:$0x3F9F]  }
0x1a: {  	s8 =	sadd.s32 $0xFFFFE003, lr  }
0x1b: {  	s9 =	sadd.s32 $0xFFFFFEF7, lr;
	s5 =	simm.s32 $0xFFFFFFFF;
	p2 =	slt.u32 s8, $0xFFFFF086  }
0x1c: {  	p1 =	slt.u32 s9, $0xF7A;
	s5 =	simm.s32 @!p2 $0x0  }
0x1d: {  	s5 =	simm.s32 @p1 $0x1;
	p0 =	seq.s32 s7, s2  }
0x1e: {  	s7 =	smul.u32 @!p0 $0xF7A, s2;
	p2 =	seq.s32 @!p0 s5, $0x0  }
0x1f: {  	s9 =	smul.u32 $0xF7A, s1;
	s8 =	simm.s32 @!p0 $0x1BF5;
	p2 =	por !p2, p0  }
0x20: {  	[sflag:s8] =	ssyncset.s32 @!p0 $0xFFFFF086;
	s6 =	sadd.s32 @!p0 s3, s7;
	s7 =	simm.s32 @!p0 $0x108  }
0x21: {  	s3 =	sadd.s32 s3, s9;
	s6 =	sadd.s32 @!p0 $0x88, s6;
	s7 =	simm.s32 @p2 $0x1082  }
0x22: {  	[simem:s7], [sflag:s8] =	dma.local @!p0 [hbm:s6], $0xF7A  }
0x23: {  	s9 =	sor.u32 $0xD0000000, s2;
	s6 =	simm.s32 $0x108;
	_ =	swait.ge @!p0 [sflag:s8], $0x0  }
0x24: {  	s3 =	sadd.s32 $0x88, s3;
	s6 =	simm.s32 @!p1 $0x1082;
	[sflag:s4] =	ssyncset.s32 $0xFFFFF086  }
0x25: {  	[simem:s6], [sflag:s4] =	dma.local [hbm:s3], $0xF7A  }
0x26: {  	[smem:$0x3F9F] =	sst s1;
	(tag) =	ssettag s2;
	_ =	strace s9  }
0x27: {  	s1 =	sld [smem:$0x3FAF]  }
0x28: {  	s2 =	sld [smem:$0x3FB0]  }
0x29: {  	s4 =	sld [smem:$0x3FB2]  }
0x2a: {  	p0 =	seq.s32 s5, $0x0;
	s5 =	sld [smem:$0x3FB3]  }
0x2b: {  	s6 =	sld [smem:$0x3FB4]  }
0x2c: {  	s7 =	sld [smem:$0x3FB5]  }
0x2d: {  	s3 =	simm.s32 $0x108;
	s8 =	sld [smem:$0x3FB6]  }
0x2e: {  	s3 =	simm.s32 @!p0 $0x1082;
	s9 =	sld [smem:$0x3FB7]  }
0x2f: {  	lr =	sadd.s32 s0, s3;
	s0 =	sld [smem:$0x3FAE]  }
0x30: {  	s3 =	sld [smem:$0x3FB1]  }
0x31: {  	[smem:$0x3FBA] =	sst s10  }
0x32: {  	s10 =	sld [smem:$0x3FB8];
	_ =	sdelay $0x3  }
0x33: {  	p0 =	seq.s32 s10, $0x1;
	s10 =	sld [smem:$0x3FBA];
	_ =	sdelay $0x3  }
0x34: {  	[smem:$0x3FBA] =	sst s10  }
0x35: {  	s10 =	sld [smem:$0x3FB9];
	_ =	sdelay $0x3  }
0x36: {  	p1 =	seq.s32 s10, $0x1;
	s10 =	sld [smem:$0x3FBA];
	_ =	sdelay $0x3  }
0x37: {  	[smem:$0x3FBA] =	sst s10  }
0x38: {  	s10 =	sld [smem:$0x3FBB]  }
0x39: {  	_ = 	snop;
	(pc) =	sbr.ind lr, $3  }
0x3a: {  	_ = 	snop  }
0x3b: {  	_ = 	snop  }
0x3c: {  	p2 =	seq.s32 s10, $0x1;
	s10 =	sld [smem:$0x3FBA]  }
0x3d: {  	_ =	shalt  }
0x3e: {  	_ =	shalt  }
0x3f: {  	_ =	shalt  }
0x40: {  	_ =	shalt  }
0x41: {  	_ =	shalt  }
0x42: {  	_ =	shalt  }
0x43: {  	_ =	shalt  }
0x44: {  	_ =	shalt  }
0x45: {  	_ =	shalt  }
0x46: {  	_ =	shalt  }
0x47: {  	_ =	shalt  }
0x48: {  	_ =	shalt  }
0x49: {  	_ =	shalt  }
0x4a: {  	_ =	shalt  }
0x4b: {  	_ =	shalt  }
0x4c: {  	_ =	shalt  }
0x4d: {  	_ =	shalt  }
0x4e: {  	_ =	shalt  }
0x4f: {  	_ =	shalt  }
0x50: {  	_ =	shalt  }
0x51: {  	_ =	shalt  }
0x52: {  	_ =	shalt  }
0x53: {  	_ =	shalt  }
0x54: {  	_ =	shalt  }
0x55: {  	_ =	shalt  }
0x56: {  	_ =	shalt  }
0x57: {  	_ =	shalt  }
0x58: {  	_ =	shalt  }
0x59: {  	_ =	shalt  }
0x5a: {  	_ =	shalt  }
0x5b: {  	_ =	shalt  }
0x5c: {  	_ =	shalt  }
0x5d: {  	_ =	shalt  }
0x5e: {  	_ =	shalt  }
0x5f: {  	_ =	shalt  }
0x60: {  	_ =	shalt  }
0x61: {  	_ =	shalt  }
0x62: {  	_ =	shalt  }
0x63: {  	_ =	shalt  }
0x64: {  	_ =	shalt  }
0x65: {  	_ =	shalt  }
0x66: {  	_ =	shalt  }
0x67: {  	_ =	shalt  }
0x68: {  	_ =	shalt  }
0x69: {  	_ =	shalt  }
0x6a: {  	_ =	shalt  }
0x6b: {  	_ =	shalt  }
0x6c: {  	_ =	shalt  }
0x6d: {  	_ =	shalt  }
0x6e: {  	_ =	shalt  }
0x6f: {  	_ =	shalt  }
0x70: {  	_ =	shalt  }
0x71: {  	_ =	shalt  }
0x72: {  	_ =	shalt  }
0x73: {  	_ =	shalt  }
0x74: {  	_ =	shalt  }
0x75: {  	_ =	shalt  }
0x76: {  	_ =	shalt  }
0x77: {  	_ =	shalt  }
0x78: {  	_ =	shalt  }
0x79: {  	_ =	shalt  }
0x7a: {  	_ =	shalt  }
0x7b: {  	_ =	shalt  }
0x7c: {  	_ =	shalt  }
0x7d: {  	_ =	shalt  }
0x7e: {  	_ =	shalt  }
0x7f: {  	_ =	shalt  }
0x80: {  	_ =	shalt  }
0x81: {  	_ =	shalt  }
0x82: {  	_ =	shalt  }
0x83: {  	_ =	shalt  }
0x84: {  	_ =	shalt  }
0x85: {  	_ =	shalt  }
0x86: {  	_ =	shalt  }
0x87: {  	_ =	shalt  }
.Lfunc_end0:
.L_simem_size_0:
called_computation.1_lowered:
.L_overlay_start_0:
0x88: {  	s2 =	sld [smem:$0x3FD9]  }
0x89: {  	s3 =	sld [smem:$0x3FFE];
	_ =	sdelay $0x1  }
0x8a: {  	s1 =	srdreg.scid  }
0x8b: {  	s0 =	sand.u32 $0x1, s1  }
0x8c: {  	s17 =	sshll.u32 s0, $0xA;
	s2 =	sadd.s32 s3, s2  }
0x8d: {  	s2 =	sadd.s32 s2, s17  }
0x8e: {  	[smem:$0x3FC6] =	sst s2  }
0x8f: {  	_ = 	snop  }
0x90: {  	s2 =	sld [smem:$0x3FD0];
	(tm) =	ssettm $0x1  }
0x91: {  	s18 =	sld [smem:$0x3FFB];
	_ =	sdelay $0x3  }
0x92: {  	_ =	strace s18  }
0x93: {  	s3 =	sld [smem:$0x3FFC];
	_ =	sdelay $0x3  }
0x94: {  	_ =	strace s3  }
0x95: {  	s3 =	sld [smem:$0x3FFD];
	_ =	sdelay $0x3  }
0x96: {  	_ =	strace s3  }
0x97: {  	_ =	strace $0x8FFFFFFF  }
0x98: {  	s19 =	sld [smem:$0x3FDB];
	_ =	sdelay $0x1  }
0x99: {  	s4 =	simm.s32 $_scs_section_size  }
0x9a: {  	s5 =	simm.s32 $_size__tile_overlayer_lowered;
	s6 =	simm.s32 $_tile_overlayer_lowered  }
0x9b: {  	s22 =	simm.s32 $0x1BFF;
	s21 =	sshll.u32 s6, $0x1;
	s3 =	sadd.s32 s4, s19  }
0x9c: {  	s7 =	simm.s32 $0x0;
	s20 =	sshll.u32 s5, $0x1;
	s5 =	sadd.s32 s21, s3  }
0x9d: {  	[timem:s7], [sflag:s22] =	dma.local [hbm:s5], s20  }
0x9e: {  	_ =	swait.ge [sflag:s22], s20  }
0x9f: {  	s4 =	ssub.s32 $0x0, s20;
	[sflag:s22] =	ssyncset.done $0x0  }
0xa0: {  	[sflag:s22] =	ssyncadd.s32 s4;
	_ =	sdelay $0x1  }
0xa1: {  	s23 =	simm.s32 $0x1B8B  }
0xa2: {  	_ =	swait.ge [sflag:s23], $0x1  }
0xa3: {  	[sflag:s23] =	ssyncset.done $0x0  }
0xa4: {  	s25 =	simm.s32 $0x1B8E;
	s24 =	sld [smem:$0x3FFE];
	[sflag:s23] =	ssyncadd.s32 $0xFFFFFFFF  }
0xa5: {  	s26 =	simm.s32 $execute0_lowered;
	[smem:$0x3FD2] =	sst s25  }
0xa6: {  	s5 =	sshll.u32 s26, $0x1;
	_ =	strace $0x80000046;
	[dreg:$0x1] =	wrdreg $0xFFFFFFFF  }
0xa7: {  	s28 =	simm.s32 $_size_execute0_lowered;
	s3 =	sadd.s32 s3, s5;
	[dreg:$0x0] =	wrdreg $0x0  }
0xa8: {  	s5 =	sshll.u32 s28, $0x1;
	[dreg:$0x2] =	wrdreg s3  }
0xa9: {  	[dreg:$0x3] =	wrdreg s5  }
0xaa: {  	[dreg:$0x4] =	wrdreg $0xC0  }
0xab: {  	_ =	task [dreg:s7], $0x5FFFF  }
0xac: {  	[dreg:$0x1] =	wrdreg $0xFFFFFFFF  }
0xad: {  	[dreg:$0x0] =	wrdreg $0x60  }
0xae: {  	[dreg:$0x2] =	wrdreg s24  }
0xaf: {  	[dreg:$0x3] =	wrdreg s2  }
0xb0: {  	[dreg:$0x4] =	wrdreg $0x9  }
0xb1: {  	_ =	task.clear_ibuf [dreg:s7], $0x5FFFF;
	_ =	strace $0x90000046  }
0xb2: {  	s29 =	simm.s32 $0x9;
	_ =	strace $0x80000048  }
0xb3: {  	_ =	swait.ge [sflag:s29], $0x1  }
0xb4: {  	[sflag:s29] =	ssyncadd.s32 $0xFFFFFFFF  }
0xb5: {  	_ =	strace $0x90000048  }
0xb6: {  	_ =	sfence  }
0xb7: {  	s30 =	sld [smem:$0x0];
	_ =	sdelay $0x2  }
0xb8: {  	s31 =	sshll.u32 s1, $0xD;
	s1 =	sshrl.u32 s1, $0x2  }
0xb9: {  	s3 =	sand.u32 $0x4000, s31;
	s1 =	sadd.s32 s1, s30  }
0xba: {  	s0 =	sor.u32 s3, s0;
	s1 =	sshll.u32 s1, $0x11  }
0xbb: {  	s0 =	sor.u32 s1, s0  }
0xbc: {  	s0 =	sadd.s32 $0x8F2B, s0  }
0xbd: {  	[sflag:s0] =	ssyncadd.remote.s32 $0x1  }
0xbe: {  	_ =	sfence.sel $0xFFFF  }
0xbf: {  	[dreg:$0x0] =	wrdreg $0xFFFFFFFF;
	(pc) =	sbr.abs _section_cstart, $3  }
0xc0: {  	[dreg:$0x1] =	wrdreg $0xFFFFFFFF  }
0xc1: {  	_ =	task.clear_ibuf [dreg:s7], $0x2FFFF;
	_ =	strace $0x9FFFFFFF  }
0xc2: {  	(tm) =	ssettm $0x7FFFFFFF  }
0xc3: {  	_ =	shalt  }
tec
execute0_lowered:
.L_overlay_start_1:
0x0: {  	(tag) =	ssettag $0x1  }
0x1: {  	s0 =	srdreg.scid;
	s2 =	stileid.u32  }
0x2: {  	s0 =	sand.u32 $0x1, s0;
	s2 =	sshll.u32 s2, $0x1  }
0x3: {  	s1 =	rddreg [dreg:$0x0];
	s2 =	sor.u32 s0, s2  }
0x4: {  	s4 =	simm.s32 $0x0;
	s0 =	ssub.s32 $0x2, s0;
	s3 =	smul.u32 $0x188, s2  }
0x5: {  	[smem:$0x7FF] =	sst s4;
	s29 =	sshrl.u32 s0, $0x1;
	s30 =	smul.u32 $0x19, s2  }
.Ltmp0:
0x6: {  	_ =	strace $0x80000047;
	s0 =	ssub.s32 s0, s29;
	(pc) =	sbr.rel .LBB2_1-.Ltmp0, $4  }
0x7: {  	s3 =	sadd.s32 s3, s1;
	s1 =	sadd.s32 $0x3A00, s1;
	[dreg:$0xa] =	wrdreg s30  }
0x8: {  	s0 =	smax.u32 s0, $0x1;
	[dreg:$0x9] =	wrdreg s1  }
0x9: {  	v0 =	vlaneseq.u32;
	s24 =	simm.s32 $0x30A0;
	s31 =	sadd.s32 $0x800, s3;
	[dreg:$0xc] =	wrdreg s0  }
0xa: {  	s13 =	simm.s32 $0x5F80;
	v0 =	vor.u32 $0x50, v0;
	s2 =	simm.s32 $0x0;
	[dreg:$0xb] =	wrdreg s31  }
.LBB2_10:
0xb: {  	s0 =	simm.s32 $0x2  }
0xc: {  	_ =	swait.ge [sflag:s0], $0x2EE0  }
0xd: {  	[sflag:s0] =	ssyncset.done $0x0  }
0xe: {  	s1 =	simm.s32 $0x1;
	[sflag:s0] =	ssyncadd.s32 $0xFFFFD120  }
0xf: {  	_ =	swait.ge [sflag:s1], $0x2EE0  }
0x10: {  	s2 =	rddreg [dreg:$0xd]  }
0x11: {  	s31 =	rddreg [dreg:$0xc];
	s2 =	sadd.s32 $0x1, s2  }
0x12: {  	p0 =	sne.s32 s2, s31  }
.Ltmp1:
0x13: {  	_ = 	snop;
	(pc) =	sbr.rel @!p0 .LBB2_11-.Ltmp1, $3  }
0x14: {  	_ =	sdelay $0x1  }
0x15: {  	[sflag:s1] =	ssyncset.done $0x0  }
0x16: {  	[sflag:s1] =	ssyncadd.s32 $0xFFFFD120  }
.LBB2_1:
0x17: {  	[dreg:$0xd] =	wrdreg s2  }
0x18: {  	s0 =	simm.s32 $0x0;
	s1 =	rddreg [dreg:$0x9];
	s30 =	simm.s32 $0x3  }
0x19: {  	[tilespmem:s0], [sflag:$0x3] =	stream.linear.gather [hbm4b:s1+s0], $0x2460, $0x38;
	[tilespmem:$0x8E60] =	vst v63  }
0x1a: {  	_ =	swait.ge [sflag:s30], $0x2460  }
0x1b: {  	s3 =	simm.s32 $0x2460;
	[sflag:s30] =	ssyncset.done $0x0  }
.Ltmp2:
0x1c: {  	s31 =	rddreg [dreg:$0xb];
	[sflag:s30] =	ssyncadd.s32 $0xFFFFDBA0;
	(pc) =	sbr.rel .LBB2_2-.Ltmp2, $4  }
0x1d: {  	[tilespmem:s3], [sflag:$0x3] =	stream.linear.gather [hbm4b:s31+s0], $0xC40, $0x38;
	[tilespmem:$0x8E60] =	vst v63  }
0x1e: {  	_ =	swait.ge [sflag:s30], $0xC40  }
0x1f: {  	[sflag:s30] =	ssyncset.done $0x0  }
0x20: {  	s21 =	simm.s32 $0x246A;
	s2 =	simm.s32 $0x0;
	[sflag:s30] =	ssyncadd.s32 $0xFFFFF3C0  }
.LBB2_5:
0x21: {  	v7 =	vld [tilespmem:s9+$0xFFFFFFFB]  }
0x22: {  	v8 =	vld [tilespmem:s9+$0x0]  }
0x23: {  	v9 =	vld [tilespmem:s9+$0x5]  }
0x24: {  	v10 =	vld [tilespmem:s9+$0xFFFFFFF6]  }
0x25: {  	v1 =	vmul.u32 $0x5C, v6  }
0x26: {  	v32 =	vmul.u32 $0x5C, v7  }
0x27: {  	(v2sf) =	vpush v1, $0x0;
	v33 =	vmul.u32 $0x5C, v8  }
0x28: {  	v34 =	vmul.u32 $0x5C, v9;
	(v2sf) =	vpush v32, $0x0  }
0x29: {  	v35 =	vmul.u32 $0x5C, v10;
	(v2sf) =	vpush v33, $0x0  }
0x2a: {  	(v2sf) =	vpush v34, $0x0  }
0x2b: {  	(v2sf) =	vpush v35, $0x0;
	_ =	sdelay $0x2  }
0x2c: {  	v36 =	vmov s3  }
0x2d: {  	v10 =	vmul.u32 $0x60, v36  }
0x2e: {  	[tilespmem:s26+$0x440] =	vst v5  }
0x2f: {  	v11 =	vld [tilespmem:s31+$0x30];
	[tilespmem:s26+$0xFFFFFCB0] =	vst v4;
	v10 =	vbroadcast v10, $0x0  }
0x30: {  	[tilespmem:s26+$0xFFFFFE90] =	vst v2;
	v2 =	vld [tilespmem:s8+$0x40]  }
0x31: {  	v5 =	vld [tilespmem:s2+$0x50];
	v10 =	vadd.s32 v0, v10;
	_ =	sdelay $0x1  }
0x32: {  	[tilespmem:s26+$0x70] =	vst v3;
	v3 =	vld [tilespmem:s0+$0x40];
	s19 =	spop (v2sf)  }
0x33: {  	v37 =	vld [tilespmem:s1+$0x40];
	[tilespmem:s26+$0x250] =	vst v11;
	s12 =	spop (v2sf)  }
0x34: {  	v11 =	vld [tilespmem:s31+$0x40];
	[tilespmem:s26+$0xFFFFFCC0] =	vst v2;
	s4 =	spop (v2sf)  }
0x35: {  	[tilespmem:v10+s13+$0x0] =	vst.idx.msk $0xfff, v5;
	v2 =	vld [tilespmem:s12+$0x0];
	s10 =	spop (v2sf)  }
0x36: {  	v5 =	vld [tilespmem:s19+$0x0];
	[dreg:$0x12] =	wrdreg s17;
	s6 =	spop (v2sf)  }
0x37: {  	s9 =	sadd.s32 $0x3, s22;
	[dreg:$0x10] =	wrdreg s23;
	s23 =	spop (v2sf)  }
0x38: {  	v38 =	vmov s9;
	[tilespmem:s26+$0xFFFFFEA0] =	vst v3;
	v3 =	vld [tilespmem:s23+$0x0]  }
0x39: {  	s9 =	sadd.s32 $0x960, s26;
	v10 =	vmul.u32 $0x60, v38;
	[tilespmem:s26+$0x80] =	vst v37;
	v39 =	vld [tilespmem:s4+$0x0]  }
0x3a: {  	[tilespmem:s9+$0x2E0] =	vst v2;
	v40 =	vld [tilespmem:s10+$0x0]  }
0x3b: {  	(v2sf) =	vpush v35, $0x1;
	v10 =	vbroadcast v10, $0x0;
	[tilespmem:s26+$0x260] =	vst v11;
	v13 =	vld [tilespmem:s12+$0x10]  }
0x3c: {  	(v2sf) =	vpush v32, $0x1;
	[tilespmem:s26+$0x460] =	vst v5;
	v41 =	vld [tilespmem:s6+$0x0]  }
0x3d: {  	s11 =	sadd.s32 $0x8, s22;
	v10 =	vadd.s32 v0, v10;
	v12 =	vld [tilespmem:s8+$0x50];
	(v2sf) =	vpush v33, $0x1;
	[tilespmem:s9+$0xFFFFFB60] =	vst v3  }
0x3e: {  	v2 =	vmov s11;
	(v2sf) =	vpush v34, $0x1;
	[tilespmem:s9+$0xFFFFFD40] =	vst v39;
	v3 =	vld [tilespmem:s23+$0x10]  }
0x3f: {  	v2 =	vmul.u32 $0x60, v2;
	(v2sf) =	vpush v35, $0x2;
	v4 =	vld [tilespmem:s4+$0x10];
	[tilespmem:s9+$0xFFFFFF20] =	vst v40  }
0x40: {  	(v2sf) =	vpush v32, $0x2;
	[tilespmem:s9+$0x2F0] =	vst v13;
	v11 =	vld [tilespmem:s10+$0x10]  }
0x41: {  	v2 =	vbroadcast v2, $0x0;
	(v2sf) =	vpush v33, $0x2;
	[tilespmem:s9+$0x100] =	vst v41;
	v13 =	vld [tilespmem:s12+$0x20]  }
0x42: {  	s14 =	smov.u32 s0;
	[tilespmem:v10+s13+$0x0] =	vst.idx.msk $0xfff, v12;
	(v2sf) =	vpush v34, $0x2;
	v5 =	vld [tilespmem:s6+$0x10]  }
0x43: {  	s15 =	sadd.s32 $0xD, s22;
	v42 =	vld [tilespmem:s14+$0x50];
	v2 =	vadd.s32 v0, v2;
	(v2sf) =	vpush v35, $0x3;
	[tilespmem:s9+$0xFFFFFB70] =	vst v3  }
0x44: {  	v43 =	vmov s15;
	(v2sf) =	vpush v32, $0x3;
	[tilespmem:s9+$0xFFFFFD50] =	vst v4;
	v44 =	vld [tilespmem:s23+$0x20]  }
0x45: {  	(v2sf) =	vpush v33, $0x3;
	v45 =	vld [tilespmem:s4+$0x20];
	[tilespmem:s9+$0xFFFFFF30] =	vst v11;
	v3 =	vmul.u32 $0x60, v43  }
0x46: {  	(v2sf) =	vpush v34, $0x3;
	[tilespmem:s9+$0x300] =	vst v13;
	v11 =	vld [tilespmem:s10+$0x20]  }
0x47: {  	(v2sf) =	vpush v35, $0x4;
	[tilespmem:s9+$0x110] =	vst v5;
	v47 =	vld [tilespmem:s12+$0x30];
	v3 =	vbroadcast v3, $0x0  }
0x48: {  	[tilespmem:v2+s13+$0x0] =	vst.idx.msk $0xfff, v42;
	v2 =	vld [tilespmem:s6+$0x20]  }
0x49: {  	v46 =	vld [tilespmem:s1+$0x50];
	(v2sf) =	vpush v32, $0x4;
	v3 =	vadd.s32 v0, v3;
	[tilespmem:s9+$0xFFFFFB80] =	vst v44  }
0x4a: {  	s21 =	smov.u32 s16;
	s16 =	spop (v2sf);
	(v2sf) =	vpush v33, $0x4;
	[tilespmem:s9+$0xFFFFFD60] =	vst v45;
	v4 =	vld [tilespmem:s23+$0x30]  }
0x4b: {  	s15 =	spop (v2sf);
	(v2sf) =	vpush v34, $0x4;
	v48 =	vld [tilespmem:s4+$0x30];
	[tilespmem:s9+$0xFFFFFF40] =	vst v11  }
0x4c: {  	(v2sf) =	vpush v1, $0x1;
	s0 =	spop (v2sf);
	[tilespmem:s9+$0x310] =	vst v47;
	v49 =	vld [tilespmem:s10+$0x30]  }
0x4d: {  	s1 =	spop (v2sf);
	[tilespmem:s9+$0x120] =	vst v2;
	v50 =	vld [tilespmem:s12+$0x40]  }
0x4e: {  	s3 =	spop (v2sf);
	v2 =	vld [tilespmem:s6+$0x30];
	[tilespmem:v3+s13+$0x0] =	vst.idx.msk $0xfff, v46  }
0x4f: {  	s5 =	sadd.s32 $0x14, s28;
	s2 =	spop (v2sf);
	v3 =	vld [tilespmem:s19+$0x10];
	[tilespmem:s9+$0xFFFFFB90] =	vst v4  }
0x50: {  	v51 =	vmov s5;
	s5 =	spop (v2sf);
	[tilespmem:s9+$0xFFFFFD70] =	vst v48;
	v52 =	vld [tilespmem:s23+$0x40]  }
0x51: {  	s7 =	sadd.s32 $0x5, s28;
	s14 =	spop (v2sf);
	v7 =	vld [tilespmem:s4+$0x40];
	[tilespmem:s9+$0xFFFFFF50] =	vst v49  }
0x52: {  	v53 =	vmov s28;
	v54 =	vmov s7;
	s17 =	sadd.s32 $0xA, s28;
	v59 =	vld [tilespmem:s21+$0x0];
	s7 =	spop (v2sf);
	[tilespmem:s9+$0x320] =	vst v50;
	v4 =	vmul.u32 $0x60, v51  }
0x53: {  	v56 =	vmov s17;
	s11 =	sadd.s32 $0xF, s28;
	s8 =	spop (v2sf);
	v55 =	vld [tilespmem:s10+$0x40];
	[tilespmem:s9+$0x130] =	vst v2;
	v2 =	vmul.u32 $0x60, v53  }
0x54: {  	v58 =	vmov s11;
	s11 =	spop (v2sf);
	v57 =	vld [tilespmem:s6+$0x40];
	[tilespmem:s26+$0x470] =	vst v3;
	v3 =	vmul.u32 $0x60, v54;
	v4 =	vbroadcast v4, $0x0  }
0x55: {  	v8 =	vmul.u32 $0x60, v56;
	v5 =	vld [tilespmem:s12+$0x50];
	s12 =	spop (v2sf);
	v2 =	vbroadcast v2, $0x0;
	[tilespmem:s9+$0xFFFFFBA0] =	vst v52  }
0x56: {  	v11 =	vmul.u32 $0x60, v58;
	[tilespmem:s9+$0xFFFFFD80] =	vst v7;
	v3 =	vbroadcast v3, $0x0;
	v4 =	vadd.s32 v0, v4;
	v6 =	vld [tilespmem:s23+$0x50];
	s23 =	spop (v2sf)  }
0x57: {  	v60 =	vbroadcast v8, $0x0;
	v2 =	vadd.s32 v0, v2;
	[dreg:$0x14] =	wrdreg s23  }
0x58: {  	v62 =	vbroadcast v11, $0x0;
	v3 =	vadd.s32 v0, v3;
	v61 =	vld [tilespmem:s4+$0x50];
	[tilespmem:s9+$0xFFFFFF60] =	vst v55;
	s4 =	spop (v2sf)  }
0x59: {  	v7 =	vadd.s32 v0, v60;
	[tilespmem:s9+$0x140] =	vst v57;
	v63 =	vld [tilespmem:s10+$0x50];
	s17 =	spop (v2sf)  }
0x5a: {  	v10 =	vadd.s32 v0, v62;
	[tilespmem:s26+$0xFFFFFCE0] =	vst v59;
	v9 =	vld [tilespmem:s6+$0x50];
	s6 =	spop (v2sf)  }
0x5b: {  	v16 =	vld [tilespmem:s30+$0x0];
	[tilespmem:v4+s13+$0x0] =	vst.idx.msk $0xfff, v5;
	s10 =	spop (v2sf)  }
0x5c: {  	[tilespmem:v2+s13+$0x0] =	vst.idx.msk $0xfff, v6;
	v4 =	vld [tilespmem:s10+$0x0]  }
0x5d: {  	v2 =	vld [tilespmem:s16+$0x0];
	[tilespmem:v3+s13+$0x0] =	vst.idx.msk $0xfff, v61  }
0x5e: {  	v3 =	vld [tilespmem:s15+$0x0];
	[tilespmem:v7+s13+$0x0] =	vst.idx.msk $0xfff, v63  }
0x5f: {  	[tilespmem:v10+s13+$0x0] =	vst.idx.msk $0xfff, v9;
	v17 =	vld [tilespmem:s0+$0x0]  }
0x60: {  	[tilespmem:s26+$0xFFFFFEC0] =	vst v16;
	v18 =	vld [tilespmem:s1+$0x0]  }
0x61: {  	s23 =	sadd.s32 $0x12, s22;
	v19 =	vld [tilespmem:s25+$0x0];
	[tilespmem:s9+$0x340] =	vst v4  }
0x62: {  	v20 =	vmov s23;
	[tilespmem:s9+$0xFFFFFBC0] =	vst v2;
	v21 =	vld [tilespmem:s10+$0x10]  }
0x63: {  	v2 =	vmul.u32 $0x60, v20;
	[tilespmem:s9+$0xFFFFFDA0] =	vst v3;
	v3 =	vld [tilespmem:s16+$0x10]  }
0x64: {  	v22 =	vld [tilespmem:s15+$0x10];
	[tilespmem:s9+$0xFFFFFF80] =	vst v17  }
0x65: {  	v2 =	vbroadcast v2, $0x0;
	[tilespmem:s9+$0x160] =	vst v18;
	v5 =	vld [tilespmem:s0+$0x10]  }
0x66: {  	[tilespmem:s26+$0xA0] =	vst v19;
	v6 =	vld [tilespmem:s1+$0x10]  }
0x67: {  	v23 =	vld [tilespmem:s31+$0x50];
	v2 =	vadd.s32 v0, v2;
	[tilespmem:s9+$0x350] =	vst v21  }
0x68: {  	v8 =	vld [tilespmem:s10+$0x20];
	[tilespmem:s9+$0xFFFFFBD0] =	vst v3  }
0x69: {  	[tilespmem:s9+$0xFFFFFDB0] =	vst v22;
	v3 =	vld [tilespmem:s16+$0x20]  }
0x6a: {  	v4 =	vld [tilespmem:s15+$0x20];
	[tilespmem:s9+$0xFFFFFF90] =	vst v5  }
0x6b: {  	[tilespmem:s9+$0x170] =	vst v6;
	v5 =	vld [tilespmem:s0+$0x20]  }
0x6c: {  	[tilespmem:v2+s13+$0x0] =	vst.idx.msk $0xfff, v23;
	v2 =	vld [tilespmem:s1+$0x20]  }
0x6d: {  	v24 =	vld [tilespmem:s19+$0x20];
	[tilespmem:s9+$0x360] =	vst v8  }
0x6e: {  	v25 =	vld [tilespmem:s10+$0x30];
	[tilespmem:s9+$0xFFFFFBE0] =	vst v3  }
0x6f: {  	[tilespmem:s9+$0xFFFFFDC0] =	vst v4;
	v3 =	vld [tilespmem:s16+$0x30]  }
0x70: {  	(v2sf) =	vpush v1, $0x2;
	v4 =	vld [tilespmem:s15+$0x30];
	[tilespmem:s9+$0xFFFFFFA0] =	vst v5  }
0x71: {  	[tilespmem:s9+$0x180] =	vst v2;
	v5 =	vld [tilespmem:s0+$0x30]  }
0x72: {  	[tilespmem:s29+$0x480] =	vst v24;
	v2 =	vld [tilespmem:s1+$0x30]  }
0x73: {  	v40 =	vld [tilespmem:s21+$0x10];
	[tilespmem:s9+$0x370] =	vst v25  }
0x74: {  	s31 =	sadd.s32 $0x15, s28;
	v7 =	vld [tilespmem:s10+$0x40];
	[tilespmem:s9+$0xFFFFFBF0] =	vst v3  }
0x75: {  	s26 =	sadd.s32 $0x1, s28;
	v3 =	vmov s31;
	[tilespmem:s9+$0xFFFFFDD0] =	vst v4;
	v26 =	vld [tilespmem:s16+$0x40]  }
0x76: {  	v27 =	vmov s26;
	s31 =	sadd.s32 $0x6, s28;
	v3 =	vmul.u32 $0x60, v3;
	v28 =	vld [tilespmem:s15+$0x40];
	[tilespmem:s9+$0xFFFFFFB0] =	vst v5  }
0x77: {  	s26 =	sadd.s32 $0xB, s28;
	v29 =	vmov s31;
	[tilespmem:s9+$0x190] =	vst v2;
	v2 =	vmul.u32 $0x60, v27;
	v30 =	vld [tilespmem:s0+$0x40]  }
0x78: {  	[tilespmem:s29+$0xFFFFFCF0] =	vst v40;
	v31 =	vmov s26;
	v6 =	vld [tilespmem:s19+$0x30];
	v5 =	vmul.u32 $0x60, v29;
	v3 =	vbroadcast v3, $0x0  }
0x79: {  	v8 =	vmul.u32 $0x60, v31;
	s31 =	sadd.s32 $0x10, s28;
	v32 =	vld [tilespmem:s1+$0x40];
	v2 =	vbroadcast v2, $0x0;
	[tilespmem:s9+$0x380] =	vst v7  }
0x7a: {  	v33 =	vmov s31;
	v5 =	vbroadcast v5, $0x0;
	v3 =	vadd.s32 v0, v3;
	v7 =	vld [tilespmem:s10+$0x50];
	[tilespmem:s9+$0xFFFFFC00] =	vst v26  }
0x7b: {  	v8 =	vbroadcast v8, $0x0;
	v11 =	vmul.u32 $0x60, v33;
	v2 =	vadd.s32 v0, v2;
	v4 =	vld [tilespmem:s16+$0x50];
	[tilespmem:s9+$0xFFFFFDE0] =	vst v28  }
0x7c: {  	v5 =	vadd.s32 v0, v5;
	v9 =	vld [tilespmem:s15+$0x50];
	[tilespmem:s9+$0xFFFFFFC0] =	vst v30  }
0x7d: {  	[tilespmem:s29+$0x490] =	vst v6;
	v8 =	vadd.s32 v0, v8;
	v35 =	vbroadcast v11, $0x0;
	v36 =	vld [tilespmem:s0+$0x50]  }
0x7e: {  	v41 =	vld [tilespmem:s30+$0x10];
	[tilespmem:s9+$0x1A0] =	vst v32  }
0x7f: {  	v10 =	vadd.s32 v0, v35;
	s15 =	spop (v2sf);
	v6 =	vld [tilespmem:s1+$0x50];
	[tilespmem:v3+s13+$0x0] =	vst.idx.msk $0xfff, v7  }
0x80: {  	v3 =	vld [tilespmem:s15+$0x0];
	[tilespmem:v2+s13+$0x0] =	vst.idx.msk $0xfff, v4  }
0x81: {  	[tilespmem:v5+s13+$0x0] =	vst.idx.msk $0xfff, v9;
	v2 =	vld [tilespmem:s3+$0x0]  }
0x82: {  	v38 =	vld [tilespmem:s2+$0x0];
	[tilespmem:v8+s13+$0x0] =	vst.idx.msk $0xfff, v36  }
0x83: {  	[tilespmem:s29+$0xFFFFFED0] =	vst v41;
	v39 =	vld [tilespmem:s5+$0x0]  }
0x84: {  	v42 =	vld [tilespmem:s25+$0x10];
	[tilespmem:v10+s13+$0x0] =	vst.idx.msk $0xfff, v6  }
0x85: {  	v6 =	vld [tilespmem:s14+$0x0];
	[tilespmem:s9+$0x3A0] =	vst v3  }
0x86: {  	v3 =	vld [tilespmem:s15+$0x10];
	[tilespmem:s9+$0xFFFFFC20] =	vst v2  }
0x87: {  	[tilespmem:s9+$0xFFFFFE00] =	vst v38;
	v2 =	vld [tilespmem:s3+$0x10]  }
0x88: {  	v4 =	vld [tilespmem:s2+$0x10];
	[tilespmem:s9+$0xFFFFFFE0] =	vst v39  }
0x89: {  	[tilespmem:s29+$0xB0] =	vst v42;
	v5 =	vld [tilespmem:s5+$0x10]  }
0x8a: {  	v52 =	vld [tilespmem:s21+$0x20];
	[tilespmem:s9+$0x1C0] =	vst v6  }
0x8b: {  	v6 =	vld [tilespmem:s14+$0x10];
	[tilespmem:s9+$0x3B0] =	vst v3  }
0x8c: {  	v3 =	vld [tilespmem:s15+$0x20];
	[tilespmem:s9+$0xFFFFFC30] =	vst v2  }
0x8d: {  	[tilespmem:s9+$0xFFFFFE10] =	vst v4;
	v2 =	vld [tilespmem:s3+$0x20]  }
0x8e: {  	v4 =	vld [tilespmem:s2+$0x20];
	[tilespmem:s9+$0xFFFFFFF0] =	vst v5  }
0x8f: {  	[tilespmem:s29+$0xFFFFFD00] =	vst v52;
	v5 =	vld [tilespmem:s5+$0x20]  }
0x90: {  	v56 =	vld [tilespmem:s30+$0x20];
	[tilespmem:s9+$0x1D0] =	vst v6  }
0x91: {  	v6 =	vld [tilespmem:s14+$0x20];
	[tilespmem:s9+$0x3C0] =	vst v3  }
0x92: {  	v3 =	vld [tilespmem:s15+$0x30];
	[tilespmem:s9+$0xFFFFFC40] =	vst v2  }
0x93: {  	[tilespmem:s9+$0xFFFFFE20] =	vst v4;
	v2 =	vld [tilespmem:s3+$0x30]  }
0x94: {  	(v2sf) =	vpush v1, $0x3;
	v4 =	vld [tilespmem:s2+$0x30];
	[tilespmem:s9+$0x0] =	vst v5  }
0x95: {  	[tilespmem:s29+$0xFFFFFEE0] =	vst v56;
	v5 =	vld [tilespmem:s5+$0x30]  }
0x96: {  	v60 =	vld [tilespmem:s25+$0x20];
	[tilespmem:s9+$0x1E0] =	vst v6  }
0x97: {  	v6 =	vld [tilespmem:s14+$0x30];
	[tilespmem:s9+$0x3D0] =	vst v3  }
0x98: {  	s16 =	sadd.s32 $0x16, s28;
	v3 =	vld [tilespmem:s15+$0x40];
	[tilespmem:s9+$0xFFFFFC50] =	vst v2  }
0x99: {  	s23 =	sadd.s32 $0x2, s28;
	v2 =	vmov s16;
	[tilespmem:s9+$0xFFFFFE30] =	vst v4;
	v44 =	vld [tilespmem:s3+$0x40]  }
0x9a: {  	v45 =	vmov s23;
	s26 =	sadd.s32 $0x7, s28;
	v2 =	vmul.u32 $0x60, v2;
	v9 =	vld [tilespmem:s2+$0x40];
	[tilespmem:s9+$0x10] =	vst v5  }
0x9b: {  	v48 =	vmul.u32 $0x60, v45;
	v46 =	vmov s26;
	[tilespmem:s29+$0xC0] =	vst v60;
	s31 =	sadd.s32 $0xC, s28;
	v47 =	vld [tilespmem:s5+$0x40]  }
0x9c: {  	v62 =	vld [tilespmem:s21+$0x30];
	v49 =	vmov s31;
	[tilespmem:s9+$0x1F0] =	vst v6;
	v5 =	vmul.u32 $0x60, v46;
	v2 =	vbroadcast v2, $0x0  }
0x9d: {  	s10 =	sadd.s32 $0x11, s28;
	v8 =	vmul.u32 $0x60, v49;
	v50 =	vld [tilespmem:s14+$0x40];
	[tilespmem:s9+$0x3E0] =	vst v3;
	v3 =	vbroadcast v48, $0x0  }
0x9e: {  	v51 =	vmov s10;
	v5 =	vbroadcast v5, $0x0;
	v2 =	vadd.s32 v0, v2;
	v53 =	vld [tilespmem:s15+$0x50];
	[tilespmem:s9+$0xFFFFFC60] =	vst v44  }
0x9f: {  	v11 =	vmul.u32 $0x60, v51;
	v8 =	vbroadcast v8, $0x0;
	v4 =	vld [tilespmem:s3+$0x50];
	[tilespmem:s9+$0xFFFFFE40] =	vst v9;
	v3 =	vadd.s32 v0, v3  }
0xa0: {  	v5 =	vadd.s32 v0, v5;
	v9 =	vld [tilespmem:s2+$0x50];
	[tilespmem:s9+$0x20] =	vst v47  }
0xa1: {  	[tilespmem:s29+$0xFFFFFD10] =	vst v62;
	v54 =	vbroadcast v11, $0x0;
	v8 =	vadd.s32 v0, v8;
	v55 =	vld [tilespmem:s5+$0x50]  }
0xa2: {  	v12 =	vld [tilespmem:s30+$0x30];
	[tilespmem:s9+$0x200] =	vst v50  }
0xa3: {  	v10 =	vadd.s32 v0, v54;
	s15 =	spop (v2sf);
	v7 =	vld [tilespmem:s14+$0x50];
	[tilespmem:v2+s13+$0x0] =	vst.idx.msk $0xfff, v53  }
0xa4: {  	v2 =	vld [tilespmem:s15+$0x0];
	[tilespmem:v3+s13+$0x0] =	vst.idx.msk $0xfff, v4  }
0xa5: {  	[tilespmem:v5+s13+$0x0] =	vst.idx.msk $0xfff, v9;
	v3 =	vld [tilespmem:s7+$0x0]  }
0xa6: {  	v57 =	vld [tilespmem:s8+$0x0];
	[tilespmem:v8+s13+$0x0] =	vst.idx.msk $0xfff, v55  }
0xa7: {  	[tilespmem:s29+$0xFFFFFEF0] =	vst v12;
	v58 =	vld [tilespmem:s11+$0x0]  }
0xa8: {  	v21 =	vld [tilespmem:s25+$0x30];
	[tilespmem:v10+s13+$0x0] =	vst.idx.msk $0xfff, v7  }
0xa9: {  	v59 =	vld [tilespmem:s12+$0x0];
	[tilespmem:s9+$0x400] =	vst v2  }
0xaa: {  	v2 =	vld [tilespmem:s15+$0x10];
	[tilespmem:s9+$0xFFFFFC80] =	vst v3  }
0xab: {  	[tilespmem:s9+$0xFFFFFE60] =	vst v57;
	v3 =	vld [tilespmem:s7+$0x10]  }
0xac: {  	v4 =	vld [tilespmem:s8+$0x10];
	[tilespmem:s9+$0x40] =	vst v58  }
0xad: {  	[tilespmem:s29+$0xD0] =	vst v21;
	v5 =	vld [tilespmem:s11+$0x10]  }
0xae: {  	v37 =	vld [tilespmem:s24+$0x0];
	[tilespmem:s9+$0x220] =	vst v59  }
0xaf: {  	v6 =	vld [tilespmem:s12+$0x10];
	[tilespmem:s9+$0x410] =	vst v2  }
0xb0: {  	v2 =	vld [tilespmem:s15+$0x20];
	[tilespmem:s9+$0xFFFFFC90] =	vst v3  }
0xb1: {  	[tilespmem:s9+$0xFFFFFE70] =	vst v4;
	v3 =	vld [tilespmem:s7+$0x20]  }
0xb2: {  	v4 =	vld [tilespmem:s8+$0x20];
	[tilespmem:s9+$0x50] =	vst v5  }
0xb3: {  	[tilespmem:s29+$0x280] =	vst v37;
	v5 =	vld [tilespmem:s11+$0x20]  }
0xb4: {  	v43 =	vld [tilespmem:s24+$0x10];
	[tilespmem:s9+$0x230] =	vst v6  }
0xb5: {  	v6 =	vld [tilespmem:s12+$0x20];
	[tilespmem:s9+$0x420] =	vst v2  }
0xb6: {  	v2 =	vld [tilespmem:s15+$0x30];
	[tilespmem:s9+$0xFFFFFCA0] =	vst v3  }
0xb7: {  	[tilespmem:s9+$0xFFFFFE80] =	vst v4;
	v3 =	vld [tilespmem:s7+$0x30]  }
0xb8: {  	v4 =	vld [tilespmem:s8+$0x30];
	[tilespmem:s9+$0x60] =	vst v5  }
0xb9: {  	[tilespmem:s29+$0x290] =	vst v43;
	(v2sf) =	vpush v1, $0x4;
	v1 =	vld [tilespmem:s11+$0x30]  }
0xba: {  	v34 =	vld [tilespmem:s19+$0x40];
	[tilespmem:s9+$0x240] =	vst v6  }
0xbb: {  	v63 =	vld [tilespmem:s12+$0x30];
	[tilespmem:s9+$0x430] =	vst v2  }
0xbc: {  	s16 =	sadd.s32 $0x17, s28;
	v2 =	vld [tilespmem:s15+$0x40];
	[tilespmem:s9+$0xFFFFFCB0] =	vst v3  }
0xbd: {  	s23 =	sadd.s32 $0x3, s28;
	v3 =	vmov s16;
	[tilespmem:s9+$0xFFFFFE90] =	vst v4;
	v13 =	vld [tilespmem:s7+$0x40]  }
0xbe: {  	v61 =	vld [tilespmem:s24+$0x20];
	[tilespmem:s9+$0x70] =	vst v1;
	v1 =	vmul.u32 $0x60, v3;
	v3 =	vmov s23  }
0xbf: {  	s26 =	sadd.s32 $0x8, s28;
	[tilespmem:s29+$0x4A0] =	vst v34;
	v14 =	vld [tilespmem:s8+$0x40];
	v3 =	vmul.u32 $0x60, v3  }
0xc0: {  	v15 =	vmov s26;
	s31 =	sadd.s32 $0xD, s28;
	[tilespmem:s9+$0x250] =	vst v63;
	v16 =	vld [tilespmem:s11+$0x40];
	v1 =	vbroadcast v1, $0x0  }
0xc1: {  	v18 =	vmul.u32 $0x60, v15;
	v17 =	vmov s31;
	v19 =	vld [tilespmem:s12+$0x40];
	[tilespmem:s9+$0x440] =	vst v2;
	v2 =	vbroadcast v3, $0x0  }
0xc2: {  	s2 =	sadd.s32 $0x12, s28;
	v3 =	vmul.u32 $0x60, v17;
	v22 =	vld [tilespmem:s15+$0x50];
	v1 =	vadd.s32 v0, v1;
	[tilespmem:s9+$0xFFFFFCC0] =	vst v13  }
0xc3: {  	v23 =	vbroadcast v18, $0x0;
	[tilespmem:s29+$0x2A0] =	vst v61;
	v20 =	vmov s2;
	v25 =	vld [tilespmem:s7+$0x50];
	v2 =	vadd.s32 v0, v2  }
0xc4: {  	v24 =	vmul.u32 $0x60, v20;
	[tilespmem:s9+$0xFFFFFEA0] =	vst v14;
	v3 =	vbroadcast v3, $0x0  }
0xc5: {  	v4 =	vadd.s32 v0, v23;
	v7 =	vld [tilespmem:s8+$0x50];
	[tilespmem:s9+$0x80] =	vst v16  }
0xc6: {  	v6 =	vbroadcast v24, $0x0;
	[tilespmem:s9+$0x260] =	vst v19;
	v9 =	vld [tilespmem:s11+$0x50];
	v3 =	vadd.s32 v0, v3  }
0xc7: {  	v26 =	vld [tilespmem:s24+$0x30];
	[tilespmem:v1+s13+$0x0] =	vst.idx.msk $0xfff, v22  }
0xc8: {  	s3 =	spop (v2sf);
	v6 =	vadd.s32 v0, v6;
	v8 =	vld [tilespmem:s12+$0x50];
	[tilespmem:v2+s13+$0x0] =	vst.idx.msk $0xfff, v25  }
0xc9: {  	v1 =	vld [tilespmem:s3+$0x0];
	s31 =	rddreg [dreg:$0x14]  }
0xca: {  	[tilespmem:v4+s13+$0x0] =	vst.idx.msk $0xfff, v7;
	v2 =	vld [tilespmem:s31+$0x0]  }
0xcb: {  	v4 =	vld [tilespmem:s4+$0x0];
	[tilespmem:v3+s13+$0x0] =	vst.idx.msk $0xfff, v9  }
0xcc: {  	[tilespmem:s29+$0x2B0] =	vst v26;
	v3 =	vld [tilespmem:s17+$0x0]  }
0xcd: {  	v28 =	vld [tilespmem:s21+$0x40];
	[tilespmem:v6+s13+$0x0] =	vst.idx.msk $0xfff, v8  }
0xce: {  	v27 =	vld [tilespmem:s6+$0x0];
	[tilespmem:s9+$0x460] =	vst v1  }
0xcf: {  	v1 =	vld [tilespmem:s3+$0x10];
	[tilespmem:s9+$0xFFFFFCE0] =	vst v2  }
0xd0: {  	[tilespmem:s9+$0xFFFFFEC0] =	vst v4;
	v2 =	vld [tilespmem:s31+$0x10]  }
0xd1: {  	[tilespmem:s9+$0xA0] =	vst v3;
	v3 =	vld [tilespmem:s4+$0x10]  }
0xd2: {  	v30 =	vld [tilespmem:s30+$0x40];
	[tilespmem:s29+$0xFFFFFD20] =	vst v28  }
0xd3: {  	[tilespmem:s9+$0x280] =	vst v27;
	v29 =	vld [tilespmem:s17+$0x10]  }
0xd4: {  	v5 =	vld [tilespmem:s6+$0x10];
	[tilespmem:s9+$0x470] =	vst v1  }
0xd5: {  	v1 =	vld [tilespmem:s3+$0x20];
	[tilespmem:s9+$0xFFFFFCF0] =	vst v2  }
0xd6: {  	[tilespmem:s9+$0xFFFFFED0] =	vst v3;
	v2 =	vld [tilespmem:s31+$0x20]  }
0xd7: {  	[tilespmem:s29+$0xFFFFFF00] =	vst v30;
	v3 =	vld [tilespmem:s4+$0x20]  }
0xd8: {  	v31 =	vld [tilespmem:s25+$0x40];
	[tilespmem:s9+$0xB0] =	vst v29  }
0xd9: {  	[tilespmem:s9+$0x290] =	vst v5;
	v4 =	vld [tilespmem:s17+$0x20]  }
0xda: {  	v5 =	vld [tilespmem:s6+$0x20];
	[tilespmem:s9+$0x480] =	vst v1  }
0xdb: {  	v1 =	vld [tilespmem:s3+$0x30];
	[tilespmem:s9+$0xFFFFFD00] =	vst v2  }
0xdc: {  	[tilespmem:s9+$0xFFFFFEE0] =	vst v3;
	v2 =	vld [tilespmem:s31+$0x30]  }
0xdd: {  	s10 =	sadd.s32 $0x4, s22;
	[tilespmem:s29+$0xE0] =	vst v31;
	v3 =	vld [tilespmem:s4+$0x30]  }
0xde: {  	v39 =	vmov s10;
	v38 =	vld [tilespmem:s24+$0x40];
	[tilespmem:s9+$0xC0] =	vst v4  }
0xdf: {  	v11 =	vmul.u32 $0x60, v39;
	[tilespmem:s9+$0x2A0] =	vst v5;
	v33 =	vld [tilespmem:s17+$0x30]  }
0xe0: {  	v36 =	vld [tilespmem:s6+$0x30];
	[tilespmem:s9+$0x490] =	vst v1  }
0xe1: {  	v11 =	vbroadcast v11, $0x0;
	s8 =	sadd.s32 $0x18, s22;
	v13 =	vld [tilespmem:s3+$0x40];
	[tilespmem:s9+$0xFFFFFD10] =	vst v2  }
0xe2: {  	s2 =	sadd.s32 $0x9, s20;
	v37 =	vmov s8;
	[tilespmem:s9+$0xFFFFFEF0] =	vst v3;
	v3 =	vld [tilespmem:s31+$0x40]  }
0xe3: {  	v11 =	vadd.s32 v0, v11;
	s5 =	sadd.s32 $0xE, s20;
	v32 =	vmov s2;
	s7 =	sadd.s32 $0x13, s20;
	v9 =	vmul.u32 $0x60, v37;
	[tilespmem:s29+$0x2C0] =	vst v38  }
0xe4: {  	v34 =	vmov s5;
	v35 =	vmov s7;
	s12 =	sadd.s32 $0xE, s22;
	v2 =	vmul.u32 $0x60, v32;
	[tilespmem:s9+$0xD0] =	vst v33;
	v42 =	vld [tilespmem:s4+$0x40]  }
0xe5: {  	s14 =	sadd.s32 $0x13, s22;
	v40 =	vmov s12;
	v8 =	vmul.u32 $0x60, v35;
	v9 =	vbroadcast v9, $0x0;
	[tilespmem:s9+$0x2B0] =	vst v36;
	v43 =	vld [tilespmem:s17+$0x40]  }
0xe6: {  	v41 =	vmov s14;
	s16 =	sadd.s32 $0x4, s28;
	s11 =	sadd.s32 $0x9, s22;
	v12 =	vmul.u32 $0x60, v40;
	v2 =	vbroadcast v2, $0x0;
	v18 =	vld [tilespmem:s6+$0x40];
	[tilespmem:s9+$0x4A0] =	vst v13  }
0xe7: {  	v46 =	vld [tilespmem:s19+$0x50];
	s23 =	sadd.s32 $0x13, s28;
	s15 =	sadd.s32 $0x18, s28;
	v8 =	vbroadcast v8, $0x0;
	v9 =	vadd.s32 v0, v9;
	v1 =	vmov s11;
	s26 =	rddreg [dreg:$0x12];
	[tilespmem:s9+$0xFFFFFD20] =	vst v3  }
0xe8: {  	v14 =	vmov s15;
	s20 =	sadd.s32 $0x9, s28;
	v19 =	vld [tilespmem:s18+$0x50];
	s22 =	sadd.s32 $0xE, s28;
	v1 =	vmul.u32 $0x60, v1;
	v2 =	vadd.s32 v0, v2;
	s28 =	rddreg [dreg:$0x10]  }
0xe9: {  	v14 =	vmul.u32 $0x60, v14;
	v12 =	vbroadcast v12, $0x0;
	v8 =	vadd.s32 v0, v8;
	[tilespmem:s9+$0xFFFFFF00] =	vst v42;
	v3 =	vld [tilespmem:s28+$0x50]  }
0xea: {  	v15 =	vmov s16;
	v7 =	vmul.u32 $0x60, v34;
	v47 =	vld [tilespmem:s21+$0x50];
	v1 =	vbroadcast v1, $0x0;
	[tilespmem:s9+$0xE0] =	vst v43  }
0xeb: {  	v52 =	vbroadcast v14, $0x0;
	v50 =	vld [tilespmem:s25+$0x50];
	v51 =	vadd.s32 v0, v12;
	v4 =	vmul.u32 $0x60, v41;
	[tilespmem:s9+$0x2C0] =	vst v18  }
0xec: {  	v49 =	vmul.u32 $0x60, v15;
	v48 =	vld [tilespmem:s30+$0x50];
	v7 =	vbroadcast v7, $0x0;
	v1 =	vadd.s32 v0, v1;
	[tilespmem:v9+s13+$0x0] =	vst.idx.msk $0xfff, v46  }
0xed: {  	v57 =	vadd.s32 v0, v52;
	v56 =	vld [tilespmem:s3+$0x50];
	[tilespmem:v2+s13+$0x0] =	vst.idx.msk $0xfff, v19;
	v2 =	vbroadcast v4, $0x0  }
0xee: {  	v7 =	vadd.s32 v0, v7;
	v45 =	vld [tilespmem:s26+$0x50];
	[tilespmem:v8+s13+$0x0] =	vst.idx.msk $0xfff, v3;
	v3 =	vbroadcast v49, $0x0  }
0xef: {  	v16 =	vmov s20;
	v54 =	vld [tilespmem:s24+$0x50];
	[tilespmem:v11+s13+$0x0] =	vst.idx.msk $0xfff, v47;
	v2 =	vadd.s32 v0, v2  }
0xf0: {  	v53 =	vmul.u32 $0x60, v16;
	v17 =	vmov s22;
	v59 =	vld [tilespmem:s31+$0x50];
	[tilespmem:v51+s13+$0x0] =	vst.idx.msk $0xfff, v50;
	v3 =	vadd.s32 v0, v3  }
0xf1: {  	v44 =	vmov s23;
	v55 =	vmul.u32 $0x60, v17;
	[tilespmem:v1+s13+$0x0] =	vst.idx.msk $0xfff, v48  }
0xf2: {  	v10 =	vmul.u32 $0x60, v44;
	v58 =	vbroadcast v53, $0x0;
	[tilespmem:v57+s13+$0x0] =	vst.idx.msk $0xfff, v56  }
0xf3: {  	v4 =	vbroadcast v55, $0x0;
	[tilespmem:v7+s13+$0x0] =	vst.idx.msk $0xfff, v45  }
0xf4: {  	v61 =	vbroadcast v10, $0x0;
	v60 =	vld [tilespmem:s4+$0x50];
	v1 =	vadd.s32 v0, v58;
	[tilespmem:v2+s13+$0x0] =	vst.idx.msk $0xfff, v54  }
0xf5: {  	v62 =	vld [tilespmem:s17+$0x50];
	v4 =	vadd.s32 v0, v4;
	[tilespmem:v3+s13+$0x0] =	vst.idx.msk $0xfff, v59  }
0xf6: {  	v63 =	vadd.s32 v0, v61;
	v2 =	vld [tilespmem:s6+$0x50];
	s29 =	rddreg [dreg:$0xa]  }
0xf7: {  	s2 =	rddreg [dreg:$0xf]  }
0xf8: {  	s0 =	sadd.s32 s29, s2  }
0xf9: {  	[tilespmem:v1+s13+$0x0] =	vst.idx.msk $0xfff, v60;
	s0 =	smul.u32 $0x5DC, s0  }
0xfa: {  	s30 =	rddreg [dreg:$0x1];
	[tilespmem:v4+s13+$0x0] =	vst.idx.msk $0xfff, v62  }
0xfb: {  	s24 =	simm.s32 $0x30A0;
	s31 =	simm.s32 $0x0;
	[tilespmem:v63+s13+$0x0] =	vst.idx.msk $0xfff, v2;
	s0 =	sadd.s32 s30, s0  }
0xfc: {  	[hbm4b:s0+s31] =	stream.linear.scatter [tilespmem:s13], [sflag:$0x2], $0x2EE0, $0x38;
	[tilespmem:$0x8E60] =	vst v63  }
.LBB2_9:
0xfd: {  	s2 =	sadd.s32 $0x1, s2  }
0xfe: {  	p0 =	sne.s32 s2, $0x19  }
.Ltmp3:
0xff: {  	_ = 	snop;
	(pc) =	sbr.rel @!p0 .LBB2_10-.Ltmp3, $3  }
0x100: {  	_ =	sdelay $0x1  }
0x101: {  	s21 =	rddreg [dreg:$0xe]  }
0x102: {  	s21 =	sadd.s32 $0x7D, s21  }
.LBB2_2:
0x103: {  	s0 =	sand.u32 $0x1, s2  }
0x104: {  	p1 =	seq.s32 s0, $0x0  }
.Ltmp4:
0x105: {  	_ = 	snop;
	(pc) =	sbr.rel @!p1 .LBB2_3-.Ltmp4, $3  }
0x106: {  	_ =	sdelay $0x1  }
0x107: {  	[dreg:$0xf] =	wrdreg s2  }
0x108: {  	p0 =	slt.u32 s2, $0x2;
	[dreg:$0xe] =	wrdreg s21  }
0x109: {  	s0 =	simm.s32 @!p0 $0x1  }
0x10a: {  	_ =	swait.ge @!p0 [sflag:s0], $0x2EE0  }
0x10b: {  	[sflag:s0] =	ssyncset.done @!p0 $0x0  }
0x10c: {  	[sflag:s0] =	ssyncadd.s32 @!p0 $0xFFFFD120  }
0x10d: {  	v1 =	vld [tilespmem:s21+$0xA]  }
0x10e: {  	v2 =	vld [tilespmem:s21+$0xFFFFFFFB]  }
0x10f: {  	v3 =	vld [tilespmem:s21+$0x0]  }
0x110: {  	v4 =	vld [tilespmem:s21+$0x5]  }
0x111: {  	v5 =	vld [tilespmem:s21+$0xFFFFFFF6]  }
0x112: {  	v1 =	vmul.u32 $0x5C, v1  }
0x113: {  	v2 =	vmul.u32 $0x5C, v2  }
0x114: {  	v3 =	vmul.u32 $0x5C, v3;
	(v2sf) =	vpush v1, $0x0  }
0x115: {  	v4 =	vmul.u32 $0x5C, v4;
	(v2sf) =	vpush v2, $0x0  }
0x116: {  	v5 =	vmul.u32 $0x5C, v5;
	(v2sf) =	vpush v3, $0x0  }
0x117: {  	(v2sf) =	vpush v4, $0x0  }
0x118: {  	(v2sf) =	vpush v5, $0x0;
	_ =	sdelay $0xa  }
0x119: {  	s17 =	spop (v2sf)  }
0x11a: {  	s16 =	spop (v2sf)  }
0x11b: {  	v6 =	vld [tilespmem:s17+$0x0];
	s14 =	spop (v2sf)  }
0x11c: {  	v7 =	vld [tilespmem:s16+$0x0];
	s12 =	spop (v2sf)  }
0x11d: {  	v8 =	vld [tilespmem:s14+$0x0];
	s15 =	spop (v2sf)  }
0x11e: {  	v9 =	vld [tilespmem:s15+$0x0]  }
0x11f: {  	s28 =	simm.s32 $0x3540;
	(v2sf) =	vpush v5, $0x1  }
0x120: {  	(v2sf) =	vpush v2, $0x1;
	v10 =	vld [tilespmem:s12+$0x0];
	[tilespmem:s28+$0x2E0] =	vst v6  }
0x121: {  	(v2sf) =	vpush v3, $0x1;
	v6 =	vld [tilespmem:s17+$0x10];
	[tilespmem:s28+$0xFFFFFD40] =	vst v7  }
0x122: {  	(v2sf) =	vpush v4, $0x1;
	v7 =	vld [tilespmem:s16+$0x10];
	[tilespmem:s28+$0xFFFFFF20] =	vst v8  }
0x123: {  	(v2sf) =	vpush v5, $0x2;
	v8 =	vld [tilespmem:s14+$0x10];
	[tilespmem:s28+$0xFFFFFB60] =	vst v9  }
0x124: {  	(v2sf) =	vpush v2, $0x2;
	v9 =	vld [tilespmem:s15+$0x10]  }
0x125: {  	(v2sf) =	vpush v3, $0x2;
	[tilespmem:s28+$0x100] =	vst v10  }
0x126: {  	(v2sf) =	vpush v4, $0x2;
	v10 =	vld [tilespmem:s12+$0x10];
	[tilespmem:s28+$0x2F0] =	vst v6  }
0x127: {  	(v2sf) =	vpush v5, $0x3;
	v6 =	vld [tilespmem:s17+$0x20];
	[tilespmem:s28+$0xFFFFFD50] =	vst v7  }
0x128: {  	(v2sf) =	vpush v2, $0x3;
	v7 =	vld [tilespmem:s16+$0x20];
	[tilespmem:s28+$0xFFFFFF30] =	vst v8  }
0x129: {  	(v2sf) =	vpush v3, $0x3;
	v8 =	vld [tilespmem:s14+$0x20];
	[tilespmem:s28+$0xFFFFFB70] =	vst v9  }
0x12a: {  	(v2sf) =	vpush v4, $0x3;
	v9 =	vld [tilespmem:s15+$0x20]  }
0x12b: {  	(v2sf) =	vpush v5, $0x4;
	[tilespmem:s28+$0x110] =	vst v10  }
0x12c: {  	(v2sf) =	vpush v2, $0x4;
	v2 =	vld [tilespmem:s12+$0x20];
	[tilespmem:s28+$0x300] =	vst v6  }
0x12d: {  	(v2sf) =	vpush v3, $0x4;
	v3 =	vld [tilespmem:s17+$0x30];
	[tilespmem:s28+$0xFFFFFD60] =	vst v7  }
0x12e: {  	s8 =	spop (v2sf);
	(v2sf) =	vpush v4, $0x4;
	v4 =	vld [tilespmem:s16+$0x30];
	[tilespmem:s28+$0xFFFFFF40] =	vst v8  }
0x12f: {  	s10 =	spop (v2sf);
	(v2sf) =	vpush v1, $0x1;
	v5 =	vld [tilespmem:s14+$0x30];
	[tilespmem:s28+$0xFFFFFB80] =	vst v9  }
0x130: {  	s11 =	spop (v2sf);
	v6 =	vld [tilespmem:s15+$0x30]  }
0x131: {  	s9 =	spop (v2sf);
	[tilespmem:s28+$0x120] =	vst v2  }
0x132: {  	s2 =	spop (v2sf);
	v2 =	vld [tilespmem:s12+$0x30];
	[tilespmem:s28+$0x310] =	vst v3  }
0x133: {  	s23 =	simm.s32 $0x14;
	s5 =	spop (v2sf);
	v3 =	vld [tilespmem:s17+$0x40];
	[tilespmem:s28+$0xFFFFFD70] =	vst v4  }
0x134: {  	s25 =	simm.s32 $0x5;
	s4 =	spop (v2sf);
	v4 =	vmov s23;
	v7 =	vld [tilespmem:s16+$0x40];
	[tilespmem:s28+$0xFFFFFF50] =	vst v5  }
0x135: {  	s26 =	simm.s32 $0xA;
	s3 =	spop (v2sf);
	v4 =	vmul.u32 $0x60, v4;
	v5 =	vmov s25;
	[tilespmem:s28+$0xFFFFFB90] =	vst v6;
	v6 =	vld [tilespmem:s14+$0x40]  }
0x136: {  	s20 =	simm.s32 $0x0;
	v19 =	vmov s26;
	s1 =	spop (v2sf);
	v5 =	vmul.u32 $0x60, v5;
	v8 =	vld [tilespmem:s15+$0x40]  }
0x137: {  	v20 =	vmov s20;
	s0 =	spop (v2sf);
	[tilespmem:s28+$0x130] =	vst v2;
	v2 =	vbroadcast v4, $0x0;
	v4 =	vmul.u32 $0x60, v19  }
0x138: {  	s18 =	simm.s32 $0xF;
	v21 =	vmul.u32 $0x60, v20;
	s6 =	spop (v2sf);
	v22 =	vld [tilespmem:s12+$0x40];
	[tilespmem:s28+$0x320] =	vst v3;
	v3 =	vbroadcast v5, $0x0  }
0x139: {  	s7 =	spop (v2sf);
	v5 =	vmov s18;
	v2 =	vadd.s32 v0, v2;
	v4 =	vbroadcast v4, $0x0;
	v11 =	vld [tilespmem:s17+$0x50];
	[tilespmem:s28+$0xFFFFFD80] =	vst v7  }
0x13a: {  	s29 =	spop (v2sf);
	v5 =	vmul.u32 $0x60, v5;
	v7 =	vbroadcast v21, $0x0;
	v23 =	vld [tilespmem:s16+$0x50];
	v3 =	vadd.s32 v0, v3;
	[tilespmem:s28+$0xFFFFFF60] =	vst v6  }
0x13b: {  	s18 =	spop (v2sf);
	v4 =	vadd.s32 v0, v4;
	[tilespmem:s28+$0xFFFFFBA0] =	vst v8;
	v6 =	vld [tilespmem:s14+$0x50]  }
0x13c: {  	s17 =	spop (v2sf);
	v5 =	vbroadcast v5, $0x0;
	v7 =	vadd.s32 v0, v7;
	v8 =	vld [tilespmem:s15+$0x50]  }
0x13d: {  	s23 =	spop (v2sf);
	[tilespmem:s28+$0x140] =	vst v22  }
0x13e: {  	s30 =	spop (v2sf);
	v10 =	vld [tilespmem:s12+$0x50];
	v5 =	vadd.s32 v0, v5;
	[tilespmem:v2+s24+$0x0] =	vst.idx.msk $0xfff, v11  }
0x13f: {  	v2 =	vld [tilespmem:s30+$0x0];
	[tilespmem:v3+s24+$0x0] =	vst.idx.msk $0xfff, v23  }
0x140: {  	v3 =	vld [tilespmem:s10+$0x0];
	[tilespmem:v4+s24+$0x0] =	vst.idx.msk $0xfff, v6  }
0x141: {  	[tilespmem:v7+s24+$0x0] =	vst.idx.msk $0xfff, v8;
	v4 =	vld [tilespmem:s11+$0x0]  }
0x142: {  	v6 =	vld [tilespmem:s8+$0x0]  }
0x143: {  	[tilespmem:v5+s24+$0x0] =	vst.idx.msk $0xfff, v10  }
0x144: {  	[tilespmem:s28+$0x340] =	vst v2  }
0x145: {  	v2 =	vld [tilespmem:s30+$0x10];
	[tilespmem:s28+$0xFFFFFDA0] =	vst v3  }
0x146: {  	v3 =	vld [tilespmem:s9+$0x0];
	[tilespmem:s28+$0xFFFFFF80] =	vst v4  }
0x147: {  	v4 =	vld [tilespmem:s10+$0x10];
	[tilespmem:s28+$0xFFFFFBC0] =	vst v6  }
0x148: {  	v5 =	vld [tilespmem:s11+$0x10]  }
0x149: {  	v6 =	vld [tilespmem:s8+$0x10]  }
0x14a: {  	[tilespmem:s28+$0x350] =	vst v2  }
0x14b: {  	[tilespmem:s28+$0x160] =	vst v3;
	v2 =	vld [tilespmem:s30+$0x20]  }
0x14c: {  	v3 =	vld [tilespmem:s9+$0x10];
	[tilespmem:s28+$0xFFFFFDB0] =	vst v4  }
0x14d: {  	v4 =	vld [tilespmem:s10+$0x20];
	[tilespmem:s28+$0xFFFFFF90] =	vst v5  }
0x14e: {  	[tilespmem:s28+$0xFFFFFBD0] =	vst v6;
	v5 =	vld [tilespmem:s11+$0x20]  }
0x14f: {  	v6 =	vld [tilespmem:s8+$0x20]  }
0x150: {  	[tilespmem:s28+$0x360] =	vst v2  }
0x151: {  	[tilespmem:s28+$0x170] =	vst v3;
	v2 =	vld [tilespmem:s30+$0x30]  }
0x152: {  	v3 =	vld [tilespmem:s9+$0x20];
	[tilespmem:s28+$0xFFFFFDC0] =	vst v4  }
0x153: {  	(v2sf) =	vpush v1, $0x2;
	v4 =	vld [tilespmem:s10+$0x30];
	[tilespmem:s28+$0xFFFFFFA0] =	vst v5  }
0x154: {  	[tilespmem:s28+$0xFFFFFBE0] =	vst v6;
	v5 =	vld [tilespmem:s11+$0x30]  }
0x155: {  	v6 =	vld [tilespmem:s8+$0x30]  }
0x156: {  	[tilespmem:s28+$0x370] =	vst v2  }
0x157: {  	s13 =	simm.s32 $0x15;
	[tilespmem:s28+$0x180] =	vst v3;
	v2 =	vld [tilespmem:s30+$0x40]  }
0x158: {  	v3 =	vld [tilespmem:s9+$0x30];
	[tilespmem:s28+$0xFFFFFDD0] =	vst v4;
	v4 =	vmov s13  }
0x159: {  	s15 =	simm.s32 $0x6;
	v7 =	vld [tilespmem:s10+$0x40];
	v4 =	vmul.u32 $0x60, v4;
	[tilespmem:s28+$0xFFFFFFB0] =	vst v5  }
0x15a: {  	s16 =	simm.s32 $0xB;
	[tilespmem:s28+$0xFFFFFBF0] =	vst v6;
	v5 =	vmov s15;
	v6 =	vld [tilespmem:s11+$0x40]  }
0x15b: {  	s19 =	simm.s32 $0x1;
	v24 =	vmov s16;
	v8 =	vld [tilespmem:s8+$0x40];
	v5 =	vmul.u32 $0x60, v5;
	v4 =	vbroadcast v4, $0x0  }
0x15c: {  	v25 =	vmov s19;
	v9 =	vmul.u32 $0x60, v24;
	[tilespmem:s28+$0x380] =	vst v2  }
0x15d: {  	[tilespmem:s28+$0x190] =	vst v3;
	v2 =	vmul.u32 $0x60, v25;
	v3 =	vbroadcast v5, $0x0;
	v5 =	vld [tilespmem:s30+$0x50];
	v4 =	vadd.s32 v0, v4  }
0x15e: {  	s22 =	simm.s32 $0x10;
	v26 =	vld [tilespmem:s9+$0x40];
	[tilespmem:s28+$0xFFFFFDE0] =	vst v7;
	v7 =	vbroadcast v9, $0x0  }
0x15f: {  	v27 =	vmov s22;
	v2 =	vbroadcast v2, $0x0;
	v28 =	vld [tilespmem:s10+$0x50];
	v3 =	vadd.s32 v0, v3;
	[tilespmem:s28+$0xFFFFFFC0] =	vst v6  }
0x160: {  	v6 =	vmul.u32 $0x60, v27;
	[tilespmem:s28+$0xFFFFFC00] =	vst v8;
	v7 =	vadd.s32 v0, v7;
	v8 =	vld [tilespmem:s11+$0x50]  }
0x161: {  	v2 =	vadd.s32 v0, v2;
	v29 =	vld [tilespmem:s8+$0x50]  }
0x162: {  	s25 =	spop (v2sf);
	v6 =	vbroadcast v6, $0x0;
	[tilespmem:v4+s24+$0x0] =	vst.idx.msk $0xfff, v5  }
0x163: {  	[tilespmem:s28+$0x1A0] =	vst v26;
	v4 =	vld [tilespmem:s25+$0x0]  }
0x164: {  	v5 =	vld [tilespmem:s9+$0x50];
	v6 =	vadd.s32 v0, v6;
	[tilespmem:v3+s24+$0x0] =	vst.idx.msk $0xfff, v28  }
0x165: {  	v3 =	vld [tilespmem:s5+$0x0];
	[tilespmem:v7+s24+$0x0] =	vst.idx.msk $0xfff, v8  }
0x166: {  	[tilespmem:v2+s24+$0x0] =	vst.idx.msk $0xfff, v29;
	v2 =	vld [tilespmem:s4+$0x0];
	_ =	sdelay $0x1  }
0x167: {  	v7 =	vld [tilespmem:s2+$0x0];
	[tilespmem:s28+$0x3A0] =	vst v4  }
0x168: {  	[tilespmem:v6+s24+$0x0] =	vst.idx.msk $0xfff, v5;
	v4 =	vld [tilespmem:s25+$0x10]  }
0x169: {  	v5 =	vld [tilespmem:s3+$0x0];
	[tilespmem:s28+$0xFFFFFE00] =	vst v3  }
0x16a: {  	v3 =	vld [tilespmem:s5+$0x10];
	[tilespmem:s28+$0xFFFFFFE0] =	vst v2  }
0x16b: {  	v2 =	vld [tilespmem:s4+$0x10]  }
0x16c: {  	[tilespmem:s28+$0xFFFFFC20] =	vst v7  }
0x16d: {  	v6 =	vld [tilespmem:s2+$0x10];
	[tilespmem:s28+$0x3B0] =	vst v4  }
0x16e: {  	[tilespmem:s28+$0x1C0] =	vst v5;
	v4 =	vld [tilespmem:s25+$0x20]  }
0x16f: {  	v5 =	vld [tilespmem:s3+$0x10];
	[tilespmem:s28+$0xFFFFFE10] =	vst v3  }
0x170: {  	v3 =	vld [tilespmem:s5+$0x20];
	[tilespmem:s28+$0xFFFFFFF0] =	vst v2  }
0x171: {  	v2 =	vld [tilespmem:s4+$0x20]  }
0x172: {  	[tilespmem:s28+$0xFFFFFC30] =	vst v6  }
0x173: {  	v6 =	vld [tilespmem:s2+$0x20];
	[tilespmem:s28+$0x3C0] =	vst v4  }
0x174: {  	[tilespmem:s28+$0x1D0] =	vst v5;
	v4 =	vld [tilespmem:s25+$0x30]  }
0x175: {  	v5 =	vld [tilespmem:s3+$0x20];
	[tilespmem:s28+$0xFFFFFE20] =	vst v3  }
0x176: {  	(v2sf) =	vpush v1, $0x3;
	v3 =	vld [tilespmem:s5+$0x30];
	[tilespmem:s28+$0x0] =	vst v2  }
0x177: {  	v2 =	vld [tilespmem:s4+$0x30]  }
0x178: {  	[tilespmem:s28+$0xFFFFFC40] =	vst v6  }
0x179: {  	v6 =	vld [tilespmem:s2+$0x30];
	[tilespmem:s28+$0x3D0] =	vst v4  }
0x17a: {  	s26 =	simm.s32 $0x16;
	[tilespmem:s28+$0x1E0] =	vst v5;
	v4 =	vld [tilespmem:s25+$0x40]  }
0x17b: {  	v5 =	vld [tilespmem:s3+$0x30];
	[tilespmem:s28+$0xFFFFFE30] =	vst v3;
	v3 =	vmov s26  }
0x17c: {  	[tilespmem:s28+$0x10] =	vst v2;
	v2 =	vmul.u32 $0x60, v3  }
0x17d: {  	s30 =	simm.s32 $0x7;
	v7 =	vld [tilespmem:s5+$0x40]  }
0x17e: {  	s10 =	simm.s32 $0xC;
	[tilespmem:s28+$0xFFFFFC50] =	vst v6;
	v3 =	vmov s30;
	v6 =	vld [tilespmem:s4+$0x40];
	v2 =	vbroadcast v2, $0x0  }
0x17f: {  	v30 =	vmov s10;
	s11 =	simm.s32 $0x2;
	v8 =	vld [tilespmem:s2+$0x40];
	v3 =	vmul.u32 $0x60, v3;
	[tilespmem:s28+$0x3E0] =	vst v4  }
0x180: {  	v9 =	vmul.u32 $0x60, v30;
	v31 =	vmov s11;
	[tilespmem:s28+$0x1F0] =	vst v5;
	v5 =	vld [tilespmem:s25+$0x50];
	v2 =	vadd.s32 v0, v2  }
0x181: {  	v4 =	vmul.u32 $0x60, v31;
	v3 =	vbroadcast v3, $0x0  }
0x182: {  	v32 =	vld [tilespmem:s3+$0x40];
	[tilespmem:s28+$0xFFFFFE40] =	vst v7;
	v7 =	vbroadcast v9, $0x0  }
0x183: {  	s12 =	simm.s32 $0x11;
	v4 =	vbroadcast v4, $0x0;
	v11 =	vld [tilespmem:s5+$0x50];
	v3 =	vadd.s32 v0, v3;
	[tilespmem:s28+$0x20] =	vst v6  }
0x184: {  	v33 =	vmov s12;
	[tilespmem:s28+$0xFFFFFC60] =	vst v8;
	v7 =	vadd.s32 v0, v7;
	v8 =	vld [tilespmem:s4+$0x50]  }
0x185: {  	s13 =	spop (v2sf);
	v6 =	vmul.u32 $0x60, v33;
	v4 =	vadd.s32 v0, v4;
	v34 =	vld [tilespmem:s2+$0x50];
	[tilespmem:v2+s24+$0x0] =	vst.idx.msk $0xfff, v5  }
0x186: {  	v2 =	vld [tilespmem:s13+$0x0]  }
0x187: {  	v6 =	vbroadcast v6, $0x0;
	[tilespmem:s28+$0x200] =	vst v32  }
0x188: {  	[tilespmem:v3+s24+$0x0] =	vst.idx.msk $0xfff, v11  }
0x189: {  	v5 =	vld [tilespmem:s3+$0x50];
	v6 =	vadd.s32 v0, v6;
	[tilespmem:v7+s24+$0x0] =	vst.idx.msk $0xfff, v8  }
0x18a: {  	v3 =	vld [tilespmem:s0+$0x0];
	[tilespmem:v4+s24+$0x0] =	vst.idx.msk $0xfff, v34  }
0x18b: {  	v7 =	vld [tilespmem:s1+$0x0];
	[tilespmem:s28+$0x400] =	vst v2  }
0x18c: {  	v2 =	vld [tilespmem:s13+$0x10]  }
0x18d: {  	s4 =	sadd.s32 $0x19, s21;
	v4 =	vld [tilespmem:s6+$0x0]  }
0x18e: {  	(v2sf) =	vpush v1, $0x4;
	v1 =	vld [tilespmem:s4+$0xA];
	[tilespmem:v6+s24+$0x0] =	vst.idx.msk $0xfff, v5  }
0x18f: {  	v5 =	vld [tilespmem:s7+$0x0];
	[tilespmem:s28+$0xFFFFFE60] =	vst v3  }
0x190: {  	v3 =	vld [tilespmem:s0+$0x10];
	[tilespmem:s28+$0xFFFFFC80] =	vst v7  }
0x191: {  	v6 =	vld [tilespmem:s1+$0x10];
	[tilespmem:s28+$0x410] =	vst v2  }
0x192: {  	[tilespmem:s28+$0x40] =	vst v4;
	v2 =	vld [tilespmem:s13+$0x20]  }
0x193: {  	v4 =	vld [tilespmem:s6+$0x10]  }
0x194: {  	v35 =	vld [tilespmem:s4+$0x0];
	[tilespmem:s28+$0x220] =	vst v5  }
0x195: {  	v5 =	vld [tilespmem:s7+$0x10];
	[tilespmem:s28+$0xFFFFFE70] =	vst v3  }
0x196: {  	v3 =	vld [tilespmem:s0+$0x20];
	[tilespmem:s28+$0xFFFFFC90] =	vst v6  }
0x197: {  	v6 =	vld [tilespmem:s1+$0x20];
	[tilespmem:s28+$0x420] =	vst v2  }
0x198: {  	[tilespmem:s28+$0x50] =	vst v4;
	v2 =	vld [tilespmem:s13+$0x30]  }
0x199: {  	v4 =	vld [tilespmem:s6+$0x20]  }
0x19a: {  	v7 =	vld [tilespmem:s4+$0xFFFFFFFB];
	[tilespmem:s28+$0x230] =	vst v5  }
0x19b: {  	v5 =	vld [tilespmem:s7+$0x20];
	[tilespmem:s28+$0xFFFFFE80] =	vst v3  }
0x19c: {  	v3 =	vld [tilespmem:s0+$0x30];
	[tilespmem:s28+$0xFFFFFCA0] =	vst v6  }
0x19d: {  	v6 =	vld [tilespmem:s1+$0x30];
	[tilespmem:s28+$0x430] =	vst v2  }
0x19e: {  	s14 =	simm.s32 $0x17;
	[tilespmem:s28+$0x60] =	vst v4;
	v2 =	vld [tilespmem:s13+$0x40]  }
0x19f: {  	v8 =	vmov s14;
	v1 =	vmul.u32 $0x5C, v1;
	v4 =	vld [tilespmem:s6+$0x30]  }
0x1a0: {  	v36 =	vld [tilespmem:s4+$0x5];
	v8 =	vmul.u32 $0x60, v8;
	[tilespmem:s28+$0x240] =	vst v5  }
0x1a1: {  	v37 =	vld [tilespmem:s4+$0xFFFFFFF6];
	(v2sf) =	vpush v1, $0x0;
	[tilespmem:s28+$0xFFFFFE90] =	vst v3  }
0x1a2: {  	v8 =	vbroadcast v8, $0x0;
	[tilespmem:s28+$0xFFFFFCB0] =	vst v6  }
0x1a3: {  	s15 =	simm.s32 $0x3;
	v3 =	vld [tilespmem:s1+$0x40];
	[tilespmem:s28+$0x440] =	vst v2;
	v2 =	vmul.u32 $0x5C, v7  }
0x1a4: {  	[tilespmem:s28+$0x70] =	vst v4;
	v4 =	vmov s15;
	v7 =	vadd.s32 v0, v8;
	v8 =	vmul.u32 $0x5C, v35;
	v5 =	vld [tilespmem:s13+$0x50]  }
0x1a5: {  	v38 =	vmul.u32 $0x5C, v36;
	v6 =	vld [tilespmem:s7+$0x30];
	v4 =	vmul.u32 $0x60, v4;
	(v2sf) =	vpush v2, $0x0  }
0x1a6: {  	s16 =	simm.s32 $0x8;
	v11 =	vmul.u32 $0x5C, v37;
	v39 =	vld [tilespmem:s0+$0x40];
	(v2sf) =	vpush v8, $0x0  }
0x1a7: {  	s19 =	simm.s32 $0xD;
	v12 =	vmov s16;
	v13 =	vld [tilespmem:s6+$0x40];
	v4 =	vbroadcast v4, $0x0;
	(v2sf) =	vpush v38, $0x0  }
0x1a8: {  	v14 =	vmov s19;
	v12 =	vmul.u32 $0x60, v12;
	[tilespmem:s28+$0xFFFFFCC0] =	vst v3;
	(v2sf) =	vpush v11, $0x0  }
0x1a9: {  	s21 =	spop (v2sf);
	v4 =	vadd.s32 v0, v4;
	v41 =	vld [tilespmem:s1+$0x50];
	[tilespmem:v7+s24+$0x0] =	vst.idx.msk $0xfff, v5;
	v5 =	vmul.u32 $0x60, v14  }
0x1aa: {  	[tilespmem:s28+$0x250] =	vst v6;
	v3 =	vbroadcast v12, $0x0;
	v6 =	vld [tilespmem:s21+$0x0]  }
0x1ab: {  	[tilespmem:s28+$0xFFFFFEA0] =	vst v39;
	v5 =	vbroadcast v5, $0x0  }
0x1ac: {  	v43 =	vld [tilespmem:s0+$0x50];
	[tilespmem:s28+$0x80] =	vst v13;
	v3 =	vadd.s32 v0, v3  }
0x1ad: {  	v13 =	vld [tilespmem:s6+$0x50];
	v5 =	vadd.s32 v0, v5  }
0x1ae: {  	s22 =	simm.s32 $0x12;
	v7 =	vld [tilespmem:s7+$0x40];
	[tilespmem:v4+s24+$0x0] =	vst.idx.msk $0xfff, v41  }
0x1af: {  	v40 =	vmov s22;
	v4 =	vld [tilespmem:s29+$0x0];
	[tilespmem:s28+$0x460] =	vst v6  }
0x1b0: {  	v42 =	vmul.u32 $0x60, v40;
	s16 =	spop (v2sf);
	v6 =	vld [tilespmem:s21+$0x10]  }
0x1b1: {  	v44 =	vld [tilespmem:s16+$0x0];
	[tilespmem:v3+s24+$0x0] =	vst.idx.msk $0xfff, v43  }
0x1b2: {  	v10 =	vbroadcast v42, $0x0;
	v3 =	vld [tilespmem:s18+$0x0];
	[tilespmem:v5+s24+$0x0] =	vst.idx.msk $0xfff, v13  }
0x1b3: {  	[tilespmem:s28+$0x260] =	vst v7;
	v5 =	vld [tilespmem:s17+$0x0]  }
0x1b4: {  	v10 =	vadd.s32 v0, v10;
	v7 =	vld [tilespmem:s7+$0x50];
	[tilespmem:s28+$0xFFFFFCE0] =	vst v4;
	s14 =	spop (v2sf)  }
0x1b5: {  	s26 =	simm.s32 $0x3EA0;
	[tilespmem:s28+$0x470] =	vst v6;
	s12 =	spop (v2sf);
	v4 =	vld [tilespmem:s14+$0x0]  }
0x1b6: {  	[tilespmem:s26+$0x2E0] =	vst v44;
	v6 =	vld [tilespmem:s21+$0x20];
	s10 =	spop (v2sf)  }
0x1b7: {  	[tilespmem:s28+$0xFFFFFEC0] =	vst v3;
	v3 =	vld [tilespmem:s12+$0x0];
	s15 =	spop (v2sf)  }
0x1b8: {  	(v2sf) =	vpush v11, $0x1;
	[tilespmem:s28+$0xA0] =	vst v5;
	v5 =	vld [tilespmem:s15+$0x0]  }
0x1b9: {  	(v2sf) =	vpush v2, $0x1;
	[tilespmem:v10+s24+$0x0] =	vst.idx.msk $0xfff, v7;
	v7 =	vld [tilespmem:s10+$0x0]  }
0x1ba: {  	v45 =	vld [tilespmem:s16+$0x10];
	(v2sf) =	vpush v8, $0x1;
	[tilespmem:s26+$0xFFFFFD40] =	vst v4  }
0x1bb: {  	(v2sf) =	vpush v38, $0x1;
	[tilespmem:s28+$0x480] =	vst v6;
	v6 =	vld [tilespmem:s14+$0x10]  }
0x1bc: {  	(v2sf) =	vpush v11, $0x2;
	[tilespmem:s26+$0xFFFFFF20] =	vst v3;
	v4 =	vld [tilespmem:s21+$0x30]  }
0x1bd: {  	(v2sf) =	vpush v2, $0x2;
	v3 =	vld [tilespmem:s12+$0x10];
	[tilespmem:s26+$0xFFFFFB60] =	vst v5  }
0x1be: {  	(v2sf) =	vpush v8, $0x2;
	[tilespmem:s26+$0x100] =	vst v7;
	v5 =	vld [tilespmem:s15+$0x10]  }
0x1bf: {  	[tilespmem:s26+$0x2F0] =	vst v45;
	(v2sf) =	vpush v38, $0x2;
	v7 =	vld [tilespmem:s10+$0x10]  }
0x1c0: {  	(v2sf) =	vpush v11, $0x3;
	v10 =	vld [tilespmem:s16+$0x20];
	[tilespmem:s26+$0xFFFFFD50] =	vst v6  }
0x1c1: {  	(v2sf) =	vpush v2, $0x3;
	[tilespmem:s28+$0x490] =	vst v4;
	v6 =	vld [tilespmem:s14+$0x20]  }
0x1c2: {  	s25 =	simm.s32 $0x18;
	(v2sf) =	vpush v8, $0x3;
	[tilespmem:s26+$0xFFFFFF30] =	vst v3;
	v4 =	vld [tilespmem:s21+$0x40]  }
0x1c3: {  	(v2sf) =	vpush v38, $0x3;
	v3 =	vmov s25;
	[tilespmem:s26+$0xFFFFFB70] =	vst v5;
	v5 =	vld [tilespmem:s12+$0x20]  }
0x1c4: {  	(v2sf) =	vpush v11, $0x4;
	v3 =	vmul.u32 $0x60, v3;
	[tilespmem:s26+$0x110] =	vst v7;
	v46 =	vld [tilespmem:s15+$0x20]  }
0x1c5: {  	(v2sf) =	vpush v2, $0x4;
	[tilespmem:s26+$0x300] =	vst v10;
	v2 =	vld [tilespmem:s10+$0x20]  }
0x1c6: {  	(v2sf) =	vpush v8, $0x4;
	v7 =	vld [tilespmem:s16+$0x30];
	v3 =	vbroadcast v3, $0x0;
	[tilespmem:s26+$0xFFFFFD60] =	vst v6  }
0x1c7: {  	s7 =	spop (v2sf);
	(v2sf) =	vpush v38, $0x4;
	[tilespmem:s28+$0x4A0] =	vst v4;
	v6 =	vld [tilespmem:s14+$0x30]  }
0x1c8: {  	s11 =	spop (v2sf);
	(v2sf) =	vpush v1, $0x1;
	v3 =	vadd.s32 v0, v3;
	v4 =	vld [tilespmem:s21+$0x50];
	[tilespmem:s26+$0xFFFFFF40] =	vst v5  }
0x1c9: {  	s9 =	spop (v2sf);
	[tilespmem:s26+$0xFFFFFB80] =	vst v46;
	v5 =	vld [tilespmem:s12+$0x30]  }
0x1ca: {  	s8 =	spop (v2sf);
	[tilespmem:s26+$0x120] =	vst v2;
	v8 =	vld [tilespmem:s15+$0x30]  }
0x1cb: {  	s2 =	spop (v2sf);
	[tilespmem:s26+$0x310] =	vst v7;
	v2 =	vld [tilespmem:s10+$0x30]  }
0x1cc: {  	s30 =	simm.s32 $0x2D;
	s6 =	spop (v2sf);
	v7 =	vld [tilespmem:s16+$0x40];
	[tilespmem:s26+$0xFFFFFD70] =	vst v6  }
0x1cd: {  	s5 =	spop (v2sf);
	[tilespmem:v3+s24+$0x0] =	vst.idx.msk $0xfff, v4;
	v3 =	vmov s30;
	v4 =	vld [tilespmem:s23+$0x0]  }
0x1ce: {  	s0 =	simm.s32 $0x1E;
	s3 =	spop (v2sf);
	v6 =	vld [tilespmem:s14+$0x40];
	[tilespmem:s26+$0xFFFFFF50] =	vst v5;
	v3 =	vmul.u32 $0x60, v3  }
0x1cf: {  	s1 =	simm.s32 $0x23;
	s19 =	spop (v2sf);
	v5 =	vmov s0;
	[tilespmem:s26+$0xFFFFFB90] =	vst v8;
	v8 =	vld [tilespmem:s12+$0x40]  }
0x1d0: {  	s22 =	simm.s32 $0x19;
	s13 =	simm.s32 $0x28;
	v48 =	vmov s1;
	s0 =	spop (v2sf);
	[tilespmem:s26+$0x130] =	vst v2;
	v5 =	vmul.u32 $0x60, v5;
	v47 =	vld [tilespmem:s15+$0x40];
	v2 =	vbroadcast v3, $0x0  }
0x1d1: {  	v10 =	vmul.u32 $0x60, v48;
	[tilespmem:s26+$0x320] =	vst v7;
	v7 =	vmov s13;
	s1 =	spop (v2sf);
	v49 =	vld [tilespmem:s10+$0x40];
	v3 =	vmov s22  }
0x1d2: {  	v12 =	vld [tilespmem:s16+$0x50];
	s31 =	spop (v2sf);
	v3 =	vmul.u32 $0x60, v3;
	v5 =	vbroadcast v5, $0x0;
	v2 =	vadd.s32 v0, v2;
	[tilespmem:s28+$0x280] =	vst v4  }
0x1d3: {  	s16 =	spop (v2sf);
	[tilespmem:s26+$0xFFFFFD80] =	vst v6;
	v4 =	vbroadcast v10, $0x0;
	v6 =	vmul.u32 $0x60, v7;
	v7 =	vld [tilespmem:s29+$0x10]  }
0x1d4: {  	s21 =	spop (v2sf);
	v50 =	vld [tilespmem:s14+$0x50];
	v3 =	vbroadcast v3, $0x0;
	v5 =	vadd.s32 v0, v5;
	[tilespmem:s26+$0xFFFFFF60] =	vst v8  }
0x1d5: {  	s25 =	spop (v2sf);
	v4 =	vadd.s32 v0, v4;
	v6 =	vbroadcast v6, $0x0;
	v8 =	vld [tilespmem:s12+$0x50];
	[tilespmem:s26+$0xFFFFFBA0] =	vst v47  }
0x1d6: {  	s13 =	spop (v2sf);
	[tilespmem:s26+$0x140] =	vst v49;
	v3 =	vadd.s32 v0, v3;
	v9 =	vld [tilespmem:s15+$0x50]  }
0x1d7: {  	v11 =	vld [tilespmem:s10+$0x50];
	s10 =	spop (v2sf);
	v6 =	vadd.s32 v0, v6;
	[tilespmem:v2+s24+$0x0] =	vst.idx.msk $0xfff, v12  }
0x1d8: {  	[tilespmem:s28+$0xFFFFFCF0] =	vst v7;
	v2 =	vld [tilespmem:s10+$0x0]  }
0x1d9: {  	[tilespmem:v5+s24+$0x0] =	vst.idx.msk $0xfff, v50;
	v5 =	vld [tilespmem:s18+$0x10]  }
0x1da: {  	v7 =	vld [tilespmem:s11+$0x0];
	[tilespmem:v4+s24+$0x0] =	vst.idx.msk $0xfff, v8  }
0x1db: {  	[tilespmem:v3+s24+$0x0] =	vst.idx.msk $0xfff, v9;
	v3 =	vld [tilespmem:s9+$0x0]  }
0x1dc: {  	[tilespmem:v6+s24+$0x0] =	vst.idx.msk $0xfff, v11;
	v4 =	vld [tilespmem:s7+$0x0]  }
0x1dd: {  	v6 =	vld [tilespmem:s8+$0x0];
	[tilespmem:s26+$0x340] =	vst v2  }
0x1de: {  	[tilespmem:s28+$0xFFFFFED0] =	vst v5;
	v2 =	vld [tilespmem:s10+$0x10]  }
0x1df: {  	v5 =	vld [tilespmem:s17+$0x10];
	[tilespmem:s26+$0xFFFFFDA0] =	vst v7  }
0x1e0: {  	v7 =	vld [tilespmem:s11+$0x10];
	[tilespmem:s26+$0xFFFFFF80] =	vst v3  }
0x1e1: {  	[tilespmem:s26+$0xFFFFFBC0] =	vst v4;
	v3 =	vld [tilespmem:s9+$0x10]  }
0x1e2: {  	[tilespmem:s26+$0x160] =	vst v6;
	v4 =	vld [tilespmem:s7+$0x10]  }
0x1e3: {  	v6 =	vld [tilespmem:s8+$0x10];
	[tilespmem:s26+$0x350] =	vst v2  }
0x1e4: {  	[tilespmem:s28+$0xB0] =	vst v5;
	v2 =	vld [tilespmem:s10+$0x20]  }
0x1e5: {  	v5 =	vld [tilespmem:s23+$0x10];
	[tilespmem:s26+$0xFFFFFDB0] =	vst v7  }
0x1e6: {  	v7 =	vld [tilespmem:s11+$0x20];
	[tilespmem:s26+$0xFFFFFF90] =	vst v3  }
0x1e7: {  	[tilespmem:s26+$0xFFFFFBD0] =	vst v4;
	v3 =	vld [tilespmem:s9+$0x20]  }
0x1e8: {  	[tilespmem:s26+$0x170] =	vst v6;
	v4 =	vld [tilespmem:s7+$0x20]  }
0x1e9: {  	v6 =	vld [tilespmem:s8+$0x20];
	[tilespmem:s26+$0x360] =	vst v2  }
0x1ea: {  	[tilespmem:s28+$0x290] =	vst v5;
	v2 =	vld [tilespmem:s10+$0x30]  }
0x1eb: {  	v5 =	vld [tilespmem:s29+$0x20];
	[tilespmem:s26+$0xFFFFFDC0] =	vst v7  }
0x1ec: {  	(v2sf) =	vpush v1, $0x2;
	v7 =	vld [tilespmem:s11+$0x30];
	[tilespmem:s26+$0xFFFFFFA0] =	vst v3  }
0x1ed: {  	[tilespmem:s26+$0xFFFFFBE0] =	vst v4;
	v3 =	vld [tilespmem:s9+$0x30]  }
0x1ee: {  	[tilespmem:s26+$0x180] =	vst v6;
	v4 =	vld [tilespmem:s7+$0x30]  }
0x1ef: {  	v6 =	vld [tilespmem:s8+$0x30];
	[tilespmem:s26+$0x370] =	vst v2  }
0x1f0: {  	s14 =	simm.s32 $0x2E;
	[tilespmem:s28+$0xFFFFFD00] =	vst v5;
	v2 =	vld [tilespmem:s10+$0x40]  }
0x1f1: {  	v5 =	vmov s14;
	[tilespmem:s26+$0xFFFFFDD0] =	vst v7;
	v7 =	vld [tilespmem:s18+$0x20]  }
0x1f2: {  	s15 =	simm.s32 $0x1F;
	v8 =	vld [tilespmem:s11+$0x40];
	[tilespmem:s26+$0xFFFFFFB0] =	vst v3;
	v3 =	vmul.u32 $0x60, v5  }
0x1f3: {  	s30 =	simm.s32 $0x24;
	v5 =	vmov s15;
	[tilespmem:s26+$0xFFFFFBF0] =	vst v4;
	v4 =	vld [tilespmem:s9+$0x40]  }
0x1f4: {  	v51 =	vmov s30;
	s14 =	simm.s32 $0x1A;
	s15 =	simm.s32 $0x29;
	v5 =	vmul.u32 $0x60, v5;
	[tilespmem:s26+$0x190] =	vst v6;
	v52 =	vld [tilespmem:s7+$0x40];
	v3 =	vbroadcast v3, $0x0  }
0x1f5: {  	v9 =	vmul.u32 $0x60, v51;
	v6 =	vmov s14;
	v53 =	vmov s15;
	v54 =	vld [tilespmem:s8+$0x40];
	[tilespmem:s26+$0x380] =	vst v2  }
0x1f6: {  	v6 =	vmul.u32 $0x60, v6;
	v5 =	vbroadcast v5, $0x0;
	[tilespmem:s28+$0xFFFFFEE0] =	vst v7;
	v2 =	vld [tilespmem:s10+$0x50];
	v3 =	vadd.s32 v0, v3  }
0x1f7: {  	v55 =	vld [tilespmem:s17+$0x20];
	v7 =	vbroadcast v9, $0x0;
	[tilespmem:s26+$0xFFFFFDE0] =	vst v8;
	v8 =	vmul.u32 $0x60, v53  }
0x1f8: {  	v6 =	vbroadcast v6, $0x0;
	v56 =	vld [tilespmem:s11+$0x50];
	v5 =	vadd.s32 v0, v5;
	[tilespmem:s26+$0xFFFFFFC0] =	vst v4  }
0x1f9: {  	v7 =	vadd.s32 v0, v7;
	v8 =	vbroadcast v8, $0x0;
	[tilespmem:s26+$0xFFFFFC00] =	vst v52;
	v4 =	vld [tilespmem:s9+$0x50]  }
0x1fa: {  	v6 =	vadd.s32 v0, v6;
	[tilespmem:s26+$0x1A0] =	vst v54;
	v10 =	vld [tilespmem:s7+$0x50]  }
0x1fb: {  	s30 =	spop (v2sf);
	v12 =	vld [tilespmem:s8+$0x50];
	v8 =	vadd.s32 v0, v8;
	[tilespmem:v3+s24+$0x0] =	vst.idx.msk $0xfff, v2  }
0x1fc: {  	[tilespmem:s28+$0xC0] =	vst v55;
	v2 =	vld [tilespmem:s30+$0x0]  }
0x1fd: {  	v3 =	vld [tilespmem:s23+$0x20];
	[tilespmem:v5+s24+$0x0] =	vst.idx.msk $0xfff, v56  }
0x1fe: {  	v5 =	vld [tilespmem:s6+$0x0];
	[tilespmem:v7+s24+$0x0] =	vst.idx.msk $0xfff, v4  }
0x1ff: {  	[tilespmem:v6+s24+$0x0] =	vst.idx.msk $0xfff, v10;
	v4 =	vld [tilespmem:s5+$0x0]  }
0x200: {  	[tilespmem:v8+s24+$0x0] =	vst.idx.msk $0xfff, v12;
	v6 =	vld [tilespmem:s2+$0x0]  }
0x201: {  	v7 =	vld [tilespmem:s3+$0x0];
	[tilespmem:s26+$0x3A0] =	vst v2  }
0x202: {  	[tilespmem:s28+$0x2A0] =	vst v3;
	v2 =	vld [tilespmem:s30+$0x10]  }
0x203: {  	v3 =	vld [tilespmem:s29+$0x30];
	[tilespmem:s26+$0xFFFFFE00] =	vst v5  }
0x204: {  	v5 =	vld [tilespmem:s6+$0x10];
	[tilespmem:s26+$0xFFFFFFE0] =	vst v4  }
0x205: {  	[tilespmem:s26+$0xFFFFFC20] =	vst v6;
	v4 =	vld [tilespmem:s5+$0x10]  }
0x206: {  	[tilespmem:s26+$0x1C0] =	vst v7;
	v6 =	vld [tilespmem:s2+$0x10]  }
0x207: {  	v7 =	vld [tilespmem:s3+$0x10];
	[tilespmem:s26+$0x3B0] =	vst v2  }
0x208: {  	[tilespmem:s28+$0xFFFFFD10] =	vst v3;
	v2 =	vld [tilespmem:s30+$0x20]  }
0x209: {  	v3 =	vld [tilespmem:s18+$0x30];
	[tilespmem:s26+$0xFFFFFE10] =	vst v5  }
0x20a: {  	v5 =	vld [tilespmem:s6+$0x20];
	[tilespmem:s26+$0xFFFFFFF0] =	vst v4  }
0x20b: {  	[tilespmem:s26+$0xFFFFFC30] =	vst v6;
	v4 =	vld [tilespmem:s5+$0x20]  }
0x20c: {  	[tilespmem:s26+$0x1D0] =	vst v7;
	v6 =	vld [tilespmem:s2+$0x20]  }
0x20d: {  	v7 =	vld [tilespmem:s3+$0x20];
	[tilespmem:s26+$0x3C0] =	vst v2  }
0x20e: {  	[tilespmem:s28+$0xFFFFFEF0] =	vst v3;
	v2 =	vld [tilespmem:s30+$0x30]  }
0x20f: {  	v3 =	vld [tilespmem:s17+$0x30];
	[tilespmem:s26+$0xFFFFFE20] =	vst v5  }
0x210: {  	(v2sf) =	vpush v1, $0x3;
	v5 =	vld [tilespmem:s6+$0x30];
	[tilespmem:s26+$0x0] =	vst v4  }
0x211: {  	[tilespmem:s26+$0xFFFFFC40] =	vst v6;
	v4 =	vld [tilespmem:s5+$0x30]  }
0x212: {  	[tilespmem:s26+$0x1E0] =	vst v7;
	v6 =	vld [tilespmem:s2+$0x30]  }
0x213: {  	v7 =	vld [tilespmem:s3+$0x30];
	[tilespmem:s26+$0x3D0] =	vst v2  }
0x214: {  	s10 =	simm.s32 $0x2F;
	[tilespmem:s28+$0xD0] =	vst v3;
	v2 =	vld [tilespmem:s30+$0x40]  }
0x215: {  	v3 =	vmov s10;
	[tilespmem:s26+$0xFFFFFE30] =	vst v5;
	v5 =	vld [tilespmem:s23+$0x30]  }
0x216: {  	s11 =	simm.s32 $0x20;
	v3 =	vmul.u32 $0x60, v3;
	v8 =	vld [tilespmem:s6+$0x40];
	[tilespmem:s26+$0x10] =	vst v4  }
0x217: {  	s12 =	simm.s32 $0x25;
	v4 =	vmov s11;
	[tilespmem:s26+$0xFFFFFC50] =	vst v6;
	v6 =	vld [tilespmem:s5+$0x40]  }
0x218: {  	v58 =	vmov s12;
	s14 =	simm.s32 $0x1B;
	s15 =	simm.s32 $0x2A;
	v3 =	vbroadcast v3, $0x0;
	v4 =	vmul.u32 $0x60, v4;
	[tilespmem:s26+$0x1F0] =	vst v7;
	v57 =	vld [tilespmem:s2+$0x40]  }
0x219: {  	v59 =	vmov s15;
	v10 =	vmul.u32 $0x60, v58;
	v7 =	vmov s14;
	v12 =	vld [tilespmem:s3+$0x40];
	[tilespmem:s26+$0x3E0] =	vst v2  }
0x21a: {  	v3 =	vadd.s32 v0, v3;
	v7 =	vmul.u32 $0x60, v7;
	v4 =	vbroadcast v4, $0x0;
	[tilespmem:s28+$0x2B0] =	vst v5;
	v2 =	vld [tilespmem:s30+$0x50]  }
0x21b: {  	v60 =	vld [tilespmem:s29+$0x40];
	v5 =	vbroadcast v10, $0x0;
	[tilespmem:s26+$0xFFFFFE40] =	vst v8;
	v8 =	vmul.u32 $0x60, v59  }
0x21c: {  	v7 =	vbroadcast v7, $0x0;
	v61 =	vld [tilespmem:s6+$0x50];
	v4 =	vadd.s32 v0, v4;
	[tilespmem:s26+$0x20] =	vst v6  }
0x21d: {  	v5 =	vadd.s32 v0, v5;
	v8 =	vbroadcast v8, $0x0;
	[tilespmem:s26+$0xFFFFFC60] =	vst v57;
	v6 =	vld [tilespmem:s5+$0x50]  }
0x21e: {  	v7 =	vadd.s32 v0, v7;
	[tilespmem:s26+$0x200] =	vst v12;
	v9 =	vld [tilespmem:s2+$0x50]  }
0x21f: {  	v12 =	vld [tilespmem:s3+$0x50];
	v8 =	vadd.s32 v0, v8;
	s2 =	spop (v2sf);
	[tilespmem:v3+s24+$0x0] =	vst.idx.msk $0xfff, v2  }
0x220: {  	[tilespmem:s28+$0xFFFFFD20] =	vst v60;
	v2 =	vld [tilespmem:s2+$0x0]  }
0x221: {  	v3 =	vld [tilespmem:s18+$0x40];
	[tilespmem:v4+s24+$0x0] =	vst.idx.msk $0xfff, v61  }
0x222: {  	v4 =	vld [tilespmem:s0+$0x0];
	[tilespmem:v5+s24+$0x0] =	vst.idx.msk $0xfff, v6  }
0x223: {  	[tilespmem:v7+s24+$0x0] =	vst.idx.msk $0xfff, v9;
	v5 =	vld [tilespmem:s1+$0x0]  }
0x224: {  	[tilespmem:v8+s24+$0x0] =	vst.idx.msk $0xfff, v12;
	v6 =	vld [tilespmem:s19+$0x0]  }
0x225: {  	v7 =	vld [tilespmem:s31+$0x0];
	[tilespmem:s26+$0x400] =	vst v2  }
0x226: {  	[tilespmem:s28+$0xFFFFFF00] =	vst v3;
	v2 =	vld [tilespmem:s2+$0x10]  }
0x227: {  	v3 =	vld [tilespmem:s17+$0x40];
	[tilespmem:s26+$0xFFFFFE60] =	vst v4  }
0x228: {  	v4 =	vld [tilespmem:s0+$0x10];
	[tilespmem:s26+$0x40] =	vst v5  }
0x229: {  	[tilespmem:s26+$0xFFFFFC80] =	vst v6;
	v5 =	vld [tilespmem:s1+$0x10]  }
0x22a: {  	[tilespmem:s26+$0x220] =	vst v7;
	v6 =	vld [tilespmem:s19+$0x10]  }
0x22b: {  	v7 =	vld [tilespmem:s31+$0x10];
	[tilespmem:s26+$0x410] =	vst v2  }
0x22c: {  	[tilespmem:s28+$0xE0] =	vst v3;
	v2 =	vld [tilespmem:s2+$0x20]  }
0x22d: {  	s30 =	simm.s32 $0x4;
	v3 =	vld [tilespmem:s23+$0x40];
	[tilespmem:s26+$0xFFFFFE70] =	vst v4  }
0x22e: {  	v4 =	vld [tilespmem:s0+$0x20];
	[tilespmem:s26+$0x50] =	vst v5;
	v5 =	vmov s30  }
0x22f: {  	[tilespmem:s26+$0xFFFFFC90] =	vst v6;
	v6 =	vld [tilespmem:s1+$0x20];
	v5 =	vmul.u32 $0x60, v5  }
0x230: {  	[tilespmem:s26+$0x230] =	vst v7;
	v8 =	vld [tilespmem:s19+$0x20]  }
0x231: {  	v7 =	vld [tilespmem:s31+$0x20];
	[tilespmem:s26+$0x420] =	vst v2;
	v2 =	vbroadcast v5, $0x0  }
0x232: {  	[tilespmem:s28+$0x2C0] =	vst v3;
	v5 =	vld [tilespmem:s2+$0x30]  }
0x233: {  	v62 =	vld [tilespmem:s29+$0x50];
	[tilespmem:s26+$0xFFFFFE80] =	vst v4;
	v63 =	vadd.s32 v0, v2  }
0x234: {  	s9 =	sadd.s32 $0x19, s4;
	v2 =	vld [tilespmem:s0+$0x30];
	[tilespmem:s26+$0x60] =	vst v6  }
0x235: {  	v6 =	vld [tilespmem:s9+$0xA];
	[tilespmem:s26+$0xFFFFFCA0] =	vst v8  }
0x236: {  	v3 =	vld [tilespmem:s1+$0x30];
	[tilespmem:s26+$0x240] =	vst v7  }
0x237: {  	s4 =	simm.s32 $0x4B;
	s8 =	smov.u32 s19;
	v4 =	vld [tilespmem:s19+$0x30];
	[tilespmem:s26+$0x430] =	vst v5  }
0x238: {  	s29 =	simm.s32 $0x3EA0;
	(v2sf) =	vpush v1, $0x4;
	s3 =	simm.s32 $0x30;
	s28 =	simm.s32 $0x32;
	v5 =	vld [tilespmem:s2+$0x40];
	[tilespmem:v63+s24+$0x0] =	vst.idx.msk $0xfff, v62  }
.LBB2_7:
0x239: {  	_ =	sdelay $0x1  }
0x23a: {  	v7 =	vld [tilespmem:s9+$0xFFFFFFFB]  }
0x23b: {  	v1 =	vmov s3;
	v13 =	vld [tilespmem:s31+$0x30];
	[tilespmem:s26+$0xFFFFFE90] =	vst v2  }
0x23c: {  	s5 =	sadd.s32 $0xE, s20;
	v1 =	vmul.u32 $0x60, v1;
	v2 =	vld [tilespmem:s9+$0x0];
	[tilespmem:s26+$0x70] =	vst v3  }
0x23d: {  	s6 =	sadd.s32 $0x3, s22;
	v8 =	vmov s5;
	v3 =	vld [tilespmem:s9+$0x5];
	[tilespmem:s26+$0xFFFFFCB0] =	vst v4  }
0x23e: {  	s7 =	sadd.s32 $0x8, s22;
	s10 =	sadd.s32 $0x12, s22;
	v10 =	vmov s6;
	v12 =	vbroadcast v1, $0x0;
	v1 =	vmul.u32 $0x5C, v6;
	v9 =	vld [tilespmem:s9+$0xFFFFFFF6]  }
0x23f: {  	s30 =	sadd.s32 $0x9, s20;
	v11 =	vmov s7;
	v14 =	vmov s10;
	v10 =	vmul.u32 $0x60, v10  }
0x240: {  	v4 =	vmov s30;
	[tilespmem:s26+$0x440] =	vst v5;
	v5 =	vmul.u32 $0x5C, v7;
	(v2sf) =	vpush v1, $0x0;
	v15 =	vld [tilespmem:s8+$0x40]  }
0x241: {  	v7 =	vld [tilespmem:s2+$0x50];
	v12 =	vadd.s32 v0, v12;
	v4 =	vmul.u32 $0x60, v4;
	v2 =	vmul.u32 $0x5C, v2  }
0x242: {  	v11 =	vmul.u32 $0x60, v11;
	v16 =	vld [tilespmem:s0+$0x40];
	(v2sf) =	vpush v5, $0x0;
	v3 =	vmul.u32 $0x5C, v3  }
0x243: {  	s7 =	sadd.s32 $0xD, s22;
	v17 =	vld [tilespmem:s1+$0x40];
	[tilespmem:s26+$0x250] =	vst v13;
	v4 =	vbroadcast v4, $0x0;
	v9 =	vmul.u32 $0x5C, v9;
	(v2sf) =	vpush v2, $0x0  }
0x244: {  	v6 =	vmov s7;
	v10 =	vbroadcast v10, $0x0;
	v18 =	vld [tilespmem:s31+$0x40];
	(v2sf) =	vpush v3, $0x0  }
0x245: {  	v6 =	vmul.u32 $0x60, v6;
	v37 =	vld [tilespmem:s18+$0x50];
	v4 =	vadd.s32 v0, v4;
	[tilespmem:s26+$0xFFFFFCC0] =	vst v15;
	(v2sf) =	vpush v9, $0x0  }
0x246: {  	v38 =	vmul.u32 $0x60, v14;
	v10 =	vadd.s32 v0, v10;
	[tilespmem:v12+s24+$0x0] =	vst.idx.msk $0xfff, v7;
	v7 =	vbroadcast v11, $0x0;
	v39 =	vld [tilespmem:s8+$0x50];
	s15 =	spop (v2sf)  }
0x247: {  	v8 =	vmul.u32 $0x60, v8;
	v6 =	vbroadcast v6, $0x0;
	[tilespmem:s26+$0xFFFFFEA0] =	vst v16;
	(v2sf) =	vpush v9, $0x1;
	v12 =	vld [tilespmem:s15+$0x0]  }
0x248: {  	[tilespmem:s26+$0x80] =	vst v17;
	v11 =	vbroadcast v38, $0x0;
	v40 =	vld [tilespmem:s0+$0x50];
	v7 =	vadd.s32 v0, v7;
	(v2sf) =	vpush v5, $0x1  }
0x249: {  	v8 =	vbroadcast v8, $0x0;
	v6 =	vadd.s32 v0, v6;
	v41 =	vld [tilespmem:s1+$0x50];
	[tilespmem:s26+$0x260] =	vst v18;
	(v2sf) =	vpush v2, $0x1  }
0x24a: {  	v42 =	vld [tilespmem:s31+$0x50];
	v11 =	vadd.s32 v0, v11;
	[tilespmem:v4+s24+$0x0] =	vst.idx.msk $0xfff, v37;
	(v2sf) =	vpush v3, $0x1  }
0x24b: {  	s11 =	sadd.s32 $0x13, s20;
	v8 =	vadd.s32 v0, v8;
	v4 =	vld [tilespmem:s17+$0x50];
	[tilespmem:v10+s24+$0x0] =	vst.idx.msk $0xfff, v39;
	(v2sf) =	vpush v9, $0x2  }
0x24c: {  	v43 =	vmov s11;
	v14 =	vld [tilespmem:s16+$0x0];
	(v2sf) =	vpush v5, $0x2;
	[tilespmem:s26+$0x460] =	vst v12  }
0x24d: {  	s30 =	smov.u32 s21;
	[tilespmem:v7+s24+$0x0] =	vst.idx.msk $0xfff, v40;
	(v2sf) =	vpush v2, $0x2;
	v12 =	vmul.u32 $0x60, v43;
	v44 =	vld [tilespmem:s15+$0x10]  }
0x24e: {  	s21 =	smov.u32 s25;
	[tilespmem:v6+s24+$0x0] =	vst.idx.msk $0xfff, v41;
	v7 =	vld [tilespmem:s30+$0x0];
	(v2sf) =	vpush v3, $0x2  }
0x24f: {  	v45 =	vld [tilespmem:s21+$0x0];
	[tilespmem:v11+s24+$0x0] =	vst.idx.msk $0xfff, v42;
	s25 =	spop (v2sf);
	(v2sf) =	vpush v9, $0x3;
	v6 =	vbroadcast v12, $0x0  }
0x250: {  	[tilespmem:v8+s24+$0x0] =	vst.idx.msk $0xfff, v4;
	v8 =	vld [tilespmem:s25+$0x0];
	(v2sf) =	vpush v5, $0x3  }
0x251: {  	v4 =	vld [tilespmem:s23+$0x50];
	s23 =	spop (v2sf);
	[tilespmem:s26+$0xFFFFFCE0] =	vst v14;
	(v2sf) =	vpush v2, $0x3;
	v6 =	vadd.s32 v0, v6  }
0x252: {  	v47 =	vld [tilespmem:s23+$0x0];
	(v2sf) =	vpush v3, $0x3;
	[tilespmem:s26+$0x470] =	vst v44;
	s24 =	spop (v2sf)  }
0x253: {  	s19 =	smov.u32 s16;
	[tilespmem:s26+$0xFFFFFEC0] =	vst v7;
	(v2sf) =	vpush v9, $0x4;
	v46 =	vld [tilespmem:s15+$0x20];
	s16 =	spop (v2sf)  }
0x254: {  	(v2sf) =	vpush v5, $0x4;
	v5 =	vld [tilespmem:s24+$0x0];
	[tilespmem:s26+$0xA0] =	vst v45;
	s26 =	sadd.s32 $0x960, s26;
	s10 =	spop (v2sf)  }
0x255: {  	s12 =	simm.s32 $0x30A0;
	(v2sf) =	vpush v2, $0x4;
	[tilespmem:s26+$0x2E0] =	vst v8;
	v2 =	vld [tilespmem:s10+$0x0]  }
0x256: {  	[tilespmem:v6+s12+$0x0] =	vst.idx.msk $0xfff, v4;
	v4 =	vld [tilespmem:s25+$0x10]  }
0x257: {  	[tilespmem:s26+$0xFFFFFD40] =	vst v47;
	s14 =	spop (v2sf);
	(v2sf) =	vpush v3, $0x4;
	v3 =	vld [tilespmem:s16+$0x0]  }
0x258: {  	v7 =	vld [tilespmem:s23+$0x10];
	s5 =	spop (v2sf);
	[tilespmem:s29+$0x480] =	vst v46  }
0x259: {  	s3 =	spop (v2sf);
	[tilespmem:s26+$0xFFFFFF20] =	vst v5;
	v6 =	vld [tilespmem:s15+$0x30]  }
0x25a: {  	s2 =	spop (v2sf);
	[tilespmem:s26+$0xFFFFFB60] =	vst v2;
	v2 =	vld [tilespmem:s24+$0x10]  }
0x25b: {  	s7 =	spop (v2sf);
	[tilespmem:s26+$0x2F0] =	vst v4;
	v5 =	vld [tilespmem:s10+$0x10]  }
0x25c: {  	s8 =	spop (v2sf);
	[tilespmem:s26+$0x100] =	vst v3;
	v4 =	vld [tilespmem:s25+$0x20]  }
0x25d: {  	[tilespmem:s26+$0xFFFFFD50] =	vst v7;
	s12 =	spop (v2sf);
	v3 =	vld [tilespmem:s16+$0x10]  }
0x25e: {  	s17 =	smov.u32 s22;
	v7 =	vld [tilespmem:s23+$0x20];
	s11 =	spop (v2sf);
	[tilespmem:s29+$0x490] =	vst v6  }
0x25f: {  	s18 =	smov.u32 s13;
	s20 =	sadd.s32 $0x18, s17;
	s13 =	spop (v2sf);
	v6 =	vld [tilespmem:s15+$0x40];
	[tilespmem:s26+$0xFFFFFF30] =	vst v2  }
0x260: {  	s0 =	spop (v2sf);
	v2 =	vmov s20;
	[tilespmem:s26+$0xFFFFFB70] =	vst v5;
	v5 =	vld [tilespmem:s24+$0x20]  }
0x261: {  	s1 =	spop (v2sf);
	v2 =	vmul.u32 $0x60, v2;
	[tilespmem:s26+$0x300] =	vst v4;
	v8 =	vld [tilespmem:s10+$0x20]  }
0x262: {  	s31 =	spop (v2sf);
	[tilespmem:s26+$0x110] =	vst v3;
	v4 =	vld [tilespmem:s25+$0x30]  }
0x263: {  	[dreg:$0x7] =	wrdreg s13;
	[tilespmem:s26+$0xFFFFFD60] =	vst v7;
	s13 =	spop (v2sf);
	v3 =	vld [tilespmem:s16+$0x20];
	v2 =	vbroadcast v2, $0x0  }
0x264: {  	v7 =	vld [tilespmem:s23+$0x30];
	s20 =	spop (v2sf);
	[tilespmem:s29+$0x4A0] =	vst v6  }
0x265: {  	[dreg:$0x5] =	wrdreg s20;
	s20 =	spop (v2sf);
	v2 =	vadd.s32 v0, v2;
	v6 =	vld [tilespmem:s15+$0x50];
	[tilespmem:s26+$0xFFFFFF40] =	vst v5  }
0x266: {  	[dreg:$0x4] =	wrdreg s13;
	s13 =	spop (v2sf);
	(v2sf) =	vpush v1, $0x1;
	[tilespmem:s26+$0xFFFFFB80] =	vst v8;
	v5 =	vld [tilespmem:s24+$0x30]  }
0x267: {  	[tilespmem:s26+$0x310] =	vst v4;
	v8 =	vld [tilespmem:s10+$0x30]  }
0x268: {  	[tilespmem:s26+$0x120] =	vst v3  }
0x269: {  	s6 =	simm.s32 $0x30A0;
	s22 =	smov.u32 s28;
	[tilespmem:s26+$0xFFFFFD70] =	vst v7;
	v3 =	vld [tilespmem:s16+$0x30]  }
0x26a: {  	s15 =	sadd.s32 $0x14, s22;
	v4 =	vld [tilespmem:s25+$0x40];
	[tilespmem:v2+s6+$0x0] =	vst.idx.msk $0xfff, v6  }
0x26b: {  	v7 =	vld [tilespmem:s23+$0x40];
	v2 =	vmov s15;
	s6 =	sadd.s32 $0x5, s22;
	[tilespmem:s26+$0xFFFFFF50] =	vst v5  }
0x26c: {  	v6 =	vld [tilespmem:s18+$0x0];
	v2 =	vmul.u32 $0x60, v2;
	[tilespmem:s26+$0xFFFFFB90] =	vst v8;
	v8 =	vmov s6  }
0x26d: {  	v48 =	vld [tilespmem:s24+$0x40];
	s6 =	sadd.s32 $0xA, s22;
	v8 =	vmul.u32 $0x60, v8  }
0x26e: {  	v5 =	vmov s22;
	v49 =	vld [tilespmem:s10+$0x40];
	v50 =	vmov s6;
	[tilespmem:s26+$0x130] =	vst v3;
	v2 =	vbroadcast v2, $0x0  }
0x26f: {  	[tilespmem:s26+$0x320] =	vst v4;
	v3 =	vmul.u32 $0x60, v5;
	s6 =	sadd.s32 $0xF, s22;
	v5 =	vmul.u32 $0x60, v50;
	v51 =	vld [tilespmem:s16+$0x40];
	v4 =	vbroadcast v8, $0x0  }
0x270: {  	[tilespmem:s26+$0xFFFFFD80] =	vst v7;
	v52 =	vld [tilespmem:s25+$0x50];
	v8 =	vmov s6;
	v2 =	vadd.s32 v0, v2  }
0x271: {  	[tilespmem:s29+$0x280] =	vst v6;
	v5 =	vbroadcast v5, $0x0;
	v6 =	vmul.u32 $0x60, v8;
	v8 =	vld [tilespmem:s23+$0x50];
	v4 =	vadd.s32 v0, v4  }
0x272: {  	v7 =	vld [tilespmem:s19+$0x10];
	v3 =	vbroadcast v3, $0x0;
	[tilespmem:s26+$0xFFFFFF60] =	vst v48  }
0x273: {  	[tilespmem:s26+$0xFFFFFBA0] =	vst v49;
	v9 =	vld [tilespmem:s24+$0x50];
	v5 =	vadd.s32 v0, v5;
	v6 =	vbroadcast v6, $0x0  }
0x274: {  	v3 =	vadd.s32 v0, v3;
	s24 =	simm.s32 $0x30A0;
	v10 =	vld [tilespmem:s10+$0x50];
	[tilespmem:s26+$0x140] =	vst v51  }
0x275: {  	s10 =	spop (v2sf);
	v11 =	vld [tilespmem:s16+$0x50];
	v6 =	vadd.s32 v0, v6;
	[tilespmem:v2+s24+$0x0] =	vst.idx.msk $0xfff, v52  }
0x276: {  	v2 =	vld [tilespmem:s10+$0x0];
	[tilespmem:v4+s24+$0x0] =	vst.idx.msk $0xfff, v8  }
0x277: {  	[tilespmem:s29+$0xFFFFFCF0] =	vst v7;
	v4 =	vld [tilespmem:s30+$0x10]  }
0x278: {  	v7 =	vld [tilespmem:s5+$0x0];
	[tilespmem:v5+s24+$0x0] =	vst.idx.msk $0xfff, v9  }
0x279: {  	[tilespmem:v3+s24+$0x0] =	vst.idx.msk $0xfff, v10  }
0x27a: {  	v3 =	vld [tilespmem:s3+$0x0];
	[tilespmem:v6+s24+$0x0] =	vst.idx.msk $0xfff, v11  }
0x27b: {  	v5 =	vld [tilespmem:s14+$0x0];
	[tilespmem:s26+$0x340] =	vst v2  }
0x27c: {  	v6 =	vld [tilespmem:s2+$0x0];
	[tilespmem:s29+$0xFFFFFED0] =	vst v4  }
0x27d: {  	v2 =	vld [tilespmem:s10+$0x10];
	[tilespmem:s26+$0xFFFFFDA0] =	vst v7  }
0x27e: {  	v7 =	vld [tilespmem:s5+$0x10]  }
0x27f: {  	v4 =	vld [tilespmem:s21+$0x10];
	[tilespmem:s26+$0xFFFFFF80] =	vst v3  }
0x280: {  	[tilespmem:s26+$0xFFFFFBC0] =	vst v5;
	v3 =	vld [tilespmem:s3+$0x10]  }
0x281: {  	v5 =	vld [tilespmem:s14+$0x10];
	[tilespmem:s26+$0x160] =	vst v6  }
0x282: {  	v6 =	vld [tilespmem:s2+$0x10];
	[tilespmem:s26+$0x350] =	vst v2  }
0x283: {  	v2 =	vld [tilespmem:s10+$0x20];
	[tilespmem:s26+$0xFFFFFDB0] =	vst v7  }
0x284: {  	s23 =	smov.u32 s18;
	[tilespmem:s29+$0xB0] =	vst v4;
	v7 =	vld [tilespmem:s5+$0x20]  }
0x285: {  	v4 =	vld [tilespmem:s23+$0x10];
	[tilespmem:s26+$0xFFFFFF90] =	vst v3  }
0x286: {  	[tilespmem:s26+$0xFFFFFBD0] =	vst v5;
	v3 =	vld [tilespmem:s3+$0x20]  }
0x287: {  	v5 =	vld [tilespmem:s14+$0x20];
	[tilespmem:s26+$0x170] =	vst v6  }
0x288: {  	v6 =	vld [tilespmem:s2+$0x20];
	[tilespmem:s26+$0x360] =	vst v2  }
0x289: {  	v2 =	vld [tilespmem:s10+$0x30];
	[tilespmem:s26+$0xFFFFFDC0] =	vst v7  }
0x28a: {  	[tilespmem:s29+$0x290] =	vst v4;
	v7 =	vld [tilespmem:s5+$0x30]  }
0x28b: {  	v4 =	vld [tilespmem:s19+$0x20];
	[tilespmem:s26+$0xFFFFFFA0] =	vst v3  }
0x28c: {  	(v2sf) =	vpush v1, $0x2;
	[tilespmem:s26+$0xFFFFFBE0] =	vst v5;
	v3 =	vld [tilespmem:s3+$0x30]  }
0x28d: {  	v5 =	vld [tilespmem:s14+$0x30];
	[tilespmem:s26+$0x180] =	vst v6  }
0x28e: {  	v6 =	vld [tilespmem:s2+$0x30];
	[tilespmem:s26+$0x370] =	vst v2  }
0x28f: {  	v2 =	vld [tilespmem:s10+$0x40];
	[tilespmem:s26+$0xFFFFFDD0] =	vst v7  }
0x290: {  	s6 =	sadd.s32 $0x15, s22;
	[tilespmem:s29+$0xFFFFFD00] =	vst v4;
	v7 =	vld [tilespmem:s30+$0x20]  }
0x291: {  	s16 =	sadd.s32 $0x6, s22;
	v4 =	vmov s6;
	v8 =	vld [tilespmem:s5+$0x40];
	[tilespmem:s26+$0xFFFFFFB0] =	vst v3  }
0x292: {  	v3 =	vmul.u32 $0x60, v4;
	v4 =	vmov s16;
	[tilespmem:s26+$0xFFFFFBF0] =	vst v5  }
0x293: {  	s6 =	sadd.s32 $0xB, s22;
	v5 =	vld [tilespmem:s3+$0x40];
	v4 =	vmul.u32 $0x60, v4;
	[tilespmem:s26+$0x190] =	vst v6  }
0x294: {  	v54 =	vmov s6;
	s16 =	sadd.s32 $0x1, s22;
	v53 =	vld [tilespmem:s14+$0x40];
	v3 =	vbroadcast v3, $0x0;
	[tilespmem:s26+$0x380] =	vst v2  }
0x295: {  	s6 =	sadd.s32 $0x10, s22;
	v10 =	vmul.u32 $0x60, v54;
	v6 =	vmov s16;
	v11 =	vld [tilespmem:s2+$0x40];
	v4 =	vbroadcast v4, $0x0;
	[tilespmem:s29+$0xFFFFFEE0] =	vst v7  }
0x296: {  	v55 =	vmov s6;
	v2 =	vmul.u32 $0x60, v6;
	v6 =	vld [tilespmem:s10+$0x50];
	v3 =	vadd.s32 v0, v3;
	[tilespmem:s26+$0xFFFFFDE0] =	vst v8  }
0x297: {  	v7 =	vbroadcast v10, $0x0;
	v8 =	vmul.u32 $0x60, v55;
	v4 =	vadd.s32 v0, v4;
	v57 =	vld [tilespmem:s5+$0x50]  }
0x298: {  	v56 =	vld [tilespmem:s21+$0x20];
	v2 =	vbroadcast v2, $0x0;
	[tilespmem:s26+$0xFFFFFFC0] =	vst v5  }
0x299: {  	[tilespmem:s26+$0xFFFFFC00] =	vst v53;
	v5 =	vld [tilespmem:s3+$0x50];
	v7 =	vadd.s32 v0, v7;
	v8 =	vbroadcast v8, $0x0  }
0x29a: {  	v2 =	vadd.s32 v0, v2;
	v9 =	vld [tilespmem:s14+$0x50];
	[tilespmem:s26+$0x1A0] =	vst v11  }
0x29b: {  	v11 =	vld [tilespmem:s2+$0x50];
	v8 =	vadd.s32 v0, v8;
	[tilespmem:v3+s24+$0x0] =	vst.idx.msk $0xfff, v6;
	s2 =	spop (v2sf)  }
0x29c: {  	v3 =	vld [tilespmem:s2+$0x0];
	[tilespmem:v4+s24+$0x0] =	vst.idx.msk $0xfff, v57  }
0x29d: {  	[tilespmem:s29+$0xC0] =	vst v56;
	v6 =	vld [tilespmem:s8+$0x0]  }
0x29e: {  	v4 =	vld [tilespmem:s23+$0x20];
	[tilespmem:v7+s24+$0x0] =	vst.idx.msk $0xfff, v5  }
0x29f: {  	[tilespmem:v2+s24+$0x0] =	vst.idx.msk $0xfff, v9;
	v2 =	vld [tilespmem:s12+$0x0]  }
0x2a0: {  	v5 =	vld [tilespmem:s7+$0x0];
	[tilespmem:v8+s24+$0x0] =	vst.idx.msk $0xfff, v11  }
0x2a1: {  	v7 =	vld [tilespmem:s11+$0x0];
	[tilespmem:s26+$0x3A0] =	vst v3  }
0x2a2: {  	v3 =	vld [tilespmem:s2+$0x10];
	[tilespmem:s26+$0xFFFFFE00] =	vst v6  }
0x2a3: {  	[tilespmem:s29+$0x2A0] =	vst v4;
	v6 =	vld [tilespmem:s8+$0x10]  }
0x2a4: {  	v4 =	vld [tilespmem:s19+$0x30];
	[tilespmem:s26+$0xFFFFFFE0] =	vst v2  }
0x2a5: {  	[tilespmem:s26+$0xFFFFFC20] =	vst v5;
	v2 =	vld [tilespmem:s12+$0x10]  }
0x2a6: {  	v5 =	vld [tilespmem:s7+$0x10];
	[tilespmem:s26+$0x1C0] =	vst v7  }
0x2a7: {  	v7 =	vld [tilespmem:s11+$0x10];
	[tilespmem:s26+$0x3B0] =	vst v3  }
0x2a8: {  	v3 =	vld [tilespmem:s2+$0x20];
	[tilespmem:s26+$0xFFFFFE10] =	vst v6  }
0x2a9: {  	[tilespmem:s29+$0xFFFFFD10] =	vst v4;
	v4 =	vld [tilespmem:s30+$0x30]  }
0x2aa: {  	v6 =	vld [tilespmem:s8+$0x20];
	[tilespmem:s26+$0xFFFFFFF0] =	vst v2  }
0x2ab: {  	[tilespmem:s26+$0xFFFFFC30] =	vst v5  }
0x2ac: {  	v2 =	vld [tilespmem:s12+$0x20];
	[tilespmem:s26+$0x1D0] =	vst v7  }
0x2ad: {  	v5 =	vld [tilespmem:s7+$0x20];
	[tilespmem:s26+$0x3C0] =	vst v3  }
0x2ae: {  	v7 =	vld [tilespmem:s11+$0x20];
	[tilespmem:s29+$0xFFFFFEF0] =	vst v4  }
0x2af: {  	v3 =	vld [tilespmem:s2+$0x30];
	[tilespmem:s26+$0xFFFFFE20] =	vst v6  }
0x2b0: {  	v6 =	vld [tilespmem:s8+$0x30]  }
0x2b1: {  	(v2sf) =	vpush v1, $0x3;
	v4 =	vld [tilespmem:s21+$0x30];
	[tilespmem:s26+$0x0] =	vst v2  }
0x2b2: {  	[tilespmem:s26+$0xFFFFFC40] =	vst v5;
	v2 =	vld [tilespmem:s12+$0x30]  }
0x2b3: {  	v5 =	vld [tilespmem:s7+$0x30];
	[tilespmem:s26+$0x1E0] =	vst v7  }
0x2b4: {  	v7 =	vld [tilespmem:s11+$0x30];
	[tilespmem:s26+$0x3D0] =	vst v3  }
0x2b5: {  	s6 =	sadd.s32 $0x16, s22;
	v3 =	vld [tilespmem:s2+$0x40];
	[tilespmem:s26+$0xFFFFFE30] =	vst v6  }
0x2b6: {  	s10 =	sadd.s32 $0x7, s22;
	[tilespmem:s29+$0xD0] =	vst v4;
	v4 =	vmov s6;
	v8 =	vld [tilespmem:s8+$0x40]  }
0x2b7: {  	v6 =	vld [tilespmem:s23+$0x30];
	[tilespmem:s26+$0x10] =	vst v2;
	v2 =	vmul.u32 $0x60, v4;
	v4 =	vmov s10  }
0x2b8: {  	s14 =	sadd.s32 $0xC, s22;
	[tilespmem:s26+$0xFFFFFC50] =	vst v5;
	v5 =	vld [tilespmem:s12+$0x40];
	v4 =	vmul.u32 $0x60, v4  }
0x2b9: {  	s15 =	sadd.s32 $0x2, s22;
	v58 =	vmov s14;
	v9 =	vld [tilespmem:s7+$0x40];
	[tilespmem:s26+$0x1F0] =	vst v7;
	v2 =	vbroadcast v2, $0x0  }
0x2ba: {  	s16 =	sadd.s32 $0x11, s22;
	v10 =	vmul.u32 $0x60, v58;
	v7 =	vmov s15;
	v11 =	vld [tilespmem:s11+$0x40];
	[tilespmem:s26+$0x3E0] =	vst v3;
	v4 =	vbroadcast v4, $0x0  }
0x2bb: {  	v59 =	vmov s16;
	v3 =	vmul.u32 $0x60, v7;
	v7 =	vld [tilespmem:s2+$0x50];
	v2 =	vadd.s32 v0, v2;
	[tilespmem:s26+$0xFFFFFE40] =	vst v8  }
0x2bc: {  	[tilespmem:s29+$0x2B0] =	vst v6;
	v6 =	vbroadcast v10, $0x0;
	v8 =	vmul.u32 $0x60, v59;
	v4 =	vadd.s32 v0, v4;
	v61 =	vld [tilespmem:s8+$0x50]  }
0x2bd: {  	v60 =	vld [tilespmem:s19+$0x40];
	v3 =	vbroadcast v3, $0x0;
	[tilespmem:s26+$0x20] =	vst v5  }
0x2be: {  	v6 =	vadd.s32 v0, v6;
	[tilespmem:s26+$0xFFFFFC60] =	vst v9;
	v5 =	vld [tilespmem:s12+$0x50];
	v8 =	vbroadcast v8, $0x0  }
0x2bf: {  	v3 =	vadd.s32 v0, v3;
	v9 =	vld [tilespmem:s7+$0x50];
	[tilespmem:s26+$0x200] =	vst v11  }
0x2c0: {  	s2 =	spop (v2sf);
	v11 =	vld [tilespmem:s11+$0x50];
	v8 =	vadd.s32 v0, v8;
	[tilespmem:v2+s24+$0x0] =	vst.idx.msk $0xfff, v7  }
0x2c1: {  	v2 =	vld [tilespmem:s2+$0x0];
	[tilespmem:v4+s24+$0x0] =	vst.idx.msk $0xfff, v61  }
0x2c2: {  	[tilespmem:s29+$0xFFFFFD20] =	vst v60;
	v4 =	vld [tilespmem:s30+$0x40]  }
0x2c3: {  	v7 =	vld [tilespmem:s0+$0x0];
	[tilespmem:v6+s24+$0x0] =	vst.idx.msk $0xfff, v5  }
0x2c4: {  	s8 =	rddreg [dreg:$0x7];
	[tilespmem:v3+s24+$0x0] =	vst.idx.msk $0xfff, v9;
	v3 =	vld [tilespmem:s1+$0x0]  }
0x2c5: {  	v5 =	vld [tilespmem:s8+$0x0];
	[tilespmem:v8+s24+$0x0] =	vst.idx.msk $0xfff, v11  }
0x2c6: {  	v6 =	vld [tilespmem:s31+$0x0];
	[tilespmem:s26+$0x400] =	vst v2  }
0x2c7: {  	v2 =	vld [tilespmem:s2+$0x10];
	[tilespmem:s29+$0xFFFFFF00] =	vst v4  }
0x2c8: {  	[tilespmem:s26+$0xFFFFFE60] =	vst v7;
	v4 =	vld [tilespmem:s21+$0x40]  }
0x2c9: {  	v7 =	vld [tilespmem:s0+$0x10];
	[tilespmem:s26+$0x40] =	vst v3  }
0x2ca: {  	[tilespmem:s26+$0xFFFFFC80] =	vst v5;
	v3 =	vld [tilespmem:s1+$0x10]  }
0x2cb: {  	v5 =	vld [tilespmem:s8+$0x10];
	[tilespmem:s26+$0x220] =	vst v6  }
0x2cc: {  	v6 =	vld [tilespmem:s31+$0x10];
	[tilespmem:s26+$0x410] =	vst v2  }
0x2cd: {  	s25 =	smov.u32 s20;
	s20 =	smov.u32 s17;
	v2 =	vld [tilespmem:s2+$0x20];
	[tilespmem:s29+$0xE0] =	vst v4  }
0x2ce: {  	s17 =	smov.u32 s21;
	s21 =	sadd.s32 $0x4, s20;
	v4 =	vld [tilespmem:s23+$0x40];
	[tilespmem:s26+$0xFFFFFE70] =	vst v7  }
0x2cf: {  	v7 =	vld [tilespmem:s0+$0x20];
	[tilespmem:s26+$0x50] =	vst v3;
	v3 =	vmov s21  }
0x2d0: {  	[tilespmem:s26+$0xFFFFFC90] =	vst v5;
	v5 =	vld [tilespmem:s1+$0x20];
	v3 =	vmul.u32 $0x60, v3  }
0x2d1: {  	v8 =	vld [tilespmem:s8+$0x20];
	[tilespmem:s26+$0x230] =	vst v6  }
0x2d2: {  	v6 =	vld [tilespmem:s31+$0x20];
	[tilespmem:s26+$0x420] =	vst v2;
	v2 =	vbroadcast v3, $0x0  }
0x2d3: {  	[tilespmem:s29+$0x2C0] =	vst v4;
	v62 =	vld [tilespmem:s2+$0x30]  }
0x2d4: {  	p0 =	slt.u32 s4, $0x64;
	[tilespmem:s26+$0xFFFFFE80] =	vst v7;
	v7 =	vld [tilespmem:s19+$0x50];
	v63 =	vadd.s32 v0, v2  }
.Ltmp5:
0x2d5: {  	v2 =	vld [tilespmem:s0+$0x30];
	[tilespmem:s26+$0x60] =	vst v5;
	(pc) =	sbr.rel @p0 .LBB2_7-.Ltmp5, $4  }
0x2d6: {  	[tilespmem:s26+$0xFFFFFCA0] =	vst v8;
	v3 =	vld [tilespmem:s1+$0x30]  }
0x2d7: {  	s9 =	sadd.s32 $0x19, s9;
	s28 =	smov.u32 s4;
	s4 =	sadd.s32 $0x19, s4;
	v4 =	vld [tilespmem:s8+$0x30];
	[tilespmem:s26+$0x240] =	vst v6  }
0x2d8: {  	s18 =	smov.u32 s30;
	s3 =	sadd.s32 $0x17, s22;
	s30 =	rddreg [dreg:$0x4];
	v6 =	vld [tilespmem:s9+$0xA];
	[tilespmem:s26+$0x430] =	vst v62  }
0x2d9: {  	(v2sf) =	vpush v1, $0x4;
	s16 =	smov.u32 s30;
	s21 =	rddreg [dreg:$0x5];
	s29 =	smov.u32 s26;
	v5 =	vld [tilespmem:s2+$0x40];
	[tilespmem:v63+s24+$0x0] =	vst.idx.msk $0xfff, v7  }
0x2da: {  	v7 =	vld [tilespmem:s9+$0xFFFFFFFB]  }
0x2db: {  	v8 =	vld [tilespmem:s9+$0x0]  }
0x2dc: {  	v9 =	vld [tilespmem:s9+$0x5]  }
0x2dd: {  	v10 =	vld [tilespmem:s9+$0xFFFFFFF6]  }
0x2de: {  	v1 =	vmul.u32 $0x5C, v6  }
0x2df: {  	v32 =	vmul.u32 $0x5C, v7  }
0x2e0: {  	v33 =	vmul.u32 $0x5C, v8;
	(v2sf) =	vpush v1, $0x0  }
0x2e1: {  	v34 =	vmul.u32 $0x5C, v9;
	(v2sf) =	vpush v32, $0x0  }
0x2e2: {  	v35 =	vmul.u32 $0x5C, v10;
	(v2sf) =	vpush v33, $0x0  }
0x2e3: {  	(v2sf) =	vpush v34, $0x0  }
0x2e4: {  	(v2sf) =	vpush v35, $0x0  }
0x2e5: {  	v36 =	vmov s3  }
0x2e6: {  	v10 =	vmul.u32 $0x60, v36;
	_ =	sdelay $0x1  }
0x2e7: {  	v10 =	vbroadcast v10, $0x0  }
0x2e8: {  	v11 =	vld [tilespmem:s31+$0x30];
	[tilespmem:s26+$0x440] =	vst v5  }
0x2e9: {  	[tilespmem:s26+$0xFFFFFCB0] =	vst v4;
	v5 =	vld [tilespmem:s2+$0x50];
	v10 =	vadd.s32 v0, v10  }
0x2ea: {  	[tilespmem:s26+$0xFFFFFE90] =	vst v2;
	v2 =	vld [tilespmem:s8+$0x40];
	_ =	sdelay $0x1  }
0x2eb: {  	[tilespmem:s26+$0x70] =	vst v3;
	v3 =	vld [tilespmem:s0+$0x40]  }
0x2ec: {  	v37 =	vld [tilespmem:s1+$0x40];
	[tilespmem:s26+$0x250] =	vst v11;
	s19 =	spop (v2sf)  }
0x2ed: {  	v11 =	vld [tilespmem:s31+$0x40];
	[tilespmem:v10+s24+$0x0] =	vst.idx.msk $0xfff, v5;
	s12 =	spop (v2sf)  }
0x2ee: {  	[tilespmem:s26+$0xFFFFFCC0] =	vst v2;
	v5 =	vld [tilespmem:s19+$0x0];
	s4 =	spop (v2sf)  }
0x2ef: {  	v2 =	vld [tilespmem:s12+$0x0];
	[dreg:$0x13] =	wrdreg s17;
	s6 =	spop (v2sf)  }
0x2f0: {  	[dreg:$0x11] =	wrdreg s23;
	s10 =	spop (v2sf)  }
0x2f1: {  	v39 =	vld [tilespmem:s4+$0x0];
	s23 =	spop (v2sf)  }
0x2f2: {  	[tilespmem:s26+$0xFFFFFEA0] =	vst v3;
	v3 =	vld [tilespmem:s23+$0x0]  }
0x2f3: {  	s9 =	sadd.s32 $0x3, s22;
	[tilespmem:s26+$0x80] =	vst v37;
	v40 =	vld [tilespmem:s6+$0x0]  }
0x2f4: {  	v38 =	vmov s9;
	s9 =	sadd.s32 $0x960, s26;
	[tilespmem:s26+$0x260] =	vst v11;
	v41 =	vld [tilespmem:s10+$0x0]  }
0x2f5: {  	s11 =	sadd.s32 $0x8, s22;
	(v2sf) =	vpush v35, $0x1;
	[tilespmem:s9+$0x2E0] =	vst v2  }
0x2f6: {  	(v2sf) =	vpush v32, $0x1;
	v2 =	vmov s11;
	v13 =	vld [tilespmem:s12+$0x10];
	[tilespmem:s9+$0xFFFFFD40] =	vst v39  }
0x2f7: {  	(v2sf) =	vpush v33, $0x1;
	v2 =	vmul.u32 $0x60, v2;
	v4 =	vld [tilespmem:s4+$0x10];
	[tilespmem:s9+$0xFFFFFB60] =	vst v3  }
0x2f8: {  	(v2sf) =	vpush v34, $0x1;
	[tilespmem:s9+$0xFFFFFF20] =	vst v40;
	v3 =	vld [tilespmem:s23+$0x10]  }
0x2f9: {  	v10 =	vmul.u32 $0x60, v38;
	(v2sf) =	vpush v35, $0x2;
	v2 =	vbroadcast v2, $0x0;
	v11 =	vld [tilespmem:s6+$0x10];
	[tilespmem:s9+$0x100] =	vst v41  }
0x2fa: {  	s14 =	smov.u32 s0;
	[tilespmem:s26+$0x460] =	vst v5;
	(v2sf) =	vpush v32, $0x2;
	v5 =	vld [tilespmem:s10+$0x10]  }
0x2fb: {  	v10 =	vbroadcast v10, $0x0;
	v42 =	vld [tilespmem:s14+$0x50];
	(v2sf) =	vpush v33, $0x2;
	v2 =	vadd.s32 v0, v2;
	[tilespmem:s9+$0x2F0] =	vst v13  }
0x2fc: {  	(v2sf) =	vpush v34, $0x2;
	v13 =	vld [tilespmem:s12+$0x20];
	[tilespmem:s9+$0xFFFFFD50] =	vst v4  }
0x2fd: {  	s15 =	sadd.s32 $0xD, s22;
	v10 =	vadd.s32 v0, v10;
	v12 =	vld [tilespmem:s8+$0x50];
	(v2sf) =	vpush v35, $0x3;
	[tilespmem:s9+$0xFFFFFB70] =	vst v3  }
0x2fe: {  	v43 =	vmov s15;
	(v2sf) =	vpush v32, $0x3;
	[tilespmem:s9+$0xFFFFFF30] =	vst v11;
	v44 =	vld [tilespmem:s23+$0x20]  }
0x2ff: {  	(v2sf) =	vpush v33, $0x3;
	v45 =	vld [tilespmem:s4+$0x20];
	[tilespmem:s9+$0x110] =	vst v5;
	v3 =	vmul.u32 $0x60, v43  }
0x300: {  	(v2sf) =	vpush v34, $0x3;
	v11 =	vld [tilespmem:s6+$0x20];
	[tilespmem:v2+s24+$0x0] =	vst.idx.msk $0xfff, v42  }
0x301: {  	(v2sf) =	vpush v35, $0x4;
	v2 =	vld [tilespmem:s10+$0x20];
	[tilespmem:s9+$0x300] =	vst v13;
	v3 =	vbroadcast v3, $0x0  }
0x302: {  	[tilespmem:v10+s24+$0x0] =	vst.idx.msk $0xfff, v12;
	v47 =	vld [tilespmem:s12+$0x30]  }
0x303: {  	v46 =	vld [tilespmem:s1+$0x50];
	(v2sf) =	vpush v32, $0x4;
	v3 =	vadd.s32 v0, v3;
	[tilespmem:s9+$0xFFFFFB80] =	vst v44  }
0x304: {  	s15 =	spop (v2sf);
	(v2sf) =	vpush v33, $0x4;
	[tilespmem:s9+$0xFFFFFD60] =	vst v45;
	v4 =	vld [tilespmem:s23+$0x30]  }
0x305: {  	s30 =	smov.u32 s16;
	(v2sf) =	vpush v34, $0x4;
	s16 =	spop (v2sf);
	v48 =	vld [tilespmem:s4+$0x30];
	[tilespmem:s9+$0xFFFFFF40] =	vst v11  }
0x306: {  	(v2sf) =	vpush v1, $0x1;
	s0 =	spop (v2sf);
	v49 =	vld [tilespmem:s6+$0x30];
	[tilespmem:s9+$0x120] =	vst v2  }
0x307: {  	s1 =	spop (v2sf);
	v2 =	vld [tilespmem:s10+$0x30];
	[tilespmem:s9+$0x310] =	vst v47  }
0x308: {  	s3 =	spop (v2sf);
	v50 =	vld [tilespmem:s12+$0x40];
	[tilespmem:v3+s24+$0x0] =	vst.idx.msk $0xfff, v46  }
0x309: {  	s5 =	sadd.s32 $0x14, s28;
	s2 =	spop (v2sf);
	v3 =	vld [tilespmem:s19+$0x10];
	[tilespmem:s9+$0xFFFFFB90] =	vst v4  }
0x30a: {  	v51 =	vmov s5;
	s5 =	spop (v2sf);
	[tilespmem:s9+$0xFFFFFD70] =	vst v48;
	v52 =	vld [tilespmem:s23+$0x40]  }
0x30b: {  	s7 =	sadd.s32 $0x5, s28;
	s14 =	spop (v2sf);
	v7 =	vld [tilespmem:s4+$0x40];
	[tilespmem:s9+$0xFFFFFF50] =	vst v49  }
0x30c: {  	v53 =	vmov s28;
	v54 =	vmov s7;
	s17 =	sadd.s32 $0xA, s28;
	v59 =	vld [tilespmem:s30+$0x0];
	s7 =	spop (v2sf);
	[tilespmem:s9+$0x130] =	vst v2;
	v4 =	vmul.u32 $0x60, v51  }
0x30d: {  	v56 =	vmov s17;
	s11 =	sadd.s32 $0xF, s28;
	s8 =	spop (v2sf);
	v55 =	vld [tilespmem:s6+$0x40];
	v2 =	vmul.u32 $0x60, v53;
	[tilespmem:s9+$0x320] =	vst v50  }
0x30e: {  	v58 =	vmov s11;
	s11 =	spop (v2sf);
	v57 =	vld [tilespmem:s10+$0x40];
	[tilespmem:s26+$0x470] =	vst v3;
	v3 =	vmul.u32 $0x60, v54;
	v4 =	vbroadcast v4, $0x0  }
0x30f: {  	v8 =	vmul.u32 $0x60, v56;
	v2 =	vbroadcast v2, $0x0;
	v5 =	vld [tilespmem:s12+$0x50];
	s12 =	spop (v2sf);
	[tilespmem:s9+$0xFFFFFBA0] =	vst v52  }
0x310: {  	v11 =	vmul.u32 $0x60, v58;
	[tilespmem:s9+$0xFFFFFD80] =	vst v7;
	v3 =	vbroadcast v3, $0x0;
	v4 =	vadd.s32 v0, v4;
	v6 =	vld [tilespmem:s23+$0x50];
	s23 =	spop (v2sf)  }
0x311: {  	v60 =	vbroadcast v8, $0x0;
	v2 =	vadd.s32 v0, v2;
	[dreg:$0x15] =	wrdreg s23  }
0x312: {  	v62 =	vbroadcast v11, $0x0;
	v3 =	vadd.s32 v0, v3;
	v61 =	vld [tilespmem:s4+$0x50];
	[tilespmem:s9+$0xFFFFFF60] =	vst v55;
	s4 =	spop (v2sf)  }
0x313: {  	v7 =	vadd.s32 v0, v60;
	[tilespmem:s9+$0x140] =	vst v57;
	v63 =	vld [tilespmem:s6+$0x50];
	s6 =	spop (v2sf)  }
0x314: {  	v10 =	vadd.s32 v0, v62;
	[tilespmem:s26+$0xFFFFFCE0] =	vst v59;
	v9 =	vld [tilespmem:s10+$0x50];
	s17 =	spop (v2sf)  }
0x315: {  	v16 =	vld [tilespmem:s21+$0x0];
	[tilespmem:v4+s24+$0x0] =	vst.idx.msk $0xfff, v5;
	s10 =	spop (v2sf)  }
0x316: {  	[tilespmem:v2+s24+$0x0] =	vst.idx.msk $0xfff, v6;
	v4 =	vld [tilespmem:s10+$0x0]  }
0x317: {  	v2 =	vld [tilespmem:s15+$0x0];
	[tilespmem:v3+s24+$0x0] =	vst.idx.msk $0xfff, v61  }
0x318: {  	v3 =	vld [tilespmem:s16+$0x0];
	[tilespmem:v7+s24+$0x0] =	vst.idx.msk $0xfff, v63  }
0x319: {  	[tilespmem:v10+s24+$0x0] =	vst.idx.msk $0xfff, v9;
	v17 =	vld [tilespmem:s0+$0x0]  }
0x31a: {  	[tilespmem:s26+$0xFFFFFEC0] =	vst v16;
	v18 =	vld [tilespmem:s1+$0x0]  }
0x31b: {  	s23 =	sadd.s32 $0x12, s22;
	v19 =	vld [tilespmem:s25+$0x0];
	[tilespmem:s9+$0x340] =	vst v4  }
0x31c: {  	v20 =	vmov s23;
	[tilespmem:s9+$0xFFFFFBC0] =	vst v2;
	v21 =	vld [tilespmem:s10+$0x10]  }
0x31d: {  	v2 =	vmul.u32 $0x60, v20;
	[tilespmem:s9+$0xFFFFFDA0] =	vst v3;
	v3 =	vld [tilespmem:s15+$0x10]  }
0x31e: {  	v22 =	vld [tilespmem:s16+$0x10];
	[tilespmem:s9+$0xFFFFFF80] =	vst v17  }
0x31f: {  	v2 =	vbroadcast v2, $0x0;
	[tilespmem:s9+$0x160] =	vst v18;
	v5 =	vld [tilespmem:s0+$0x10]  }
0x320: {  	[tilespmem:s26+$0xA0] =	vst v19;
	v6 =	vld [tilespmem:s1+$0x10]  }
0x321: {  	v23 =	vld [tilespmem:s31+$0x50];
	v2 =	vadd.s32 v0, v2;
	[tilespmem:s9+$0x350] =	vst v21  }
0x322: {  	v8 =	vld [tilespmem:s10+$0x20];
	[tilespmem:s9+$0xFFFFFBD0] =	vst v3  }
0x323: {  	[tilespmem:s9+$0xFFFFFDB0] =	vst v22;
	v3 =	vld [tilespmem:s15+$0x20]  }
0x324: {  	v4 =	vld [tilespmem:s16+$0x20];
	[tilespmem:s9+$0xFFFFFF90] =	vst v5  }
0x325: {  	[tilespmem:s9+$0x170] =	vst v6;
	v5 =	vld [tilespmem:s0+$0x20]  }
0x326: {  	[tilespmem:v2+s24+$0x0] =	vst.idx.msk $0xfff, v23;
	v2 =	vld [tilespmem:s1+$0x20]  }
0x327: {  	v24 =	vld [tilespmem:s19+$0x20];
	[tilespmem:s9+$0x360] =	vst v8  }
0x328: {  	v25 =	vld [tilespmem:s10+$0x30];
	[tilespmem:s9+$0xFFFFFBE0] =	vst v3  }
0x329: {  	[tilespmem:s9+$0xFFFFFDC0] =	vst v4;
	v3 =	vld [tilespmem:s15+$0x30]  }
0x32a: {  	(v2sf) =	vpush v1, $0x2;
	v4 =	vld [tilespmem:s16+$0x30];
	[tilespmem:s9+$0xFFFFFFA0] =	vst v5  }
0x32b: {  	[tilespmem:s9+$0x180] =	vst v2;
	v5 =	vld [tilespmem:s0+$0x30]  }
0x32c: {  	[tilespmem:s29+$0x480] =	vst v24;
	v2 =	vld [tilespmem:s1+$0x30]  }
0x32d: {  	v40 =	vld [tilespmem:s30+$0x10];
	[tilespmem:s9+$0x370] =	vst v25  }
0x32e: {  	s31 =	sadd.s32 $0x15, s28;
	v7 =	vld [tilespmem:s10+$0x40];
	[tilespmem:s9+$0xFFFFFBF0] =	vst v3  }
0x32f: {  	s26 =	sadd.s32 $0x1, s28;
	v3 =	vmov s31;
	[tilespmem:s9+$0xFFFFFDD0] =	vst v4;
	v26 =	vld [tilespmem:s15+$0x40]  }
0x330: {  	v27 =	vmov s26;
	s31 =	sadd.s32 $0x6, s28;
	v3 =	vmul.u32 $0x60, v3;
	v28 =	vld [tilespmem:s16+$0x40];
	[tilespmem:s9+$0xFFFFFFB0] =	vst v5  }
0x331: {  	s26 =	sadd.s32 $0xB, s28;
	v29 =	vmov s31;
	[tilespmem:s9+$0x190] =	vst v2;
	v2 =	vmul.u32 $0x60, v27;
	v30 =	vld [tilespmem:s0+$0x40]  }
0x332: {  	[tilespmem:s29+$0xFFFFFCF0] =	vst v40;
	v31 =	vmov s26;
	v6 =	vld [tilespmem:s19+$0x30];
	v5 =	vmul.u32 $0x60, v29;
	v3 =	vbroadcast v3, $0x0  }
0x333: {  	v8 =	vmul.u32 $0x60, v31;
	s31 =	sadd.s32 $0x10, s28;
	v32 =	vld [tilespmem:s1+$0x40];
	v2 =	vbroadcast v2, $0x0;
	[tilespmem:s9+$0x380] =	vst v7  }
0x334: {  	v33 =	vmov s31;
	v5 =	vbroadcast v5, $0x0;
	v3 =	vadd.s32 v0, v3;
	v7 =	vld [tilespmem:s10+$0x50];
	[tilespmem:s9+$0xFFFFFC00] =	vst v26  }
0x335: {  	v8 =	vbroadcast v8, $0x0;
	v11 =	vmul.u32 $0x60, v33;
	v2 =	vadd.s32 v0, v2;
	v4 =	vld [tilespmem:s15+$0x50];
	[tilespmem:s9+$0xFFFFFDE0] =	vst v28  }
0x336: {  	v5 =	vadd.s32 v0, v5;
	v9 =	vld [tilespmem:s16+$0x50];
	[tilespmem:s9+$0xFFFFFFC0] =	vst v30  }
0x337: {  	[tilespmem:s29+$0x490] =	vst v6;
	v8 =	vadd.s32 v0, v8;
	v35 =	vbroadcast v11, $0x0;
	v36 =	vld [tilespmem:s0+$0x50]  }
0x338: {  	v41 =	vld [tilespmem:s21+$0x10];
	[tilespmem:s9+$0x1A0] =	vst v32  }
0x339: {  	v10 =	vadd.s32 v0, v35;
	s15 =	spop (v2sf);
	v6 =	vld [tilespmem:s1+$0x50];
	[tilespmem:v3+s24+$0x0] =	vst.idx.msk $0xfff, v7  }
0x33a: {  	v3 =	vld [tilespmem:s15+$0x0];
	[tilespmem:v2+s24+$0x0] =	vst.idx.msk $0xfff, v4  }
0x33b: {  	[tilespmem:v5+s24+$0x0] =	vst.idx.msk $0xfff, v9;
	v2 =	vld [tilespmem:s3+$0x0]  }
0x33c: {  	v38 =	vld [tilespmem:s2+$0x0];
	[tilespmem:v8+s24+$0x0] =	vst.idx.msk $0xfff, v36  }
0x33d: {  	[tilespmem:s29+$0xFFFFFED0] =	vst v41;
	v39 =	vld [tilespmem:s5+$0x0]  }
0x33e: {  	v42 =	vld [tilespmem:s25+$0x10];
	[tilespmem:v10+s24+$0x0] =	vst.idx.msk $0xfff, v6  }
0x33f: {  	v6 =	vld [tilespmem:s14+$0x0];
	[tilespmem:s9+$0x3A0] =	vst v3  }
0x340: {  	v3 =	vld [tilespmem:s15+$0x10];
	[tilespmem:s9+$0xFFFFFC20] =	vst v2  }
0x341: {  	[tilespmem:s9+$0xFFFFFE00] =	vst v38;
	v2 =	vld [tilespmem:s3+$0x10]  }
0x342: {  	v4 =	vld [tilespmem:s2+$0x10];
	[tilespmem:s9+$0xFFFFFFE0] =	vst v39  }
0x343: {  	[tilespmem:s29+$0xB0] =	vst v42;
	v5 =	vld [tilespmem:s5+$0x10]  }
0x344: {  	v52 =	vld [tilespmem:s30+$0x20];
	[tilespmem:s9+$0x1C0] =	vst v6  }
0x345: {  	v6 =	vld [tilespmem:s14+$0x10];
	[tilespmem:s9+$0x3B0] =	vst v3  }
0x346: {  	v3 =	vld [tilespmem:s15+$0x20];
	[tilespmem:s9+$0xFFFFFC30] =	vst v2  }
0x347: {  	[tilespmem:s9+$0xFFFFFE10] =	vst v4;
	v2 =	vld [tilespmem:s3+$0x20]  }
0x348: {  	v4 =	vld [tilespmem:s2+$0x20];
	[tilespmem:s9+$0xFFFFFFF0] =	vst v5  }
0x349: {  	[tilespmem:s29+$0xFFFFFD00] =	vst v52;
	v5 =	vld [tilespmem:s5+$0x20]  }
0x34a: {  	v56 =	vld [tilespmem:s21+$0x20];
	[tilespmem:s9+$0x1D0] =	vst v6  }
0x34b: {  	v6 =	vld [tilespmem:s14+$0x20];
	[tilespmem:s9+$0x3C0] =	vst v3  }
0x34c: {  	v3 =	vld [tilespmem:s15+$0x30];
	[tilespmem:s9+$0xFFFFFC40] =	vst v2  }
0x34d: {  	[tilespmem:s9+$0xFFFFFE20] =	vst v4;
	v2 =	vld [tilespmem:s3+$0x30]  }
0x34e: {  	(v2sf) =	vpush v1, $0x3;
	v4 =	vld [tilespmem:s2+$0x30];
	[tilespmem:s9+$0x0] =	vst v5  }
0x34f: {  	[tilespmem:s29+$0xFFFFFEE0] =	vst v56;
	v5 =	vld [tilespmem:s5+$0x30]  }
0x350: {  	v60 =	vld [tilespmem:s25+$0x20];
	[tilespmem:s9+$0x1E0] =	vst v6  }
0x351: {  	v6 =	vld [tilespmem:s14+$0x30];
	[tilespmem:s9+$0x3D0] =	vst v3  }
0x352: {  	s16 =	sadd.s32 $0x16, s28;
	v3 =	vld [tilespmem:s15+$0x40];
	[tilespmem:s9+$0xFFFFFC50] =	vst v2  }
0x353: {  	s23 =	sadd.s32 $0x2, s28;
	v2 =	vmov s16;
	[tilespmem:s9+$0xFFFFFE30] =	vst v4;
	v44 =	vld [tilespmem:s3+$0x40]  }
0x354: {  	v45 =	vmov s23;
	s26 =	sadd.s32 $0x7, s28;
	v2 =	vmul.u32 $0x60, v2;
	v9 =	vld [tilespmem:s2+$0x40];
	[tilespmem:s9+$0x10] =	vst v5  }
0x355: {  	v48 =	vmul.u32 $0x60, v45;
	v46 =	vmov s26;
	[tilespmem:s29+$0xC0] =	vst v60;
	s31 =	sadd.s32 $0xC, s28;
	v47 =	vld [tilespmem:s5+$0x40]  }
0x356: {  	v62 =	vld [tilespmem:s30+$0x30];
	v49 =	vmov s31;
	[tilespmem:s9+$0x1F0] =	vst v6;
	v5 =	vmul.u32 $0x60, v46;
	v2 =	vbroadcast v2, $0x0  }
0x357: {  	s10 =	sadd.s32 $0x11, s28;
	v8 =	vmul.u32 $0x60, v49;
	v50 =	vld [tilespmem:s14+$0x40];
	[tilespmem:s9+$0x3E0] =	vst v3;
	v3 =	vbroadcast v48, $0x0  }
0x358: {  	v51 =	vmov s10;
	v5 =	vbroadcast v5, $0x0;
	v2 =	vadd.s32 v0, v2;
	v53 =	vld [tilespmem:s15+$0x50];
	[tilespmem:s9+$0xFFFFFC60] =	vst v44  }
0x359: {  	v11 =	vmul.u32 $0x60, v51;
	v8 =	vbroadcast v8, $0x0;
	v4 =	vld [tilespmem:s3+$0x50];
	[tilespmem:s9+$0xFFFFFE40] =	vst v9;
	v3 =	vadd.s32 v0, v3  }
0x35a: {  	v5 =	vadd.s32 v0, v5;
	v9 =	vld [tilespmem:s2+$0x50];
	[tilespmem:s9+$0x20] =	vst v47  }
0x35b: {  	[tilespmem:s29+$0xFFFFFD10] =	vst v62;
	v54 =	vbroadcast v11, $0x0;
	v8 =	vadd.s32 v0, v8;
	v55 =	vld [tilespmem:s5+$0x50]  }
0x35c: {  	v12 =	vld [tilespmem:s21+$0x30];
	[tilespmem:s9+$0x200] =	vst v50  }
0x35d: {  	v10 =	vadd.s32 v0, v54;
	s15 =	spop (v2sf);
	v7 =	vld [tilespmem:s14+$0x50];
	[tilespmem:v2+s24+$0x0] =	vst.idx.msk $0xfff, v53  }
0x35e: {  	v2 =	vld [tilespmem:s15+$0x0];
	[tilespmem:v3+s24+$0x0] =	vst.idx.msk $0xfff, v4  }
0x35f: {  	[tilespmem:v5+s24+$0x0] =	vst.idx.msk $0xfff, v9;
	v3 =	vld [tilespmem:s7+$0x0]  }
0x360: {  	v57 =	vld [tilespmem:s8+$0x0];
	[tilespmem:v8+s24+$0x0] =	vst.idx.msk $0xfff, v55  }
0x361: {  	[tilespmem:s29+$0xFFFFFEF0] =	vst v12;
	v58 =	vld [tilespmem:s11+$0x0]  }
0x362: {  	v21 =	vld [tilespmem:s25+$0x30];
	[tilespmem:v10+s24+$0x0] =	vst.idx.msk $0xfff, v7  }
0x363: {  	v59 =	vld [tilespmem:s12+$0x0];
	[tilespmem:s9+$0x400] =	vst v2  }
0x364: {  	v2 =	vld [tilespmem:s15+$0x10];
	[tilespmem:s9+$0xFFFFFC80] =	vst v3  }
0x365: {  	[tilespmem:s9+$0xFFFFFE60] =	vst v57;
	v3 =	vld [tilespmem:s7+$0x10]  }
0x366: {  	v4 =	vld [tilespmem:s8+$0x10];
	[tilespmem:s9+$0x40] =	vst v58  }
0x367: {  	[tilespmem:s29+$0xD0] =	vst v21;
	v5 =	vld [tilespmem:s11+$0x10]  }
0x368: {  	v37 =	vld [tilespmem:s13+$0x0];
	[tilespmem:s9+$0x220] =	vst v59  }
0x369: {  	v6 =	vld [tilespmem:s12+$0x10];
	[tilespmem:s9+$0x410] =	vst v2  }
0x36a: {  	v2 =	vld [tilespmem:s15+$0x20];
	[tilespmem:s9+$0xFFFFFC90] =	vst v3  }
0x36b: {  	[tilespmem:s9+$0xFFFFFE70] =	vst v4;
	v3 =	vld [tilespmem:s7+$0x20]  }
0x36c: {  	v4 =	vld [tilespmem:s8+$0x20];
	[tilespmem:s9+$0x50] =	vst v5  }
0x36d: {  	[tilespmem:s29+$0x280] =	vst v37;
	v5 =	vld [tilespmem:s11+$0x20]  }
0x36e: {  	v43 =	vld [tilespmem:s13+$0x10];
	[tilespmem:s9+$0x230] =	vst v6  }
0x36f: {  	v6 =	vld [tilespmem:s12+$0x20];
	[tilespmem:s9+$0x420] =	vst v2  }
0x370: {  	v2 =	vld [tilespmem:s15+$0x30];
	[tilespmem:s9+$0xFFFFFCA0] =	vst v3  }
0x371: {  	[tilespmem:s9+$0xFFFFFE80] =	vst v4;
	v3 =	vld [tilespmem:s7+$0x30]  }
0x372: {  	v4 =	vld [tilespmem:s8+$0x30];
	[tilespmem:s9+$0x60] =	vst v5  }
0x373: {  	[tilespmem:s29+$0x290] =	vst v43;
	(v2sf) =	vpush v1, $0x4;
	v1 =	vld [tilespmem:s11+$0x30]  }
0x374: {  	v34 =	vld [tilespmem:s19+$0x40];
	[tilespmem:s9+$0x240] =	vst v6  }
0x375: {  	v63 =	vld [tilespmem:s12+$0x30];
	[tilespmem:s9+$0x430] =	vst v2  }
0x376: {  	s16 =	sadd.s32 $0x17, s28;
	v2 =	vld [tilespmem:s15+$0x40];
	[tilespmem:s9+$0xFFFFFCB0] =	vst v3  }
0x377: {  	s23 =	sadd.s32 $0x3, s28;
	v3 =	vmov s16;
	[tilespmem:s9+$0xFFFFFE90] =	vst v4;
	v13 =	vld [tilespmem:s7+$0x40]  }
0x378: {  	v61 =	vld [tilespmem:s13+$0x20];
	[tilespmem:s9+$0x70] =	vst v1;
	v1 =	vmul.u32 $0x60, v3;
	v3 =	vmov s23  }
0x379: {  	s26 =	sadd.s32 $0x8, s28;
	[tilespmem:s29+$0x4A0] =	vst v34;
	v14 =	vld [tilespmem:s8+$0x40];
	v3 =	vmul.u32 $0x60, v3  }
0x37a: {  	v15 =	vmov s26;
	s31 =	sadd.s32 $0xD, s28;
	[tilespmem:s9+$0x250] =	vst v63;
	v16 =	vld [tilespmem:s11+$0x40];
	v1 =	vbroadcast v1, $0x0  }
0x37b: {  	v18 =	vmul.u32 $0x60, v15;
	v17 =	vmov s31;
	v19 =	vld [tilespmem:s12+$0x40];
	[tilespmem:s9+$0x440] =	vst v2;
	v2 =	vbroadcast v3, $0x0  }
0x37c: {  	s2 =	sadd.s32 $0x12, s28;
	v3 =	vmul.u32 $0x60, v17;
	v22 =	vld [tilespmem:s15+$0x50];
	v1 =	vadd.s32 v0, v1;
	[tilespmem:s9+$0xFFFFFCC0] =	vst v13  }
0x37d: {  	v23 =	vbroadcast v18, $0x0;
	[tilespmem:s29+$0x2A0] =	vst v61;
	v20 =	vmov s2;
	v25 =	vld [tilespmem:s7+$0x50];
	v2 =	vadd.s32 v0, v2  }
0x37e: {  	v24 =	vmul.u32 $0x60, v20;
	[tilespmem:s9+$0xFFFFFEA0] =	vst v14;
	v3 =	vbroadcast v3, $0x0  }
0x37f: {  	v4 =	vadd.s32 v0, v23;
	v7 =	vld [tilespmem:s8+$0x50];
	[tilespmem:s9+$0x80] =	vst v16  }
0x380: {  	v6 =	vbroadcast v24, $0x0;
	[tilespmem:s9+$0x260] =	vst v19;
	v9 =	vld [tilespmem:s11+$0x50];
	v3 =	vadd.s32 v0, v3  }
0x381: {  	v26 =	vld [tilespmem:s13+$0x30];
	[tilespmem:v1+s24+$0x0] =	vst.idx.msk $0xfff, v22  }
0x382: {  	s3 =	spop (v2sf);
	v6 =	vadd.s32 v0, v6;
	v8 =	vld [tilespmem:s12+$0x50];
	[tilespmem:v2+s24+$0x0] =	vst.idx.msk $0xfff, v25  }
0x383: {  	v1 =	vld [tilespmem:s3+$0x0];
	s31 =	rddreg [dreg:$0x15]  }
0x384: {  	[tilespmem:v4+s24+$0x0] =	vst.idx.msk $0xfff, v7;
	v2 =	vld [tilespmem:s31+$0x0]  }
0x385: {  	v4 =	vld [tilespmem:s4+$0x0];
	[tilespmem:v3+s24+$0x0] =	vst.idx.msk $0xfff, v9  }
0x386: {  	[tilespmem:s29+$0x2B0] =	vst v26;
	v3 =	vld [tilespmem:s6+$0x0]  }
0x387: {  	v28 =	vld [tilespmem:s30+$0x40];
	[tilespmem:v6+s24+$0x0] =	vst.idx.msk $0xfff, v8  }
0x388: {  	v27 =	vld [tilespmem:s17+$0x0];
	[tilespmem:s9+$0x460] =	vst v1  }
0x389: {  	v1 =	vld [tilespmem:s3+$0x10];
	[tilespmem:s9+$0xFFFFFCE0] =	vst v2  }
0x38a: {  	[tilespmem:s9+$0xFFFFFEC0] =	vst v4;
	v2 =	vld [tilespmem:s31+$0x10]  }
0x38b: {  	[tilespmem:s9+$0xA0] =	vst v3;
	v3 =	vld [tilespmem:s4+$0x10]  }
0x38c: {  	v30 =	vld [tilespmem:s21+$0x40];
	[tilespmem:s29+$0xFFFFFD20] =	vst v28  }
0x38d: {  	[tilespmem:s9+$0x280] =	vst v27;
	v29 =	vld [tilespmem:s6+$0x10]  }
0x38e: {  	v5 =	vld [tilespmem:s17+$0x10];
	[tilespmem:s9+$0x470] =	vst v1  }
0x38f: {  	v1 =	vld [tilespmem:s3+$0x20];
	[tilespmem:s9+$0xFFFFFCF0] =	vst v2  }
0x390: {  	[tilespmem:s9+$0xFFFFFED0] =	vst v3;
	v2 =	vld [tilespmem:s31+$0x20]  }
0x391: {  	[tilespmem:s29+$0xFFFFFF00] =	vst v30;
	v3 =	vld [tilespmem:s4+$0x20]  }
0x392: {  	v31 =	vld [tilespmem:s25+$0x40];
	[tilespmem:s9+$0xB0] =	vst v29  }
0x393: {  	[tilespmem:s9+$0x290] =	vst v5;
	v4 =	vld [tilespmem:s6+$0x20]  }
0x394: {  	v5 =	vld [tilespmem:s17+$0x20];
	[tilespmem:s9+$0x480] =	vst v1  }
0x395: {  	v1 =	vld [tilespmem:s3+$0x30];
	[tilespmem:s9+$0xFFFFFD00] =	vst v2  }
0x396: {  	[tilespmem:s9+$0xFFFFFEE0] =	vst v3;
	v2 =	vld [tilespmem:s31+$0x30]  }
0x397: {  	s10 =	sadd.s32 $0x4, s22;
	[tilespmem:s29+$0xE0] =	vst v31;
	v3 =	vld [tilespmem:s4+$0x30]  }
0x398: {  	v39 =	vmov s10;
	v38 =	vld [tilespmem:s13+$0x40];
	[tilespmem:s9+$0xC0] =	vst v4  }
0x399: {  	v11 =	vmul.u32 $0x60, v39;
	[tilespmem:s9+$0x2A0] =	vst v5;
	v33 =	vld [tilespmem:s6+$0x30]  }
0x39a: {  	v36 =	vld [tilespmem:s17+$0x30];
	[tilespmem:s9+$0x490] =	vst v1  }
0x39b: {  	v11 =	vbroadcast v11, $0x0;
	s8 =	sadd.s32 $0x18, s22;
	v13 =	vld [tilespmem:s3+$0x40];
	[tilespmem:s9+$0xFFFFFD10] =	vst v2  }
0x39c: {  	s2 =	sadd.s32 $0x9, s20;
	v37 =	vmov s8;
	[tilespmem:s9+$0xFFFFFEF0] =	vst v3;
	v3 =	vld [tilespmem:s31+$0x40]  }
0x39d: {  	v11 =	vadd.s32 v0, v11;
	s5 =	sadd.s32 $0xE, s20;
	v32 =	vmov s2;
	s7 =	sadd.s32 $0x13, s20;
	v9 =	vmul.u32 $0x60, v37;
	[tilespmem:s29+$0x2C0] =	vst v38  }
0x39e: {  	v34 =	vmov s5;
	v35 =	vmov s7;
	s12 =	sadd.s32 $0xE, s22;
	v2 =	vmul.u32 $0x60, v32;
	[tilespmem:s9+$0xD0] =	vst v33;
	v42 =	vld [tilespmem:s4+$0x40]  }
0x39f: {  	s14 =	sadd.s32 $0x13, s22;
	v40 =	vmov s12;
	v8 =	vmul.u32 $0x60, v35;
	v9 =	vbroadcast v9, $0x0;
	[tilespmem:s9+$0x2B0] =	vst v36;
	v43 =	vld [tilespmem:s6+$0x40]  }
0x3a0: {  	v41 =	vmov s14;
	s16 =	sadd.s32 $0x4, s28;
	s11 =	sadd.s32 $0x9, s22;
	v12 =	vmul.u32 $0x60, v40;
	v2 =	vbroadcast v2, $0x0;
	v18 =	vld [tilespmem:s17+$0x40];
	[tilespmem:s9+$0x4A0] =	vst v13  }
0x3a1: {  	v46 =	vld [tilespmem:s19+$0x50];
	s23 =	sadd.s32 $0x13, s28;
	s15 =	sadd.s32 $0x18, s28;
	v8 =	vbroadcast v8, $0x0;
	v9 =	vadd.s32 v0, v9;
	v1 =	vmov s11;
	s26 =	rddreg [dreg:$0x13];
	[tilespmem:s9+$0xFFFFFD20] =	vst v3  }
0x3a2: {  	v14 =	vmov s15;
	s20 =	sadd.s32 $0x9, s28;
	v19 =	vld [tilespmem:s18+$0x50];
	s22 =	sadd.s32 $0xE, s28;
	v1 =	vmul.u32 $0x60, v1;
	v2 =	vadd.s32 v0, v2;
	s28 =	rddreg [dreg:$0x11]  }
0x3a3: {  	v14 =	vmul.u32 $0x60, v14;
	v12 =	vbroadcast v12, $0x0;
	v8 =	vadd.s32 v0, v8;
	[tilespmem:s9+$0xFFFFFF00] =	vst v42;
	v3 =	vld [tilespmem:s28+$0x50]  }
0x3a4: {  	v15 =	vmov s16;
	v7 =	vmul.u32 $0x60, v34;
	v47 =	vld [tilespmem:s30+$0x50];
	v1 =	vbroadcast v1, $0x0;
	[tilespmem:s9+$0xE0] =	vst v43  }
0x3a5: {  	v52 =	vbroadcast v14, $0x0;
	v50 =	vld [tilespmem:s25+$0x50];
	v51 =	vadd.s32 v0, v12;
	v4 =	vmul.u32 $0x60, v41;
	[tilespmem:s9+$0x2C0] =	vst v18  }
0x3a6: {  	v49 =	vmul.u32 $0x60, v15;
	v48 =	vld [tilespmem:s21+$0x50];
	v7 =	vbroadcast v7, $0x0;
	v1 =	vadd.s32 v0, v1;
	[tilespmem:v9+s24+$0x0] =	vst.idx.msk $0xfff, v46  }
0x3a7: {  	v57 =	vadd.s32 v0, v52;
	v56 =	vld [tilespmem:s3+$0x50];
	[tilespmem:v2+s24+$0x0] =	vst.idx.msk $0xfff, v19;
	v2 =	vbroadcast v4, $0x0  }
0x3a8: {  	v7 =	vadd.s32 v0, v7;
	v45 =	vld [tilespmem:s26+$0x50];
	[tilespmem:v8+s24+$0x0] =	vst.idx.msk $0xfff, v3;
	v3 =	vbroadcast v49, $0x0  }
0x3a9: {  	v16 =	vmov s20;
	v54 =	vld [tilespmem:s13+$0x50];
	[tilespmem:v11+s24+$0x0] =	vst.idx.msk $0xfff, v47;
	v2 =	vadd.s32 v0, v2  }
0x3aa: {  	v53 =	vmul.u32 $0x60, v16;
	v17 =	vmov s22;
	v59 =	vld [tilespmem:s31+$0x50];
	[tilespmem:v51+s24+$0x0] =	vst.idx.msk $0xfff, v50;
	v3 =	vadd.s32 v0, v3  }
0x3ab: {  	v44 =	vmov s23;
	v55 =	vmul.u32 $0x60, v17;
	[tilespmem:v1+s24+$0x0] =	vst.idx.msk $0xfff, v48  }
0x3ac: {  	v10 =	vmul.u32 $0x60, v44;
	v58 =	vbroadcast v53, $0x0;
	[tilespmem:v57+s24+$0x0] =	vst.idx.msk $0xfff, v56  }
0x3ad: {  	v4 =	vbroadcast v55, $0x0;
	[tilespmem:v7+s24+$0x0] =	vst.idx.msk $0xfff, v45  }
0x3ae: {  	v61 =	vbroadcast v10, $0x0;
	v60 =	vld [tilespmem:s4+$0x50];
	v1 =	vadd.s32 v0, v58;
	[tilespmem:v2+s24+$0x0] =	vst.idx.msk $0xfff, v54  }
0x3af: {  	v62 =	vld [tilespmem:s6+$0x50];
	v4 =	vadd.s32 v0, v4;
	[tilespmem:v3+s24+$0x0] =	vst.idx.msk $0xfff, v59  }
0x3b0: {  	v63 =	vadd.s32 v0, v61;
	v2 =	vld [tilespmem:s17+$0x50];
	s29 =	rddreg [dreg:$0xa]  }
0x3b1: {  	s2 =	rddreg [dreg:$0xf]  }
.Ltmp6:
0x3b2: {  	s0 =	sadd.s32 s29, s2;
	(pc) =	sbr.rel .LBB2_9-.Ltmp6, $4  }
0x3b3: {  	[tilespmem:v1+s24+$0x0] =	vst.idx.msk $0xfff, v60;
	s0 =	smul.u32 $0x5DC, s0  }
0x3b4: {  	s30 =	rddreg [dreg:$0x1];
	[tilespmem:v4+s24+$0x0] =	vst.idx.msk $0xfff, v62  }
0x3b5: {  	s13 =	simm.s32 $0x5F80;
	s31 =	simm.s32 $0x0;
	[tilespmem:v63+s24+$0x0] =	vst.idx.msk $0xfff, v2;
	s0 =	sadd.s32 s30, s0  }
0x3b6: {  	[hbm4b:s0+s31] =	stream.linear.scatter [tilespmem:s24], [sflag:$0x1], $0x2EE0, $0x38;
	[tilespmem:$0x8E60] =	vst v63  }
.LBB2_3:
0x3b7: {  	s0 =	simm.s32 @!p0 $0x2  }
0x3b8: {  	_ =	swait.ge @!p0 [sflag:s0], $0x2EE0  }
0x3b9: {  	[sflag:s0] =	ssyncset.done @!p0 $0x0  }
0x3ba: {  	[sflag:s0] =	ssyncadd.s32 @!p0 $0xFFFFD120  }
0x3bb: {  	v1 =	vld [tilespmem:s21+$0xA]  }
0x3bc: {  	v2 =	vld [tilespmem:s21+$0xFFFFFFFB]  }
0x3bd: {  	v3 =	vld [tilespmem:s21+$0x0]  }
0x3be: {  	v4 =	vld [tilespmem:s21+$0x5]  }
0x3bf: {  	v5 =	vld [tilespmem:s21+$0xFFFFFFF6]  }
0x3c0: {  	v1 =	vmul.u32 $0x5C, v1  }
0x3c1: {  	v2 =	vmul.u32 $0x5C, v2  }
0x3c2: {  	v3 =	vmul.u32 $0x5C, v3;
	(v2sf) =	vpush v1, $0x0  }
0x3c3: {  	v4 =	vmul.u32 $0x5C, v4;
	(v2sf) =	vpush v2, $0x0  }
0x3c4: {  	v5 =	vmul.u32 $0x5C, v5;
	(v2sf) =	vpush v3, $0x0  }
0x3c5: {  	(v2sf) =	vpush v4, $0x0  }
0x3c6: {  	(v2sf) =	vpush v5, $0x0;
	_ =	sdelay $0xa  }
0x3c7: {  	s17 =	spop (v2sf)  }
0x3c8: {  	s16 =	spop (v2sf)  }
0x3c9: {  	v6 =	vld [tilespmem:s17+$0x0];
	s14 =	spop (v2sf)  }
0x3ca: {  	v7 =	vld [tilespmem:s16+$0x0];
	s12 =	spop (v2sf)  }
0x3cb: {  	v8 =	vld [tilespmem:s14+$0x0];
	s15 =	spop (v2sf)  }
0x3cc: {  	v9 =	vld [tilespmem:s15+$0x0]  }
0x3cd: {  	s28 =	simm.s32 $0x6420;
	(v2sf) =	vpush v5, $0x1  }
0x3ce: {  	(v2sf) =	vpush v2, $0x1;
	v10 =	vld [tilespmem:s12+$0x0];
	[tilespmem:s28+$0x2E0] =	vst v6  }
0x3cf: {  	(v2sf) =	vpush v3, $0x1;
	v6 =	vld [tilespmem:s17+$0x10];
	[tilespmem:s28+$0xFFFFFD40] =	vst v7  }
0x3d0: {  	(v2sf) =	vpush v4, $0x1;
	v7 =	vld [tilespmem:s16+$0x10];
	[tilespmem:s28+$0xFFFFFF20] =	vst v8  }
0x3d1: {  	(v2sf) =	vpush v5, $0x2;
	v8 =	vld [tilespmem:s14+$0x10];
	[tilespmem:s28+$0xFFFFFB60] =	vst v9  }
0x3d2: {  	(v2sf) =	vpush v2, $0x2;
	v9 =	vld [tilespmem:s15+$0x10]  }
0x3d3: {  	(v2sf) =	vpush v3, $0x2;
	[tilespmem:s28+$0x100] =	vst v10  }
0x3d4: {  	(v2sf) =	vpush v4, $0x2;
	v10 =	vld [tilespmem:s12+$0x10];
	[tilespmem:s28+$0x2F0] =	vst v6  }
0x3d5: {  	(v2sf) =	vpush v5, $0x3;
	v6 =	vld [tilespmem:s17+$0x20];
	[tilespmem:s28+$0xFFFFFD50] =	vst v7  }
0x3d6: {  	(v2sf) =	vpush v2, $0x3;
	v7 =	vld [tilespmem:s16+$0x20];
	[tilespmem:s28+$0xFFFFFF30] =	vst v8  }
0x3d7: {  	(v2sf) =	vpush v3, $0x3;
	v8 =	vld [tilespmem:s14+$0x20];
	[tilespmem:s28+$0xFFFFFB70] =	vst v9  }
0x3d8: {  	(v2sf) =	vpush v4, $0x3;
	v9 =	vld [tilespmem:s15+$0x20]  }
0x3d9: {  	(v2sf) =	vpush v5, $0x4;
	[tilespmem:s28+$0x110] =	vst v10  }
0x3da: {  	(v2sf) =	vpush v2, $0x4;
	v2 =	vld [tilespmem:s12+$0x20];
	[tilespmem:s28+$0x300] =	vst v6  }
0x3db: {  	(v2sf) =	vpush v3, $0x4;
	v3 =	vld [tilespmem:s17+$0x30];
	[tilespmem:s28+$0xFFFFFD60] =	vst v7  }
0x3dc: {  	s8 =	spop (v2sf);
	(v2sf) =	vpush v4, $0x4;
	v4 =	vld [tilespmem:s16+$0x30];
	[tilespmem:s28+$0xFFFFFF40] =	vst v8  }
0x3dd: {  	s10 =	spop (v2sf);
	(v2sf) =	vpush v1, $0x1;
	v5 =	vld [tilespmem:s14+$0x30];
	[tilespmem:s28+$0xFFFFFB80] =	vst v9  }
0x3de: {  	s11 =	spop (v2sf);
	v6 =	vld [tilespmem:s15+$0x30]  }
0x3df: {  	s9 =	spop (v2sf);
	[tilespmem:s28+$0x120] =	vst v2  }
0x3e0: {  	s2 =	spop (v2sf);
	v2 =	vld [tilespmem:s12+$0x30];
	[tilespmem:s28+$0x310] =	vst v3  }
0x3e1: {  	s6 =	simm.s32 $0x14;
	s5 =	spop (v2sf);
	v3 =	vld [tilespmem:s17+$0x40];
	[tilespmem:s28+$0xFFFFFD70] =	vst v4  }
0x3e2: {  	s7 =	simm.s32 $0x5;
	s4 =	spop (v2sf);
	v4 =	vmov s6;
	v7 =	vld [tilespmem:s16+$0x40];
	[tilespmem:s28+$0xFFFFFF50] =	vst v5  }
0x3e3: {  	s18 =	simm.s32 $0xA;
	s3 =	spop (v2sf);
	v4 =	vmul.u32 $0x60, v4;
	v5 =	vmov s7;
	[tilespmem:s28+$0xFFFFFB90] =	vst v6;
	v6 =	vld [tilespmem:s14+$0x40]  }
0x3e4: {  	s20 =	simm.s32 $0x0;
	v19 =	vmov s18;
	s1 =	spop (v2sf);
	v5 =	vmul.u32 $0x60, v5;
	v8 =	vld [tilespmem:s15+$0x40]  }
0x3e5: {  	v20 =	vmov s20;
	s0 =	spop (v2sf);
	[tilespmem:s28+$0x130] =	vst v2;
	v2 =	vbroadcast v4, $0x0;
	v4 =	vmul.u32 $0x60, v19  }
0x3e6: {  	s18 =	simm.s32 $0xF;
	v21 =	vmul.u32 $0x60, v20;
	s6 =	spop (v2sf);
	v22 =	vld [tilespmem:s12+$0x40];
	[tilespmem:s28+$0x320] =	vst v3;
	v3 =	vbroadcast v5, $0x0  }
0x3e7: {  	s7 =	spop (v2sf);
	v5 =	vmov s18;
	v2 =	vadd.s32 v0, v2;
	v4 =	vbroadcast v4, $0x0;
	v11 =	vld [tilespmem:s17+$0x50];
	[tilespmem:s28+$0xFFFFFD80] =	vst v7  }
0x3e8: {  	s29 =	spop (v2sf);
	v5 =	vmul.u32 $0x60, v5;
	v7 =	vbroadcast v21, $0x0;
	v23 =	vld [tilespmem:s16+$0x50];
	v3 =	vadd.s32 v0, v3;
	[tilespmem:s28+$0xFFFFFF60] =	vst v6  }
0x3e9: {  	s18 =	spop (v2sf);
	v4 =	vadd.s32 v0, v4;
	[tilespmem:s28+$0xFFFFFBA0] =	vst v8;
	v6 =	vld [tilespmem:s14+$0x50]  }
0x3ea: {  	s17 =	spop (v2sf);
	v5 =	vbroadcast v5, $0x0;
	v7 =	vadd.s32 v0, v7;
	v8 =	vld [tilespmem:s15+$0x50]  }
0x3eb: {  	s23 =	spop (v2sf);
	[tilespmem:s28+$0x140] =	vst v22  }
0x3ec: {  	s19 =	spop (v2sf);
	v10 =	vld [tilespmem:s12+$0x50];
	v5 =	vadd.s32 v0, v5;
	[tilespmem:v2+s13+$0x0] =	vst.idx.msk $0xfff, v11  }
0x3ed: {  	v2 =	vld [tilespmem:s19+$0x0];
	[tilespmem:v3+s13+$0x0] =	vst.idx.msk $0xfff, v23  }
0x3ee: {  	v3 =	vld [tilespmem:s10+$0x0];
	[tilespmem:v4+s13+$0x0] =	vst.idx.msk $0xfff, v6  }
0x3ef: {  	[tilespmem:v7+s13+$0x0] =	vst.idx.msk $0xfff, v8;
	v4 =	vld [tilespmem:s11+$0x0]  }
0x3f0: {  	v6 =	vld [tilespmem:s8+$0x0]  }
0x3f1: {  	[tilespmem:v5+s13+$0x0] =	vst.idx.msk $0xfff, v10  }
0x3f2: {  	[tilespmem:s28+$0x340] =	vst v2  }
0x3f3: {  	v2 =	vld [tilespmem:s19+$0x10];
	[tilespmem:s28+$0xFFFFFDA0] =	vst v3  }
0x3f4: {  	v3 =	vld [tilespmem:s9+$0x0];
	[tilespmem:s28+$0xFFFFFF80] =	vst v4  }
0x3f5: {  	v4 =	vld [tilespmem:s10+$0x10];
	[tilespmem:s28+$0xFFFFFBC0] =	vst v6  }
0x3f6: {  	v5 =	vld [tilespmem:s11+$0x10]  }
0x3f7: {  	v6 =	vld [tilespmem:s8+$0x10]  }
0x3f8: {  	[tilespmem:s28+$0x350] =	vst v2  }
0x3f9: {  	[tilespmem:s28+$0x160] =	vst v3;
	v2 =	vld [tilespmem:s19+$0x20]  }
0x3fa: {  	v3 =	vld [tilespmem:s9+$0x10];
	[tilespmem:s28+$0xFFFFFDB0] =	vst v4  }
0x3fb: {  	v4 =	vld [tilespmem:s10+$0x20];
	[tilespmem:s28+$0xFFFFFF90] =	vst v5  }
0x3fc: {  	[tilespmem:s28+$0xFFFFFBD0] =	vst v6;
	v5 =	vld [tilespmem:s11+$0x20]  }
0x3fd: {  	v6 =	vld [tilespmem:s8+$0x20]  }
0x3fe: {  	[tilespmem:s28+$0x360] =	vst v2  }
0x3ff: {  	[tilespmem:s28+$0x170] =	vst v3;
	v2 =	vld [tilespmem:s19+$0x30]  }
0x400: {  	v3 =	vld [tilespmem:s9+$0x20];
	[tilespmem:s28+$0xFFFFFDC0] =	vst v4  }
0x401: {  	(v2sf) =	vpush v1, $0x2;
	v4 =	vld [tilespmem:s10+$0x30];
	[tilespmem:s28+$0xFFFFFFA0] =	vst v5  }
0x402: {  	[tilespmem:s28+$0xFFFFFBE0] =	vst v6;
	v5 =	vld [tilespmem:s11+$0x30]  }
0x403: {  	v6 =	vld [tilespmem:s8+$0x30]  }
0x404: {  	[tilespmem:s28+$0x370] =	vst v2  }
0x405: {  	s22 =	simm.s32 $0x15;
	[tilespmem:s28+$0x180] =	vst v3;
	v2 =	vld [tilespmem:s19+$0x40]  }
0x406: {  	v3 =	vld [tilespmem:s9+$0x30];
	[tilespmem:s28+$0xFFFFFDD0] =	vst v4;
	v4 =	vmov s22  }
0x407: {  	s24 =	simm.s32 $0x6;
	v7 =	vld [tilespmem:s10+$0x40];
	v4 =	vmul.u32 $0x60, v4;
	[tilespmem:s28+$0xFFFFFFB0] =	vst v5  }
0x408: {  	s25 =	simm.s32 $0xB;
	[tilespmem:s28+$0xFFFFFBF0] =	vst v6;
	v5 =	vmov s24;
	v6 =	vld [tilespmem:s11+$0x40]  }
0x409: {  	s26 =	simm.s32 $0x1;
	v24 =	vmov s25;
	v8 =	vld [tilespmem:s8+$0x40];
	v5 =	vmul.u32 $0x60, v5;
	v4 =	vbroadcast v4, $0x0  }
0x40a: {  	v25 =	vmov s26;
	v9 =	vmul.u32 $0x60, v24;
	[tilespmem:s28+$0x380] =	vst v2  }
0x40b: {  	[tilespmem:s28+$0x190] =	vst v3;
	v2 =	vmul.u32 $0x60, v25;
	v3 =	vbroadcast v5, $0x0;
	v5 =	vld [tilespmem:s19+$0x50];
	v4 =	vadd.s32 v0, v4  }
0x40c: {  	s14 =	simm.s32 $0x10;
	v26 =	vld [tilespmem:s9+$0x40];
	[tilespmem:s28+$0xFFFFFDE0] =	vst v7;
	v7 =	vbroadcast v9, $0x0  }
0x40d: {  	v27 =	vmov s14;
	v2 =	vbroadcast v2, $0x0;
	v28 =	vld [tilespmem:s10+$0x50];
	v3 =	vadd.s32 v0, v3;
	[tilespmem:s28+$0xFFFFFFC0] =	vst v6  }
0x40e: {  	v6 =	vmul.u32 $0x60, v27;
	[tilespmem:s28+$0xFFFFFC00] =	vst v8;
	v7 =	vadd.s32 v0, v7;
	v8 =	vld [tilespmem:s11+$0x50]  }
0x40f: {  	v2 =	vadd.s32 v0, v2;
	v29 =	vld [tilespmem:s8+$0x50]  }
0x410: {  	s15 =	spop (v2sf);
	v6 =	vbroadcast v6, $0x0;
	[tilespmem:v4+s13+$0x0] =	vst.idx.msk $0xfff, v5  }
0x411: {  	[tilespmem:s28+$0x1A0] =	vst v26;
	v4 =	vld [tilespmem:s15+$0x0]  }
0x412: {  	v5 =	vld [tilespmem:s9+$0x50];
	v6 =	vadd.s32 v0, v6;
	[tilespmem:v3+s13+$0x0] =	vst.idx.msk $0xfff, v28  }
0x413: {  	v3 =	vld [tilespmem:s5+$0x0];
	[tilespmem:v7+s13+$0x0] =	vst.idx.msk $0xfff, v8  }
0x414: {  	[tilespmem:v2+s13+$0x0] =	vst.idx.msk $0xfff, v29;
	v2 =	vld [tilespmem:s4+$0x0];
	_ =	sdelay $0x1  }
0x415: {  	v7 =	vld [tilespmem:s2+$0x0];
	[tilespmem:s28+$0x3A0] =	vst v4  }
0x416: {  	[tilespmem:v6+s13+$0x0] =	vst.idx.msk $0xfff, v5;
	v4 =	vld [tilespmem:s15+$0x10]  }
0x417: {  	v5 =	vld [tilespmem:s3+$0x0];
	[tilespmem:s28+$0xFFFFFE00] =	vst v3  }
0x418: {  	v3 =	vld [tilespmem:s5+$0x10];
	[tilespmem:s28+$0xFFFFFFE0] =	vst v2  }
0x419: {  	v2 =	vld [tilespmem:s4+$0x10]  }
0x41a: {  	[tilespmem:s28+$0xFFFFFC20] =	vst v7  }
0x41b: {  	v6 =	vld [tilespmem:s2+$0x10];
	[tilespmem:s28+$0x3B0] =	vst v4  }
0x41c: {  	[tilespmem:s28+$0x1C0] =	vst v5;
	v4 =	vld [tilespmem:s15+$0x20]  }
0x41d: {  	v5 =	vld [tilespmem:s3+$0x10];
	[tilespmem:s28+$0xFFFFFE10] =	vst v3  }
0x41e: {  	v3 =	vld [tilespmem:s5+$0x20];
	[tilespmem:s28+$0xFFFFFFF0] =	vst v2  }
0x41f: {  	v2 =	vld [tilespmem:s4+$0x20]  }
0x420: {  	[tilespmem:s28+$0xFFFFFC30] =	vst v6  }
0x421: {  	v6 =	vld [tilespmem:s2+$0x20];
	[tilespmem:s28+$0x3C0] =	vst v4  }
0x422: {  	[tilespmem:s28+$0x1D0] =	vst v5;
	v4 =	vld [tilespmem:s15+$0x30]  }
0x423: {  	v5 =	vld [tilespmem:s3+$0x20];
	[tilespmem:s28+$0xFFFFFE20] =	vst v3  }
0x424: {  	(v2sf) =	vpush v1, $0x3;
	v3 =	vld [tilespmem:s5+$0x30];
	[tilespmem:s28+$0x0] =	vst v2  }
0x425: {  	v2 =	vld [tilespmem:s4+$0x30]  }
0x426: {  	[tilespmem:s28+$0xFFFFFC40] =	vst v6  }
0x427: {  	v6 =	vld [tilespmem:s2+$0x30];
	[tilespmem:s28+$0x3D0] =	vst v4  }
0x428: {  	s16 =	simm.s32 $0x16;
	[tilespmem:s28+$0x1E0] =	vst v5;
	v4 =	vld [tilespmem:s15+$0x40]  }
0x429: {  	v5 =	vld [tilespmem:s3+$0x30];
	[tilespmem:s28+$0xFFFFFE30] =	vst v3;
	v3 =	vmov s16  }
0x42a: {  	[tilespmem:s28+$0x10] =	vst v2;
	v2 =	vmul.u32 $0x60, v3  }
0x42b: {  	s19 =	simm.s32 $0x7;
	v7 =	vld [tilespmem:s5+$0x40]  }
0x42c: {  	s22 =	simm.s32 $0xC;
	[tilespmem:s28+$0xFFFFFC50] =	vst v6;
	v3 =	vmov s19;
	v6 =	vld [tilespmem:s4+$0x40];
	v2 =	vbroadcast v2, $0x0  }
0x42d: {  	v30 =	vmov s22;
	s24 =	simm.s32 $0x2;
	v8 =	vld [tilespmem:s2+$0x40];
	v3 =	vmul.u32 $0x60, v3;
	[tilespmem:s28+$0x3E0] =	vst v4  }
0x42e: {  	v31 =	vmov s24;
	v9 =	vmul.u32 $0x60, v30;
	[tilespmem:s28+$0x1F0] =	vst v5;
	v5 =	vld [tilespmem:s15+$0x50];
	v2 =	vadd.s32 v0, v2  }
0x42f: {  	v4 =	vmul.u32 $0x60, v31;
	v3 =	vbroadcast v3, $0x0  }
0x430: {  	v32 =	vld [tilespmem:s3+$0x40];
	[tilespmem:s28+$0xFFFFFE40] =	vst v7;
	v7 =	vbroadcast v9, $0x0  }
0x431: {  	s25 =	simm.s32 $0x11;
	v4 =	vbroadcast v4, $0x0;
	v11 =	vld [tilespmem:s5+$0x50];
	v3 =	vadd.s32 v0, v3;
	[tilespmem:s28+$0x20] =	vst v6  }
0x432: {  	v33 =	vmov s25;
	[tilespmem:s28+$0xFFFFFC60] =	vst v8;
	v7 =	vadd.s32 v0, v7;
	v8 =	vld [tilespmem:s4+$0x50]  }
0x433: {  	s26 =	spop (v2sf);
	v6 =	vmul.u32 $0x60, v33;
	v4 =	vadd.s32 v0, v4;
	v34 =	vld [tilespmem:s2+$0x50];
	[tilespmem:v2+s13+$0x0] =	vst.idx.msk $0xfff, v5  }
0x434: {  	v2 =	vld [tilespmem:s26+$0x0]  }
0x435: {  	v6 =	vbroadcast v6, $0x0;
	[tilespmem:s28+$0x200] =	vst v32  }
0x436: {  	[tilespmem:v3+s13+$0x0] =	vst.idx.msk $0xfff, v11  }
0x437: {  	v5 =	vld [tilespmem:s3+$0x50];
	v6 =	vadd.s32 v0, v6;
	[tilespmem:v7+s13+$0x0] =	vst.idx.msk $0xfff, v8  }
0x438: {  	v3 =	vld [tilespmem:s0+$0x0];
	[tilespmem:v4+s13+$0x0] =	vst.idx.msk $0xfff, v34  }
0x439: {  	v7 =	vld [tilespmem:s1+$0x0];
	[tilespmem:s28+$0x400] =	vst v2  }
0x43a: {  	v2 =	vld [tilespmem:s26+$0x10]  }
0x43b: {  	s4 =	sadd.s32 $0x19, s21;
	v4 =	vld [tilespmem:s6+$0x0]  }
0x43c: {  	(v2sf) =	vpush v1, $0x4;
	v1 =	vld [tilespmem:s4+$0xA];
	[tilespmem:v6+s13+$0x0] =	vst.idx.msk $0xfff, v5  }
0x43d: {  	v5 =	vld [tilespmem:s7+$0x0];
	[tilespmem:s28+$0xFFFFFE60] =	vst v3  }
0x43e: {  	v3 =	vld [tilespmem:s0+$0x10];
	[tilespmem:s28+$0xFFFFFC80] =	vst v7  }
0x43f: {  	v6 =	vld [tilespmem:s1+$0x10];
	[tilespmem:s28+$0x410] =	vst v2  }
0x440: {  	[tilespmem:s28+$0x40] =	vst v4;
	v2 =	vld [tilespmem:s26+$0x20]  }
0x441: {  	v4 =	vld [tilespmem:s6+$0x10]  }
0x442: {  	v35 =	vld [tilespmem:s4+$0x0];
	[tilespmem:s28+$0x220] =	vst v5  }
0x443: {  	v5 =	vld [tilespmem:s7+$0x10];
	[tilespmem:s28+$0xFFFFFE70] =	vst v3  }
0x444: {  	v3 =	vld [tilespmem:s0+$0x20];
	[tilespmem:s28+$0xFFFFFC90] =	vst v6  }
0x445: {  	v6 =	vld [tilespmem:s1+$0x20];
	[tilespmem:s28+$0x420] =	vst v2  }
0x446: {  	[tilespmem:s28+$0x50] =	vst v4;
	v2 =	vld [tilespmem:s26+$0x30]  }
0x447: {  	v4 =	vld [tilespmem:s6+$0x20]  }
0x448: {  	v7 =	vld [tilespmem:s4+$0xFFFFFFFB];
	[tilespmem:s28+$0x230] =	vst v5  }
0x449: {  	v5 =	vld [tilespmem:s7+$0x20];
	[tilespmem:s28+$0xFFFFFE80] =	vst v3  }
0x44a: {  	v3 =	vld [tilespmem:s0+$0x30];
	[tilespmem:s28+$0xFFFFFCA0] =	vst v6  }
0x44b: {  	v6 =	vld [tilespmem:s1+$0x30];
	[tilespmem:s28+$0x430] =	vst v2  }
0x44c: {  	s5 =	simm.s32 $0x17;
	[tilespmem:s28+$0x60] =	vst v4;
	v2 =	vld [tilespmem:s26+$0x40]  }
0x44d: {  	v8 =	vmov s5;
	v1 =	vmul.u32 $0x5C, v1;
	v4 =	vld [tilespmem:s6+$0x30]  }
0x44e: {  	v36 =	vld [tilespmem:s4+$0x5];
	v8 =	vmul.u32 $0x60, v8;
	[tilespmem:s28+$0x240] =	vst v5  }
0x44f: {  	v37 =	vld [tilespmem:s4+$0xFFFFFFF6];
	(v2sf) =	vpush v1, $0x0;
	[tilespmem:s28+$0xFFFFFE90] =	vst v3  }
0x450: {  	v8 =	vbroadcast v8, $0x0;
	[tilespmem:s28+$0xFFFFFCB0] =	vst v6  }
0x451: {  	s8 =	simm.s32 $0x3;
	v3 =	vld [tilespmem:s1+$0x40];
	[tilespmem:s28+$0x440] =	vst v2;
	v2 =	vmul.u32 $0x5C, v7  }
0x452: {  	[tilespmem:s28+$0x70] =	vst v4;
	v4 =	vmov s8;
	v7 =	vadd.s32 v0, v8;
	v8 =	vmul.u32 $0x5C, v35;
	v5 =	vld [tilespmem:s26+$0x50]  }
0x453: {  	v38 =	vmul.u32 $0x5C, v36;
	v6 =	vld [tilespmem:s7+$0x30];
	v4 =	vmul.u32 $0x60, v4;
	(v2sf) =	vpush v2, $0x0  }
0x454: {  	s9 =	simm.s32 $0x8;
	v11 =	vmul.u32 $0x5C, v37;
	v39 =	vld [tilespmem:s0+$0x40];
	(v2sf) =	vpush v8, $0x0  }
0x455: {  	s10 =	simm.s32 $0xD;
	v12 =	vmov s9;
	v13 =	vld [tilespmem:s6+$0x40];
	v4 =	vbroadcast v4, $0x0;
	(v2sf) =	vpush v38, $0x0  }
0x456: {  	v14 =	vmov s10;
	v12 =	vmul.u32 $0x60, v12;
	[tilespmem:s28+$0xFFFFFCC0] =	vst v3;
	(v2sf) =	vpush v11, $0x0  }
0x457: {  	s11 =	spop (v2sf);
	v4 =	vadd.s32 v0, v4;
	v41 =	vld [tilespmem:s1+$0x50];
	[tilespmem:v7+s13+$0x0] =	vst.idx.msk $0xfff, v5;
	v5 =	vmul.u32 $0x60, v14  }
0x458: {  	[tilespmem:s28+$0x250] =	vst v6;
	v3 =	vbroadcast v12, $0x0;
	v6 =	vld [tilespmem:s11+$0x0]  }
0x459: {  	[tilespmem:s28+$0xFFFFFEA0] =	vst v39;
	v5 =	vbroadcast v5, $0x0  }
0x45a: {  	v43 =	vld [tilespmem:s0+$0x50];
	[tilespmem:s28+$0x80] =	vst v13;
	v3 =	vadd.s32 v0, v3  }
0x45b: {  	v13 =	vld [tilespmem:s6+$0x50];
	v5 =	vadd.s32 v0, v5  }
0x45c: {  	s16 =	simm.s32 $0x12;
	v7 =	vld [tilespmem:s7+$0x40];
	[tilespmem:v4+s13+$0x0] =	vst.idx.msk $0xfff, v41  }
0x45d: {  	v40 =	vmov s16;
	v4 =	vld [tilespmem:s29+$0x0];
	[tilespmem:s28+$0x460] =	vst v6  }
0x45e: {  	v42 =	vmul.u32 $0x60, v40;
	s16 =	spop (v2sf);
	v6 =	vld [tilespmem:s11+$0x10]  }
0x45f: {  	v44 =	vld [tilespmem:s16+$0x0];
	[tilespmem:v3+s13+$0x0] =	vst.idx.msk $0xfff, v43  }
0x460: {  	v10 =	vbroadcast v42, $0x0;
	v3 =	vld [tilespmem:s18+$0x0];
	[tilespmem:v5+s13+$0x0] =	vst.idx.msk $0xfff, v13  }
0x461: {  	[tilespmem:s28+$0x260] =	vst v7;
	v5 =	vld [tilespmem:s17+$0x0]  }
0x462: {  	v10 =	vadd.s32 v0, v10;
	v7 =	vld [tilespmem:s7+$0x50];
	[tilespmem:s28+$0xFFFFFCE0] =	vst v4;
	s14 =	spop (v2sf)  }
0x463: {  	s26 =	simm.s32 $0x6D80;
	[tilespmem:s28+$0x470] =	vst v6;
	s12 =	spop (v2sf);
	v4 =	vld [tilespmem:s14+$0x0]  }
0x464: {  	[tilespmem:s26+$0x2E0] =	vst v44;
	v6 =	vld [tilespmem:s11+$0x20];
	s10 =	spop (v2sf)  }
0x465: {  	[tilespmem:s28+$0xFFFFFEC0] =	vst v3;
	v3 =	vld [tilespmem:s12+$0x0];
	s15 =	spop (v2sf)  }
0x466: {  	(v2sf) =	vpush v11, $0x1;
	[tilespmem:s28+$0xA0] =	vst v5;
	v5 =	vld [tilespmem:s15+$0x0]  }
0x467: {  	(v2sf) =	vpush v2, $0x1;
	[tilespmem:v10+s13+$0x0] =	vst.idx.msk $0xfff, v7;
	v7 =	vld [tilespmem:s10+$0x0]  }
0x468: {  	v45 =	vld [tilespmem:s16+$0x10];
	(v2sf) =	vpush v8, $0x1;
	[tilespmem:s26+$0xFFFFFD40] =	vst v4  }
0x469: {  	(v2sf) =	vpush v38, $0x1;
	[tilespmem:s28+$0x480] =	vst v6;
	v6 =	vld [tilespmem:s14+$0x10]  }
0x46a: {  	(v2sf) =	vpush v11, $0x2;
	[tilespmem:s26+$0xFFFFFF20] =	vst v3;
	v4 =	vld [tilespmem:s11+$0x30]  }
0x46b: {  	(v2sf) =	vpush v2, $0x2;
	v3 =	vld [tilespmem:s12+$0x10];
	[tilespmem:s26+$0xFFFFFB60] =	vst v5  }
0x46c: {  	(v2sf) =	vpush v8, $0x2;
	[tilespmem:s26+$0x100] =	vst v7;
	v5 =	vld [tilespmem:s15+$0x10]  }
0x46d: {  	[tilespmem:s26+$0x2F0] =	vst v45;
	(v2sf) =	vpush v38, $0x2;
	v7 =	vld [tilespmem:s10+$0x10]  }
0x46e: {  	(v2sf) =	vpush v11, $0x3;
	v10 =	vld [tilespmem:s16+$0x20];
	[tilespmem:s26+$0xFFFFFD50] =	vst v6  }
0x46f: {  	(v2sf) =	vpush v2, $0x3;
	[tilespmem:s28+$0x490] =	vst v4;
	v6 =	vld [tilespmem:s14+$0x20]  }
0x470: {  	s19 =	simm.s32 $0x18;
	(v2sf) =	vpush v8, $0x3;
	[tilespmem:s26+$0xFFFFFF30] =	vst v3;
	v4 =	vld [tilespmem:s11+$0x40]  }
0x471: {  	(v2sf) =	vpush v38, $0x3;
	v3 =	vmov s19;
	[tilespmem:s26+$0xFFFFFB70] =	vst v5;
	v5 =	vld [tilespmem:s12+$0x20]  }
0x472: {  	(v2sf) =	vpush v11, $0x4;
	v3 =	vmul.u32 $0x60, v3;
	[tilespmem:s26+$0x110] =	vst v7;
	v46 =	vld [tilespmem:s15+$0x20]  }
0x473: {  	(v2sf) =	vpush v2, $0x4;
	[tilespmem:s26+$0x300] =	vst v10;
	v2 =	vld [tilespmem:s10+$0x20]  }
0x474: {  	(v2sf) =	vpush v8, $0x4;
	v7 =	vld [tilespmem:s16+$0x30];
	v3 =	vbroadcast v3, $0x0;
	[tilespmem:s26+$0xFFFFFD60] =	vst v6  }
0x475: {  	s7 =	spop (v2sf);
	(v2sf) =	vpush v38, $0x4;
	[tilespmem:s28+$0x4A0] =	vst v4;
	v6 =	vld [tilespmem:s14+$0x30]  }
0x476: {  	v3 =	vadd.s32 v0, v3;
	v4 =	vld [tilespmem:s11+$0x50];
	s11 =	spop (v2sf);
	[tilespmem:s26+$0xFFFFFF40] =	vst v5;
	(v2sf) =	vpush v1, $0x1  }
0x477: {  	s9 =	spop (v2sf);
	[tilespmem:s26+$0xFFFFFB80] =	vst v46;
	v5 =	vld [tilespmem:s12+$0x30]  }
0x478: {  	[tilespmem:s26+$0x120] =	vst v2;
	s8 =	spop (v2sf);
	v8 =	vld [tilespmem:s15+$0x30]  }
0x479: {  	[tilespmem:s26+$0x310] =	vst v7;
	v2 =	vld [tilespmem:s10+$0x30];
	s2 =	spop (v2sf)  }
0x47a: {  	s21 =	simm.s32 $0x2D;
	v7 =	vld [tilespmem:s16+$0x40];
	s6 =	spop (v2sf);
	[tilespmem:s26+$0xFFFFFD70] =	vst v6  }
0x47b: {  	[tilespmem:v3+s13+$0x0] =	vst.idx.msk $0xfff, v4;
	s5 =	spop (v2sf);
	v3 =	vmov s21;
	v4 =	vld [tilespmem:s23+$0x0]  }
0x47c: {  	s22 =	simm.s32 $0x1E;
	v6 =	vld [tilespmem:s14+$0x40];
	s3 =	spop (v2sf);
	[tilespmem:s26+$0xFFFFFF50] =	vst v5;
	v3 =	vmul.u32 $0x60, v3  }
0x47d: {  	s24 =	simm.s32 $0x23;
	v5 =	vmov s22;
	s19 =	spop (v2sf);
	[tilespmem:s26+$0xFFFFFB90] =	vst v8;
	v8 =	vld [tilespmem:s12+$0x40]  }
0x47e: {  	s25 =	simm.s32 $0x28;
	v48 =	vmov s24;
	s22 =	simm.s32 $0x19;
	[tilespmem:s26+$0x130] =	vst v2;
	v5 =	vmul.u32 $0x60, v5;
	s0 =	spop (v2sf);
	v47 =	vld [tilespmem:s15+$0x40];
	v2 =	vbroadcast v3, $0x0  }
0x47f: {  	v10 =	vmul.u32 $0x60, v48;
	[tilespmem:s26+$0x320] =	vst v7;
	v7 =	vmov s25;
	v49 =	vld [tilespmem:s10+$0x40];
	v3 =	vmov s22;
	s1 =	spop (v2sf)  }
0x480: {  	v12 =	vld [tilespmem:s16+$0x50];
	v3 =	vmul.u32 $0x60, v3;
	v5 =	vbroadcast v5, $0x0;
	s31 =	spop (v2sf);
	v2 =	vadd.s32 v0, v2;
	[tilespmem:s28+$0x280] =	vst v4  }
0x481: {  	[tilespmem:s26+$0xFFFFFD80] =	vst v6;
	v4 =	vbroadcast v10, $0x0;
	v6 =	vmul.u32 $0x60, v7;
	v7 =	vld [tilespmem:s29+$0x10];
	s16 =	spop (v2sf)  }
0x482: {  	v50 =	vld [tilespmem:s14+$0x50];
	v3 =	vbroadcast v3, $0x0;
	v5 =	vadd.s32 v0, v5;
	s30 =	spop (v2sf);
	[tilespmem:s26+$0xFFFFFF60] =	vst v8  }
0x483: {  	v4 =	vadd.s32 v0, v4;
	v6 =	vbroadcast v6, $0x0;
	v8 =	vld [tilespmem:s12+$0x50];
	s25 =	spop (v2sf);
	[tilespmem:s26+$0xFFFFFBA0] =	vst v47  }
0x484: {  	[tilespmem:s26+$0x140] =	vst v49;
	v3 =	vadd.s32 v0, v3;
	v9 =	vld [tilespmem:s15+$0x50];
	s24 =	spop (v2sf)  }
0x485: {  	v11 =	vld [tilespmem:s10+$0x50];
	v6 =	vadd.s32 v0, v6;
	[tilespmem:v2+s13+$0x0] =	vst.idx.msk $0xfff, v12;
	s10 =	spop (v2sf)  }
0x486: {  	[tilespmem:s28+$0xFFFFFCF0] =	vst v7;
	v2 =	vld [tilespmem:s10+$0x0]  }
0x487: {  	[tilespmem:v5+s13+$0x0] =	vst.idx.msk $0xfff, v50;
	v5 =	vld [tilespmem:s18+$0x10]  }
0x488: {  	v7 =	vld [tilespmem:s11+$0x0];
	[tilespmem:v4+s13+$0x0] =	vst.idx.msk $0xfff, v8  }
0x489: {  	[tilespmem:v3+s13+$0x0] =	vst.idx.msk $0xfff, v9;
	v3 =	vld [tilespmem:s9+$0x0]  }
0x48a: {  	[tilespmem:v6+s13+$0x0] =	vst.idx.msk $0xfff, v11;
	v4 =	vld [tilespmem:s7+$0x0]  }
0x48b: {  	v6 =	vld [tilespmem:s8+$0x0];
	[tilespmem:s26+$0x340] =	vst v2  }
0x48c: {  	[tilespmem:s28+$0xFFFFFED0] =	vst v5;
	v2 =	vld [tilespmem:s10+$0x10]  }
0x48d: {  	v5 =	vld [tilespmem:s17+$0x10];
	[tilespmem:s26+$0xFFFFFDA0] =	vst v7  }
0x48e: {  	v7 =	vld [tilespmem:s11+$0x10];
	[tilespmem:s26+$0xFFFFFF80] =	vst v3  }
0x48f: {  	[tilespmem:s26+$0xFFFFFBC0] =	vst v4;
	v3 =	vld [tilespmem:s9+$0x10]  }
0x490: {  	[tilespmem:s26+$0x160] =	vst v6;
	v4 =	vld [tilespmem:s7+$0x10]  }
0x491: {  	v6 =	vld [tilespmem:s8+$0x10];
	[tilespmem:s26+$0x350] =	vst v2  }
0x492: {  	[tilespmem:s28+$0xB0] =	vst v5;
	v2 =	vld [tilespmem:s10+$0x20]  }
0x493: {  	v5 =	vld [tilespmem:s23+$0x10];
	[tilespmem:s26+$0xFFFFFDB0] =	vst v7  }
0x494: {  	v7 =	vld [tilespmem:s11+$0x20];
	[tilespmem:s26+$0xFFFFFF90] =	vst v3  }
0x495: {  	[tilespmem:s26+$0xFFFFFBD0] =	vst v4;
	v3 =	vld [tilespmem:s9+$0x20]  }
0x496: {  	[tilespmem:s26+$0x170] =	vst v6;
	v4 =	vld [tilespmem:s7+$0x20]  }
0x497: {  	v6 =	vld [tilespmem:s8+$0x20];
	[tilespmem:s26+$0x360] =	vst v2  }
0x498: {  	[tilespmem:s28+$0x290] =	vst v5;
	v2 =	vld [tilespmem:s10+$0x30]  }
0x499: {  	v5 =	vld [tilespmem:s29+$0x20];
	[tilespmem:s26+$0xFFFFFDC0] =	vst v7  }
0x49a: {  	(v2sf) =	vpush v1, $0x2;
	v7 =	vld [tilespmem:s11+$0x30];
	[tilespmem:s26+$0xFFFFFFA0] =	vst v3  }
0x49b: {  	[tilespmem:s26+$0xFFFFFBE0] =	vst v4;
	v3 =	vld [tilespmem:s9+$0x30]  }
0x49c: {  	[tilespmem:s26+$0x180] =	vst v6;
	v4 =	vld [tilespmem:s7+$0x30]  }
0x49d: {  	v6 =	vld [tilespmem:s8+$0x30];
	[tilespmem:s26+$0x370] =	vst v2  }
0x49e: {  	s14 =	simm.s32 $0x2E;
	[tilespmem:s28+$0xFFFFFD00] =	vst v5;
	v2 =	vld [tilespmem:s10+$0x40]  }
0x49f: {  	v5 =	vmov s14;
	[tilespmem:s26+$0xFFFFFDD0] =	vst v7;
	v7 =	vld [tilespmem:s18+$0x20]  }
0x4a0: {  	s15 =	simm.s32 $0x1F;
	v8 =	vld [tilespmem:s11+$0x40];
	[tilespmem:s26+$0xFFFFFFB0] =	vst v3;
	v3 =	vmul.u32 $0x60, v5  }
0x4a1: {  	s21 =	simm.s32 $0x24;
	v5 =	vmov s15;
	[tilespmem:s26+$0xFFFFFBF0] =	vst v4;
	v4 =	vld [tilespmem:s9+$0x40]  }
0x4a2: {  	v51 =	vmov s21;
	s14 =	simm.s32 $0x1A;
	s15 =	simm.s32 $0x29;
	v5 =	vmul.u32 $0x60, v5;
	[tilespmem:s26+$0x190] =	vst v6;
	v52 =	vld [tilespmem:s7+$0x40];
	v3 =	vbroadcast v3, $0x0  }
0x4a3: {  	v9 =	vmul.u32 $0x60, v51;
	v6 =	vmov s14;
	v53 =	vmov s15;
	v54 =	vld [tilespmem:s8+$0x40];
	[tilespmem:s26+$0x380] =	vst v2  }
0x4a4: {  	v6 =	vmul.u32 $0x60, v6;
	v5 =	vbroadcast v5, $0x0;
	[tilespmem:s28+$0xFFFFFEE0] =	vst v7;
	v2 =	vld [tilespmem:s10+$0x50];
	v3 =	vadd.s32 v0, v3  }
0x4a5: {  	v55 =	vld [tilespmem:s17+$0x20];
	v7 =	vbroadcast v9, $0x0;
	[tilespmem:s26+$0xFFFFFDE0] =	vst v8;
	v8 =	vmul.u32 $0x60, v53  }
0x4a6: {  	v6 =	vbroadcast v6, $0x0;
	v56 =	vld [tilespmem:s11+$0x50];
	v5 =	vadd.s32 v0, v5;
	[tilespmem:s26+$0xFFFFFFC0] =	vst v4  }
0x4a7: {  	v7 =	vadd.s32 v0, v7;
	v8 =	vbroadcast v8, $0x0;
	[tilespmem:s26+$0xFFFFFC00] =	vst v52;
	v4 =	vld [tilespmem:s9+$0x50]  }
0x4a8: {  	v6 =	vadd.s32 v0, v6;
	[tilespmem:s26+$0x1A0] =	vst v54;
	v10 =	vld [tilespmem:s7+$0x50]  }
0x4a9: {  	s21 =	spop (v2sf);
	v12 =	vld [tilespmem:s8+$0x50];
	v8 =	vadd.s32 v0, v8;
	[tilespmem:v3+s13+$0x0] =	vst.idx.msk $0xfff, v2  }
0x4aa: {  	[tilespmem:s28+$0xC0] =	vst v55;
	v2 =	vld [tilespmem:s21+$0x0]  }
0x4ab: {  	v3 =	vld [tilespmem:s23+$0x20];
	[tilespmem:v5+s13+$0x0] =	vst.idx.msk $0xfff, v56  }
0x4ac: {  	v5 =	vld [tilespmem:s6+$0x0];
	[tilespmem:v7+s13+$0x0] =	vst.idx.msk $0xfff, v4  }
0x4ad: {  	[tilespmem:v6+s13+$0x0] =	vst.idx.msk $0xfff, v10;
	v4 =	vld [tilespmem:s5+$0x0]  }
0x4ae: {  	[tilespmem:v8+s13+$0x0] =	vst.idx.msk $0xfff, v12;
	v6 =	vld [tilespmem:s2+$0x0]  }
0x4af: {  	v7 =	vld [tilespmem:s3+$0x0];
	[tilespmem:s26+$0x3A0] =	vst v2  }
0x4b0: {  	[tilespmem:s28+$0x2A0] =	vst v3;
	v2 =	vld [tilespmem:s21+$0x10]  }
0x4b1: {  	v3 =	vld [tilespmem:s29+$0x30];
	[tilespmem:s26+$0xFFFFFE00] =	vst v5  }
0x4b2: {  	v5 =	vld [tilespmem:s6+$0x10];
	[tilespmem:s26+$0xFFFFFFE0] =	vst v4  }
0x4b3: {  	[tilespmem:s26+$0xFFFFFC20] =	vst v6;
	v4 =	vld [tilespmem:s5+$0x10]  }
0x4b4: {  	[tilespmem:s26+$0x1C0] =	vst v7;
	v6 =	vld [tilespmem:s2+$0x10]  }
0x4b5: {  	v7 =	vld [tilespmem:s3+$0x10];
	[tilespmem:s26+$0x3B0] =	vst v2  }
0x4b6: {  	[tilespmem:s28+$0xFFFFFD10] =	vst v3;
	v2 =	vld [tilespmem:s21+$0x20]  }
0x4b7: {  	v3 =	vld [tilespmem:s18+$0x30];
	[tilespmem:s26+$0xFFFFFE10] =	vst v5  }
0x4b8: {  	v5 =	vld [tilespmem:s6+$0x20];
	[tilespmem:s26+$0xFFFFFFF0] =	vst v4  }
0x4b9: {  	[tilespmem:s26+$0xFFFFFC30] =	vst v6;
	v4 =	vld [tilespmem:s5+$0x20]  }
0x4ba: {  	[tilespmem:s26+$0x1D0] =	vst v7;
	v6 =	vld [tilespmem:s2+$0x20]  }
0x4bb: {  	v7 =	vld [tilespmem:s3+$0x20];
	[tilespmem:s26+$0x3C0] =	vst v2  }
0x4bc: {  	[tilespmem:s28+$0xFFFFFEF0] =	vst v3;
	v2 =	vld [tilespmem:s21+$0x30]  }
0x4bd: {  	v3 =	vld [tilespmem:s17+$0x30];
	[tilespmem:s26+$0xFFFFFE20] =	vst v5  }
0x4be: {  	(v2sf) =	vpush v1, $0x3;
	v5 =	vld [tilespmem:s6+$0x30];
	[tilespmem:s26+$0x0] =	vst v4  }
0x4bf: {  	[tilespmem:s26+$0xFFFFFC40] =	vst v6;
	v4 =	vld [tilespmem:s5+$0x30]  }
0x4c0: {  	[tilespmem:s26+$0x1E0] =	vst v7;
	v6 =	vld [tilespmem:s2+$0x30]  }
0x4c1: {  	v7 =	vld [tilespmem:s3+$0x30];
	[tilespmem:s26+$0x3D0] =	vst v2  }
0x4c2: {  	s10 =	simm.s32 $0x2F;
	[tilespmem:s28+$0xD0] =	vst v3;
	v2 =	vld [tilespmem:s21+$0x40]  }
0x4c3: {  	v3 =	vmov s10;
	[tilespmem:s26+$0xFFFFFE30] =	vst v5;
	v5 =	vld [tilespmem:s23+$0x30]  }
0x4c4: {  	s11 =	simm.s32 $0x20;
	v3 =	vmul.u32 $0x60, v3;
	v8 =	vld [tilespmem:s6+$0x40];
	[tilespmem:s26+$0x10] =	vst v4  }
0x4c5: {  	s12 =	simm.s32 $0x25;
	v4 =	vmov s11;
	[tilespmem:s26+$0xFFFFFC50] =	vst v6;
	v6 =	vld [tilespmem:s5+$0x40]  }
0x4c6: {  	v58 =	vmov s12;
	s14 =	simm.s32 $0x1B;
	s15 =	simm.s32 $0x2A;
	v3 =	vbroadcast v3, $0x0;
	v4 =	vmul.u32 $0x60, v4;
	[tilespmem:s26+$0x1F0] =	vst v7;
	v57 =	vld [tilespmem:s2+$0x40]  }
0x4c7: {  	v59 =	vmov s15;
	v10 =	vmul.u32 $0x60, v58;
	v7 =	vmov s14;
	v12 =	vld [tilespmem:s3+$0x40];
	[tilespmem:s26+$0x3E0] =	vst v2  }
0x4c8: {  	v3 =	vadd.s32 v0, v3;
	v7 =	vmul.u32 $0x60, v7;
	v4 =	vbroadcast v4, $0x0;
	[tilespmem:s28+$0x2B0] =	vst v5;
	v2 =	vld [tilespmem:s21+$0x50]  }
0x4c9: {  	v60 =	vld [tilespmem:s29+$0x40];
	v5 =	vbroadcast v10, $0x0;
	[tilespmem:s26+$0xFFFFFE40] =	vst v8;
	v8 =	vmul.u32 $0x60, v59  }
0x4ca: {  	v7 =	vbroadcast v7, $0x0;
	v61 =	vld [tilespmem:s6+$0x50];
	v4 =	vadd.s32 v0, v4;
	[tilespmem:s26+$0x20] =	vst v6  }
0x4cb: {  	v5 =	vadd.s32 v0, v5;
	v8 =	vbroadcast v8, $0x0;
	[tilespmem:s26+$0xFFFFFC60] =	vst v57;
	v6 =	vld [tilespmem:s5+$0x50]  }
0x4cc: {  	v7 =	vadd.s32 v0, v7;
	[tilespmem:s26+$0x200] =	vst v12;
	v9 =	vld [tilespmem:s2+$0x50]  }
0x4cd: {  	v12 =	vld [tilespmem:s3+$0x50];
	v8 =	vadd.s32 v0, v8;
	s2 =	spop (v2sf);
	[tilespmem:v3+s13+$0x0] =	vst.idx.msk $0xfff, v2  }
0x4ce: {  	[tilespmem:s28+$0xFFFFFD20] =	vst v60;
	v2 =	vld [tilespmem:s2+$0x0]  }
0x4cf: {  	v3 =	vld [tilespmem:s18+$0x40];
	[tilespmem:v4+s13+$0x0] =	vst.idx.msk $0xfff, v61  }
0x4d0: {  	v4 =	vld [tilespmem:s0+$0x0];
	[tilespmem:v5+s13+$0x0] =	vst.idx.msk $0xfff, v6  }
0x4d1: {  	[tilespmem:v7+s13+$0x0] =	vst.idx.msk $0xfff, v9;
	v5 =	vld [tilespmem:s1+$0x0]  }
0x4d2: {  	[tilespmem:v8+s13+$0x0] =	vst.idx.msk $0xfff, v12;
	v6 =	vld [tilespmem:s19+$0x0]  }
0x4d3: {  	v7 =	vld [tilespmem:s31+$0x0];
	[tilespmem:s26+$0x400] =	vst v2  }
0x4d4: {  	[tilespmem:s28+$0xFFFFFF00] =	vst v3;
	v2 =	vld [tilespmem:s2+$0x10]  }
0x4d5: {  	v3 =	vld [tilespmem:s17+$0x40];
	[tilespmem:s26+$0xFFFFFE60] =	vst v4  }
0x4d6: {  	v4 =	vld [tilespmem:s0+$0x10];
	[tilespmem:s26+$0x40] =	vst v5  }
0x4d7: {  	[tilespmem:s26+$0xFFFFFC80] =	vst v6;
	v5 =	vld [tilespmem:s1+$0x10]  }
0x4d8: {  	[tilespmem:s26+$0x220] =	vst v7;
	v6 =	vld [tilespmem:s19+$0x10]  }
0x4d9: {  	v7 =	vld [tilespmem:s31+$0x10];
	[tilespmem:s26+$0x410] =	vst v2  }
0x4da: {  	[tilespmem:s28+$0xE0] =	vst v3;
	v2 =	vld [tilespmem:s2+$0x20]  }
0x4db: {  	s21 =	simm.s32 $0x4;
	v3 =	vld [tilespmem:s23+$0x40];
	[tilespmem:s26+$0xFFFFFE70] =	vst v4  }
0x4dc: {  	v4 =	vld [tilespmem:s0+$0x20];
	[tilespmem:s26+$0x50] =	vst v5;
	v5 =	vmov s21  }
0x4dd: {  	[tilespmem:s26+$0xFFFFFC90] =	vst v6;
	v6 =	vld [tilespmem:s1+$0x20];
	v5 =	vmul.u32 $0x60, v5  }
0x4de: {  	[tilespmem:s26+$0x230] =	vst v7;
	v8 =	vld [tilespmem:s19+$0x20]  }
0x4df: {  	v7 =	vld [tilespmem:s31+$0x20];
	[tilespmem:s26+$0x420] =	vst v2;
	v2 =	vbroadcast v5, $0x0  }
0x4e0: {  	[tilespmem:s28+$0x2C0] =	vst v3;
	v5 =	vld [tilespmem:s2+$0x30]  }
0x4e1: {  	v62 =	vld [tilespmem:s29+$0x50];
	[tilespmem:s26+$0xFFFFFE80] =	vst v4;
	v63 =	vadd.s32 v0, v2  }
0x4e2: {  	s9 =	sadd.s32 $0x19, s4;
	v2 =	vld [tilespmem:s0+$0x30];
	[tilespmem:s26+$0x60] =	vst v6  }
0x4e3: {  	(v2sf) =	vpush v1, $0x4;
	v6 =	vld [tilespmem:s9+$0xA];
	[tilespmem:s26+$0xFFFFFCA0] =	vst v8  }
0x4e4: {  	v3 =	vld [tilespmem:s1+$0x30];
	[tilespmem:s26+$0x240] =	vst v7  }
0x4e5: {  	s4 =	simm.s32 $0x4B;
	s8 =	smov.u32 s19;
	v4 =	vld [tilespmem:s19+$0x30];
	[tilespmem:s26+$0x430] =	vst v5  }
0x4e6: {  	s29 =	simm.s32 $0x6D80;
	s3 =	simm.s32 $0x30;
	s28 =	simm.s32 $0x32;
	v5 =	vld [tilespmem:s2+$0x40];
	[tilespmem:v63+s13+$0x0] =	vst.idx.msk $0xfff, v62  }
.LBB2_4:
0x4e7: {  	v7 =	vld [tilespmem:s9+$0xFFFFFFFB]  }
0x4e8: {  	[tilespmem:s26+$0xFFFFFE90] =	vst v2;
	v1 =	vmov s3;
	v2 =	vld [tilespmem:s9+$0x0]  }
0x4e9: {  	[tilespmem:s26+$0x70] =	vst v3;
	s15 =	sadd.s32 $0x9, s20;
	v3 =	vld [tilespmem:s9+$0x5];
	v1 =	vmul.u32 $0x60, v1  }
0x4ea: {  	s5 =	sadd.s32 $0xE, s20;
	[tilespmem:s26+$0xFFFFFCB0] =	vst v4;
	s6 =	sadd.s32 $0x3, s22;
	v13 =	vld [tilespmem:s31+$0x30];
	v4 =	vmov s15  }
0x4eb: {  	s7 =	sadd.s32 $0x8, s22;
	s21 =	sadd.s32 $0x12, s22;
	v8 =	vmov s5;
	v9 =	vld [tilespmem:s9+$0xFFFFFFF6];
	v10 =	vmov s6;
	v12 =	vbroadcast v1, $0x0  }
0x4ec: {  	[tilespmem:s26+$0x440] =	vst v5;
	v11 =	vmov s7;
	v14 =	vmov s21;
	v1 =	vmul.u32 $0x5C, v6  }
0x4ed: {  	v4 =	vmul.u32 $0x60, v4;
	v5 =	vmul.u32 $0x5C, v7;
	v7 =	vld [tilespmem:s2+$0x50];
	v12 =	vadd.s32 v0, v12  }
0x4ee: {  	v15 =	vld [tilespmem:s8+$0x40];
	v10 =	vmul.u32 $0x60, v10;
	v2 =	vmul.u32 $0x5C, v2;
	(v2sf) =	vpush v1, $0x0  }
0x4ef: {  	v16 =	vld [tilespmem:s0+$0x40];
	v11 =	vmul.u32 $0x60, v11;
	v3 =	vmul.u32 $0x5C, v3;
	(v2sf) =	vpush v5, $0x0  }
0x4f0: {  	s19 =	sadd.s32 $0xD, s22;
	v17 =	vld [tilespmem:s1+$0x40];
	v4 =	vbroadcast v4, $0x0;
	[tilespmem:s26+$0x250] =	vst v13;
	v9 =	vmul.u32 $0x5C, v9;
	(v2sf) =	vpush v2, $0x0  }
0x4f1: {  	v6 =	vmov s19;
	v10 =	vbroadcast v10, $0x0;
	v18 =	vld [tilespmem:s31+$0x40];
	(v2sf) =	vpush v3, $0x0  }
0x4f2: {  	v37 =	vld [tilespmem:s18+$0x50];
	v6 =	vmul.u32 $0x60, v6;
	v4 =	vadd.s32 v0, v4;
	s15 =	spop (v2sf);
	(v2sf) =	vpush v9, $0x0;
	[tilespmem:v12+s13+$0x0] =	vst.idx.msk $0xfff, v7  }
0x4f3: {  	v8 =	vmul.u32 $0x60, v8;
	v38 =	vmul.u32 $0x60, v14;
	[tilespmem:s26+$0xFFFFFCC0] =	vst v15;
	v7 =	vbroadcast v11, $0x0;
	v12 =	vld [tilespmem:s15+$0x0]  }
0x4f4: {  	v10 =	vadd.s32 v0, v10;
	[tilespmem:s26+$0xFFFFFEA0] =	vst v16;
	v6 =	vbroadcast v6, $0x0;
	v39 =	vld [tilespmem:s8+$0x50];
	(v2sf) =	vpush v9, $0x1  }
0x4f5: {  	[tilespmem:s26+$0x80] =	vst v17;
	v40 =	vld [tilespmem:s0+$0x50];
	v11 =	vbroadcast v38, $0x0;
	(v2sf) =	vpush v5, $0x1;
	v7 =	vadd.s32 v0, v7  }
0x4f6: {  	v8 =	vbroadcast v8, $0x0;
	v41 =	vld [tilespmem:s1+$0x50];
	v6 =	vadd.s32 v0, v6;
	[tilespmem:s26+$0x260] =	vst v18;
	(v2sf) =	vpush v2, $0x1  }
0x4f7: {  	s3 =	sadd.s32 $0x13, s20;
	[tilespmem:v4+s13+$0x0] =	vst.idx.msk $0xfff, v37;
	v42 =	vld [tilespmem:s31+$0x50];
	v11 =	vadd.s32 v0, v11;
	(v2sf) =	vpush v3, $0x1  }
0x4f8: {  	v43 =	vmov s3;
	v8 =	vadd.s32 v0, v8;
	v4 =	vld [tilespmem:s17+$0x50];
	(v2sf) =	vpush v9, $0x2;
	[tilespmem:s26+$0x460] =	vst v12  }
0x4f9: {  	[tilespmem:v10+s13+$0x0] =	vst.idx.msk $0xfff, v39;
	(v2sf) =	vpush v5, $0x2;
	v12 =	vmul.u32 $0x60, v43;
	v44 =	vld [tilespmem:s15+$0x10]  }
0x4fa: {  	s19 =	smov.u32 s30;
	v14 =	vld [tilespmem:s16+$0x0];
	(v2sf) =	vpush v2, $0x2;
	[tilespmem:v7+s13+$0x0] =	vst.idx.msk $0xfff, v40  }
0x4fb: {  	s21 =	smov.u32 s25;
	[tilespmem:v6+s13+$0x0] =	vst.idx.msk $0xfff, v41;
	(v2sf) =	vpush v3, $0x2;
	v7 =	vld [tilespmem:s19+$0x0];
	v6 =	vbroadcast v12, $0x0  }
0x4fc: {  	v45 =	vld [tilespmem:s21+$0x0];
	[tilespmem:v11+s13+$0x0] =	vst.idx.msk $0xfff, v42;
	(v2sf) =	vpush v9, $0x3  }
0x4fd: {  	[tilespmem:v8+s13+$0x0] =	vst.idx.msk $0xfff, v4;
	v4 =	vld [tilespmem:s23+$0x50];
	(v2sf) =	vpush v5, $0x3;
	s25 =	spop (v2sf);
	v6 =	vadd.s32 v0, v6  }
0x4fe: {  	(v2sf) =	vpush v2, $0x3;
	v8 =	vld [tilespmem:s25+$0x0];
	s23 =	spop (v2sf);
	[tilespmem:s26+$0x470] =	vst v44  }
0x4ff: {  	s18 =	smov.u32 s24;
	[tilespmem:s26+$0xFFFFFCE0] =	vst v14;
	(v2sf) =	vpush v3, $0x3;
	s24 =	spop (v2sf);
	v46 =	vld [tilespmem:s15+$0x20]  }
0x500: {  	s30 =	smov.u32 s16;
	(v2sf) =	vpush v9, $0x4;
	v47 =	vld [tilespmem:s23+$0x0];
	[tilespmem:s26+$0xFFFFFEC0] =	vst v7;
	s16 =	spop (v2sf)  }
0x501: {  	(v2sf) =	vpush v5, $0x4;
	v5 =	vld [tilespmem:s24+$0x0];
	[tilespmem:s26+$0xA0] =	vst v45;
	s10 =	spop (v2sf)  }
0x502: {  	s26 =	sadd.s32 $0x960, s26;
	(v2sf) =	vpush v2, $0x4;
	[tilespmem:v6+s13+$0x0] =	vst.idx.msk $0xfff, v4;
	v2 =	vld [tilespmem:s10+$0x0]  }
0x503: {  	s14 =	spop (v2sf);
	(v2sf) =	vpush v3, $0x4;
	v3 =	vld [tilespmem:s16+$0x0];
	[tilespmem:s26+$0x2E0] =	vst v8  }
0x504: {  	s5 =	smov.u32 s4;
	v4 =	vld [tilespmem:s25+$0x10];
	[tilespmem:s29+$0x480] =	vst v46  }
0x505: {  	[dreg:$0x8] =	wrdreg s5;
	s5 =	spop (v2sf);
	[tilespmem:s26+$0xFFFFFD40] =	vst v47;
	v6 =	vld [tilespmem:s15+$0x30]  }
0x506: {  	s3 =	spop (v2sf);
	v7 =	vld [tilespmem:s23+$0x10];
	[tilespmem:s26+$0xFFFFFF20] =	vst v5  }
0x507: {  	s2 =	spop (v2sf);
	[tilespmem:s26+$0xFFFFFB60] =	vst v2;
	v2 =	vld [tilespmem:s24+$0x10]  }
0x508: {  	s7 =	spop (v2sf);
	[tilespmem:s26+$0x100] =	vst v3;
	v5 =	vld [tilespmem:s10+$0x10]  }
0x509: {  	s8 =	spop (v2sf);
	v3 =	vld [tilespmem:s16+$0x10];
	[tilespmem:s26+$0x2F0] =	vst v4  }
0x50a: {  	s17 =	smov.u32 s22;
	s12 =	spop (v2sf);
	v4 =	vld [tilespmem:s25+$0x20];
	[tilespmem:s29+$0x490] =	vst v6  }
0x50b: {  	s20 =	sadd.s32 $0x18, s17;
	s11 =	spop (v2sf);
	[tilespmem:s26+$0xFFFFFD50] =	vst v7;
	v6 =	vld [tilespmem:s15+$0x40]  }
0x50c: {  	s6 =	spop (v2sf);
	v7 =	vld [tilespmem:s23+$0x20];
	[tilespmem:s26+$0xFFFFFF30] =	vst v2;
	v2 =	vmov s20  }
0x50d: {  	s0 =	spop (v2sf);
	[tilespmem:s26+$0xFFFFFB70] =	vst v5;
	v5 =	vld [tilespmem:s24+$0x20];
	v2 =	vmul.u32 $0x60, v2  }
0x50e: {  	s1 =	spop (v2sf);
	[tilespmem:s26+$0x110] =	vst v3;
	v8 =	vld [tilespmem:s10+$0x20]  }
0x50f: {  	s31 =	spop (v2sf);
	v3 =	vld [tilespmem:s16+$0x20];
	[tilespmem:s26+$0x300] =	vst v4;
	v2 =	vbroadcast v2, $0x0  }
0x510: {  	s20 =	spop (v2sf);
	v4 =	vld [tilespmem:s25+$0x30];
	[tilespmem:s29+$0x4A0] =	vst v6  }
0x511: {  	[dreg:$0x6] =	wrdreg s6;
	s6 =	spop (v2sf);
	[tilespmem:s26+$0xFFFFFD60] =	vst v7;
	v6 =	vld [tilespmem:s15+$0x50];
	v2 =	vadd.s32 v0, v2  }
0x512: {  	[dreg:$0x3] =	wrdreg s20;
	s20 =	spop (v2sf);
	v7 =	vld [tilespmem:s23+$0x30];
	[tilespmem:s26+$0xFFFFFF40] =	vst v5  }
0x513: {  	s22 =	smov.u32 s28;
	s28 =	spop (v2sf);
	(v2sf) =	vpush v1, $0x1;
	[tilespmem:s26+$0xFFFFFB80] =	vst v8;
	v5 =	vld [tilespmem:s24+$0x30]  }
0x514: {  	[tilespmem:s26+$0x120] =	vst v3;
	v8 =	vld [tilespmem:s10+$0x30]  }
0x515: {  	v3 =	vld [tilespmem:s16+$0x30];
	[tilespmem:s26+$0x310] =	vst v4  }
0x516: {  	v4 =	vld [tilespmem:s25+$0x40];
	[tilespmem:v2+s13+$0x0] =	vst.idx.msk $0xfff, v6  }
0x517: {  	s15 =	sadd.s32 $0x14, s22;
	[tilespmem:s26+$0xFFFFFD70] =	vst v7  }
0x518: {  	v2 =	vmov s15;
	s15 =	sadd.s32 $0x5, s22;
	v7 =	vld [tilespmem:s23+$0x40];
	[tilespmem:s26+$0xFFFFFF50] =	vst v5  }
0x519: {  	v6 =	vld [tilespmem:s18+$0x0];
	v2 =	vmul.u32 $0x60, v2;
	[tilespmem:s26+$0xFFFFFB90] =	vst v8;
	v8 =	vmov s15  }
0x51a: {  	v48 =	vld [tilespmem:s24+$0x40];
	s15 =	sadd.s32 $0xA, s22;
	v8 =	vmul.u32 $0x60, v8  }
0x51b: {  	v5 =	vmov s22;
	[tilespmem:s26+$0x130] =	vst v3;
	v2 =	vbroadcast v2, $0x0;
	v49 =	vld [tilespmem:s10+$0x40];
	v50 =	vmov s15  }
0x51c: {  	v3 =	vmul.u32 $0x60, v5;
	v51 =	vld [tilespmem:s16+$0x40];
	s15 =	sadd.s32 $0xF, s22;
	[tilespmem:s26+$0x320] =	vst v4;
	v5 =	vmul.u32 $0x60, v50;
	v4 =	vbroadcast v8, $0x0  }
0x51d: {  	v52 =	vld [tilespmem:s25+$0x50];
	v2 =	vadd.s32 v0, v2;
	v8 =	vmov s15;
	[tilespmem:s26+$0xFFFFFD80] =	vst v7  }
0x51e: {  	[tilespmem:s29+$0x280] =	vst v6;
	v5 =	vbroadcast v5, $0x0;
	v6 =	vmul.u32 $0x60, v8;
	v8 =	vld [tilespmem:s23+$0x50];
	v4 =	vadd.s32 v0, v4  }
0x51f: {  	v3 =	vbroadcast v3, $0x0;
	v7 =	vld [tilespmem:s30+$0x10];
	[tilespmem:s26+$0xFFFFFF60] =	vst v48  }
0x520: {  	[tilespmem:s26+$0xFFFFFBA0] =	vst v49;
	v9 =	vld [tilespmem:s24+$0x50];
	v5 =	vadd.s32 v0, v5;
	v6 =	vbroadcast v6, $0x0  }
0x521: {  	v3 =	vadd.s32 v0, v3;
	[tilespmem:s26+$0x140] =	vst v51;
	v10 =	vld [tilespmem:s10+$0x50]  }
0x522: {  	v11 =	vld [tilespmem:s16+$0x50];
	[tilespmem:v2+s13+$0x0] =	vst.idx.msk $0xfff, v52;
	s10 =	spop (v2sf);
	v6 =	vadd.s32 v0, v6  }
0x523: {  	v2 =	vld [tilespmem:s10+$0x0];
	[tilespmem:v4+s13+$0x0] =	vst.idx.msk $0xfff, v8  }
0x524: {  	[tilespmem:s29+$0xFFFFFCF0] =	vst v7;
	v4 =	vld [tilespmem:s19+$0x10]  }
0x525: {  	v7 =	vld [tilespmem:s5+$0x0];
	[tilespmem:v5+s13+$0x0] =	vst.idx.msk $0xfff, v9  }
0x526: {  	[tilespmem:v3+s13+$0x0] =	vst.idx.msk $0xfff, v10  }
0x527: {  	v3 =	vld [tilespmem:s3+$0x0];
	[tilespmem:v6+s13+$0x0] =	vst.idx.msk $0xfff, v11  }
0x528: {  	v5 =	vld [tilespmem:s14+$0x0];
	[tilespmem:s26+$0x340] =	vst v2  }
0x529: {  	v6 =	vld [tilespmem:s2+$0x0];
	[tilespmem:s29+$0xFFFFFED0] =	vst v4  }
0x52a: {  	v2 =	vld [tilespmem:s10+$0x10];
	[tilespmem:s26+$0xFFFFFDA0] =	vst v7  }
0x52b: {  	v7 =	vld [tilespmem:s5+$0x10]  }
0x52c: {  	v4 =	vld [tilespmem:s21+$0x10];
	[tilespmem:s26+$0xFFFFFF80] =	vst v3  }
0x52d: {  	[tilespmem:s26+$0xFFFFFBC0] =	vst v5;
	v3 =	vld [tilespmem:s3+$0x10]  }
0x52e: {  	v5 =	vld [tilespmem:s14+$0x10];
	[tilespmem:s26+$0x160] =	vst v6  }
0x52f: {  	[tilespmem:s26+$0x350] =	vst v2;
	v6 =	vld [tilespmem:s2+$0x10]  }
0x530: {  	v2 =	vld [tilespmem:s10+$0x20];
	[tilespmem:s26+$0xFFFFFDB0] =	vst v7  }
0x531: {  	s23 =	smov.u32 s18;
	[tilespmem:s29+$0xB0] =	vst v4;
	v7 =	vld [tilespmem:s5+$0x20]  }
0x532: {  	v4 =	vld [tilespmem:s23+$0x10];
	[tilespmem:s26+$0xFFFFFF90] =	vst v3  }
0x533: {  	[tilespmem:s26+$0xFFFFFBD0] =	vst v5;
	v3 =	vld [tilespmem:s3+$0x20]  }
0x534: {  	v5 =	vld [tilespmem:s14+$0x20];
	[tilespmem:s26+$0x170] =	vst v6  }
0x535: {  	[tilespmem:s26+$0x360] =	vst v2;
	v6 =	vld [tilespmem:s2+$0x20]  }
0x536: {  	v2 =	vld [tilespmem:s10+$0x30];
	[tilespmem:s26+$0xFFFFFDC0] =	vst v7  }
0x537: {  	[tilespmem:s29+$0x290] =	vst v4;
	v7 =	vld [tilespmem:s5+$0x30]  }
0x538: {  	v4 =	vld [tilespmem:s30+$0x20];
	[tilespmem:s26+$0xFFFFFFA0] =	vst v3  }
0x539: {  	(v2sf) =	vpush v1, $0x2;
	[tilespmem:s26+$0xFFFFFBE0] =	vst v5;
	v3 =	vld [tilespmem:s3+$0x30]  }
0x53a: {  	v5 =	vld [tilespmem:s14+$0x30];
	[tilespmem:s26+$0x180] =	vst v6  }
0x53b: {  	[tilespmem:s26+$0x370] =	vst v2;
	v6 =	vld [tilespmem:s2+$0x30]  }
0x53c: {  	v2 =	vld [tilespmem:s10+$0x40];
	[tilespmem:s26+$0xFFFFFDD0] =	vst v7  }
0x53d: {  	s16 =	sadd.s32 $0x15, s22;
	[tilespmem:s29+$0xFFFFFD00] =	vst v4;
	v7 =	vld [tilespmem:s19+$0x20]  }
0x53e: {  	v4 =	vmov s16;
	s16 =	sadd.s32 $0x6, s22;
	v8 =	vld [tilespmem:s5+$0x40];
	[tilespmem:s26+$0xFFFFFFB0] =	vst v3  }
0x53f: {  	v3 =	vmul.u32 $0x60, v4;
	v4 =	vmov s16;
	[tilespmem:s26+$0xFFFFFBF0] =	vst v5  }
0x540: {  	s15 =	sadd.s32 $0xB, s22;
	v5 =	vld [tilespmem:s3+$0x40];
	v4 =	vmul.u32 $0x60, v4;
	[tilespmem:s26+$0x190] =	vst v6  }
0x541: {  	v54 =	vmov s15;
	s16 =	sadd.s32 $0x1, s22;
	v53 =	vld [tilespmem:s14+$0x40];
	v3 =	vbroadcast v3, $0x0;
	[tilespmem:s26+$0x380] =	vst v2  }
0x542: {  	s15 =	sadd.s32 $0x10, s22;
	v10 =	vmul.u32 $0x60, v54;
	v6 =	vmov s16;
	v11 =	vld [tilespmem:s2+$0x40];
	v4 =	vbroadcast v4, $0x0;
	[tilespmem:s29+$0xFFFFFEE0] =	vst v7  }
0x543: {  	v55 =	vmov s15;
	v2 =	vmul.u32 $0x60, v6;
	v6 =	vld [tilespmem:s10+$0x50];
	v3 =	vadd.s32 v0, v3;
	[tilespmem:s26+$0xFFFFFDE0] =	vst v8  }
0x544: {  	v7 =	vbroadcast v10, $0x0;
	v8 =	vmul.u32 $0x60, v55;
	v4 =	vadd.s32 v0, v4;
	v57 =	vld [tilespmem:s5+$0x50]  }
0x545: {  	v56 =	vld [tilespmem:s21+$0x20];
	v2 =	vbroadcast v2, $0x0;
	[tilespmem:s26+$0xFFFFFFC0] =	vst v5  }
0x546: {  	[tilespmem:s26+$0xFFFFFC00] =	vst v53;
	v5 =	vld [tilespmem:s3+$0x50];
	v7 =	vadd.s32 v0, v7;
	v8 =	vbroadcast v8, $0x0  }
0x547: {  	v2 =	vadd.s32 v0, v2;
	v9 =	vld [tilespmem:s14+$0x50];
	[tilespmem:s26+$0x1A0] =	vst v11  }
0x548: {  	v11 =	vld [tilespmem:s2+$0x50];
	v8 =	vadd.s32 v0, v8;
	[tilespmem:v3+s13+$0x0] =	vst.idx.msk $0xfff, v6;
	s2 =	spop (v2sf)  }
0x549: {  	v3 =	vld [tilespmem:s2+$0x0];
	[tilespmem:v4+s13+$0x0] =	vst.idx.msk $0xfff, v57  }
0x54a: {  	[tilespmem:s29+$0xC0] =	vst v56;
	v6 =	vld [tilespmem:s8+$0x0]  }
0x54b: {  	v4 =	vld [tilespmem:s23+$0x20];
	[tilespmem:v7+s13+$0x0] =	vst.idx.msk $0xfff, v5  }
0x54c: {  	[tilespmem:v2+s13+$0x0] =	vst.idx.msk $0xfff, v9;
	v2 =	vld [tilespmem:s12+$0x0]  }
0x54d: {  	v5 =	vld [tilespmem:s7+$0x0];
	[tilespmem:v8+s13+$0x0] =	vst.idx.msk $0xfff, v11  }
0x54e: {  	v7 =	vld [tilespmem:s11+$0x0];
	[tilespmem:s26+$0x3A0] =	vst v3  }
0x54f: {  	v3 =	vld [tilespmem:s2+$0x10];
	[tilespmem:s26+$0xFFFFFE00] =	vst v6  }
0x550: {  	[tilespmem:s29+$0x2A0] =	vst v4;
	v6 =	vld [tilespmem:s8+$0x10]  }
0x551: {  	v4 =	vld [tilespmem:s30+$0x30];
	[tilespmem:s26+$0xFFFFFFE0] =	vst v2  }
0x552: {  	[tilespmem:s26+$0xFFFFFC20] =	vst v5;
	v2 =	vld [tilespmem:s12+$0x10]  }
0x553: {  	v5 =	vld [tilespmem:s7+$0x10];
	[tilespmem:s26+$0x1C0] =	vst v7  }
0x554: {  	v7 =	vld [tilespmem:s11+$0x10];
	[tilespmem:s26+$0x3B0] =	vst v3  }
0x555: {  	v3 =	vld [tilespmem:s2+$0x20];
	[tilespmem:s26+$0xFFFFFE10] =	vst v6  }
0x556: {  	[tilespmem:s29+$0xFFFFFD10] =	vst v4;
	v4 =	vld [tilespmem:s19+$0x30]  }
0x557: {  	v6 =	vld [tilespmem:s8+$0x20];
	[tilespmem:s26+$0xFFFFFFF0] =	vst v2  }
0x558: {  	[tilespmem:s26+$0xFFFFFC30] =	vst v5  }
0x559: {  	v2 =	vld [tilespmem:s12+$0x20];
	[tilespmem:s26+$0x1D0] =	vst v7  }
0x55a: {  	v5 =	vld [tilespmem:s7+$0x20];
	[tilespmem:s26+$0x3C0] =	vst v3  }
0x55b: {  	v7 =	vld [tilespmem:s11+$0x20];
	[tilespmem:s29+$0xFFFFFEF0] =	vst v4  }
0x55c: {  	v3 =	vld [tilespmem:s2+$0x30];
	[tilespmem:s26+$0xFFFFFE20] =	vst v6  }
0x55d: {  	v6 =	vld [tilespmem:s8+$0x30]  }
0x55e: {  	(v2sf) =	vpush v1, $0x3;
	v4 =	vld [tilespmem:s21+$0x30];
	[tilespmem:s26+$0x0] =	vst v2  }
0x55f: {  	[tilespmem:s26+$0xFFFFFC40] =	vst v5;
	v2 =	vld [tilespmem:s12+$0x30]  }
0x560: {  	v5 =	vld [tilespmem:s7+$0x30];
	[tilespmem:s26+$0x1E0] =	vst v7  }
0x561: {  	v7 =	vld [tilespmem:s11+$0x30];
	[tilespmem:s26+$0x3D0] =	vst v3  }
0x562: {  	s5 =	sadd.s32 $0x16, s22;
	v3 =	vld [tilespmem:s2+$0x40];
	[tilespmem:s26+$0xFFFFFE30] =	vst v6  }
0x563: {  	s10 =	sadd.s32 $0x7, s22;
	[tilespmem:s29+$0xD0] =	vst v4;
	v4 =	vmov s5;
	v8 =	vld [tilespmem:s8+$0x40]  }
0x564: {  	v6 =	vld [tilespmem:s23+$0x30];
	[tilespmem:s26+$0x10] =	vst v2;
	v2 =	vmul.u32 $0x60, v4;
	v4 =	vmov s10  }
0x565: {  	s14 =	sadd.s32 $0xC, s22;
	[tilespmem:s26+$0xFFFFFC50] =	vst v5;
	v5 =	vld [tilespmem:s12+$0x40];
	v4 =	vmul.u32 $0x60, v4  }
0x566: {  	s15 =	sadd.s32 $0x2, s22;
	v58 =	vmov s14;
	v9 =	vld [tilespmem:s7+$0x40];
	[tilespmem:s26+$0x1F0] =	vst v7;
	v2 =	vbroadcast v2, $0x0  }
0x567: {  	s16 =	sadd.s32 $0x11, s22;
	v10 =	vmul.u32 $0x60, v58;
	v7 =	vmov s15;
	v11 =	vld [tilespmem:s11+$0x40];
	[tilespmem:s26+$0x3E0] =	vst v3;
	v4 =	vbroadcast v4, $0x0  }
0x568: {  	v59 =	vmov s16;
	v3 =	vmul.u32 $0x60, v7;
	v7 =	vld [tilespmem:s2+$0x50];
	v2 =	vadd.s32 v0, v2;
	[tilespmem:s26+$0xFFFFFE40] =	vst v8  }
0x569: {  	[tilespmem:s29+$0x2B0] =	vst v6;
	v6 =	vbroadcast v10, $0x0;
	v8 =	vmul.u32 $0x60, v59;
	v4 =	vadd.s32 v0, v4;
	v61 =	vld [tilespmem:s8+$0x50]  }
0x56a: {  	v60 =	vld [tilespmem:s30+$0x40];
	v3 =	vbroadcast v3, $0x0;
	[tilespmem:s26+$0x20] =	vst v5  }
0x56b: {  	v6 =	vadd.s32 v0, v6;
	[tilespmem:s26+$0xFFFFFC60] =	vst v9;
	v5 =	vld [tilespmem:s12+$0x50];
	v8 =	vbroadcast v8, $0x0  }
0x56c: {  	v3 =	vadd.s32 v0, v3;
	v9 =	vld [tilespmem:s7+$0x50];
	[tilespmem:s26+$0x200] =	vst v11  }
0x56d: {  	s2 =	spop (v2sf);
	v11 =	vld [tilespmem:s11+$0x50];
	v8 =	vadd.s32 v0, v8;
	[tilespmem:v2+s13+$0x0] =	vst.idx.msk $0xfff, v7  }
0x56e: {  	v2 =	vld [tilespmem:s2+$0x0];
	[tilespmem:v4+s13+$0x0] =	vst.idx.msk $0xfff, v61  }
0x56f: {  	[tilespmem:s29+$0xFFFFFD20] =	vst v60;
	v4 =	vld [tilespmem:s19+$0x40]  }
0x570: {  	v7 =	vld [tilespmem:s0+$0x0];
	[tilespmem:v6+s13+$0x0] =	vst.idx.msk $0xfff, v5  }
0x571: {  	s8 =	rddreg [dreg:$0x6];
	[tilespmem:v3+s13+$0x0] =	vst.idx.msk $0xfff, v9;
	v3 =	vld [tilespmem:s1+$0x0]  }
0x572: {  	v5 =	vld [tilespmem:s8+$0x0];
	[tilespmem:v8+s13+$0x0] =	vst.idx.msk $0xfff, v11  }
0x573: {  	v6 =	vld [tilespmem:s31+$0x0];
	[tilespmem:s26+$0x400] =	vst v2  }
0x574: {  	v2 =	vld [tilespmem:s2+$0x10];
	[tilespmem:s29+$0xFFFFFF00] =	vst v4  }
0x575: {  	[tilespmem:s26+$0xFFFFFE60] =	vst v7;
	v4 =	vld [tilespmem:s21+$0x40]  }
0x576: {  	v7 =	vld [tilespmem:s0+$0x10];
	[tilespmem:s26+$0x40] =	vst v3  }
0x577: {  	[tilespmem:s26+$0xFFFFFC80] =	vst v5;
	v3 =	vld [tilespmem:s1+$0x10]  }
0x578: {  	v5 =	vld [tilespmem:s8+$0x10];
	[tilespmem:s26+$0x220] =	vst v6  }
0x579: {  	v6 =	vld [tilespmem:s31+$0x10];
	[tilespmem:s26+$0x410] =	vst v2  }
0x57a: {  	s25 =	smov.u32 s20;
	s20 =	smov.u32 s17;
	v2 =	vld [tilespmem:s2+$0x20];
	[tilespmem:s29+$0xE0] =	vst v4  }
0x57b: {  	s18 =	smov.u32 s19;
	s19 =	sadd.s32 $0x4, s20;
	v4 =	vld [tilespmem:s23+$0x40];
	[tilespmem:s26+$0xFFFFFE70] =	vst v7  }
0x57c: {  	v7 =	vld [tilespmem:s0+$0x20];
	[tilespmem:s26+$0x50] =	vst v3;
	v3 =	vmov s19  }
0x57d: {  	[tilespmem:s26+$0xFFFFFC90] =	vst v5;
	v5 =	vld [tilespmem:s1+$0x20];
	v3 =	vmul.u32 $0x60, v3  }
0x57e: {  	v8 =	vld [tilespmem:s8+$0x20];
	[tilespmem:s26+$0x230] =	vst v6  }
0x57f: {  	v6 =	vld [tilespmem:s31+$0x20];
	[tilespmem:s26+$0x420] =	vst v2;
	v2 =	vbroadcast v3, $0x0  }
0x580: {  	[tilespmem:s29+$0x2C0] =	vst v4;
	v62 =	vld [tilespmem:s2+$0x30]  }
0x581: {  	p0 =	slt.u32 s4, $0x64;
	[tilespmem:s26+$0xFFFFFE80] =	vst v7;
	v7 =	vld [tilespmem:s30+$0x50];
	v63 =	vadd.s32 v0, v2  }
.Ltmp7:
0x582: {  	v2 =	vld [tilespmem:s0+$0x30];
	[tilespmem:s26+$0x60] =	vst v5;
	(pc) =	sbr.rel @p0 .LBB2_4-.Ltmp7, $4  }
0x583: {  	s9 =	sadd.s32 $0x19, s9;
	[tilespmem:s26+$0xFFFFFCA0] =	vst v8;
	v3 =	vld [tilespmem:s1+$0x30]  }
0x584: {  	s4 =	sadd.s32 $0x19, s4;
	s24 =	smov.u32 s28;
	s28 =	rddreg [dreg:$0x8];
	v4 =	vld [tilespmem:s8+$0x30];
	[tilespmem:s26+$0x240] =	vst v6  }
0x585: {  	s17 =	smov.u32 s21;
	s3 =	sadd.s32 $0x17, s22;
	s21 =	rddreg [dreg:$0x3];
	v6 =	vld [tilespmem:s9+$0xA];
	[tilespmem:s26+$0x430] =	vst v62  }
0x586: {  	(v2sf) =	vpush v1, $0x4;
	s16 =	smov.u32 s21;
	s29 =	smov.u32 s26;
	s30 =	smov.u32 s6;
	v5 =	vld [tilespmem:s2+$0x40];
	[tilespmem:v63+s13+$0x0] =	vst.idx.msk $0xfff, v7  }
.Ltmp8:
0x587: {  	_ = 	snop;
	(pc) =	sbr.rel .LBB2_5-.Ltmp8, $1  }
0x588: {  	_ =	sdelay $0x3  }
.LBB2_11:
0x589: {  	_ =	sfence.sel $0x180000  }
0x58a: {  	[bflag:$0x0] =	sbarrier.arrive $0xFFFF  }
0x58b: {  	_ =	strace $0x90000047  }
0x58c: {  	s0 =	stileid.u32;
	[bflag:$0x2] =	sbarrier.arrive $0xFFFF  }
0x58d: {  	p0 =	sne.s32 s0, $0x0;
	s0 =	rddreg [dreg:$0x2]  }
0x58e: {  	s0 =	sadd.s32 @!p0 $0x100000, s0  }
0x58f: {  	[sflag:s0] =	ssyncadd.tile.s32 @!p0 $0x1;
	_ =	shalt  }
.Lfunc_end2:
_tile_overlayer_lowered:
.L_overlay_start_2:
0x590: {  	(tag) =	ssettag $0x2  }
0x591: {  	s0 =	rddreg [dreg:$0x0];
	s2 =	stileid.u32  }
0x592: {  	s1 =	rddreg [dreg:$0x1];
	p0 =	sne.s32 s2, $0x0  }
0x593: {  	s3 =	rddreg [dreg:$0x2];
	[bflag:$0x3] =	sbarrier.arrive $0xFFFF;
	s2 =	simm.s32 @!p0 $0x1C03  }
0x594: {  	[timem:s3], [sflag:s2] =	dma.local @!p0 [hbm:s0], s1  }
0x595: {  	s0 =	simm.s32 @!p0 $0x3  }
0x596: {  	_ =	swait.ge @!p0 [sflag:s0], s1  }
0x597: {  	s1 =	ssub.s32 @!p0 $0x0, s1;
	[sflag:s0] =	ssyncset.done @!p0 $0x0  }
0x598: {  	[sflag:s0] =	ssyncadd.s32 @!p0 s1  }
0x599: {  	[bflag:$0x3] =	sbarrier.arrive $0xFFFF  }
0x59a: {  	_ =	shalt  }

// kernel: sparse-core-data-format-call.cloned.1.call-start
scs
called_computation_lowered:
.L_overlay_start_0:
0x0: {  	s1 =	sld [smem:$0x3FD9]  }
0x1: {  	s2 =	sld [smem:$0x3FFE];
	_ =	sdelay $0x1  }
0x2: {  	s3 =	srdreg.scid  }
0x3: {  	s0 =	sand.u32 $0x1, s3  }
0x4: {  	s17 =	sshll.u32 s0, $0xA;
	s1 =	sadd.s32 s2, s1  }
0x5: {  	s1 =	sadd.s32 s1, s17  }
0x6: {  	[smem:$0x3FC6] =	sst s1  }
0x7: {  	_ = 	snop  }
0x8: {  	(tm) =	ssettm $0x1  }
0x9: {  	s18 =	sld [smem:$0x3FFB];
	_ =	sdelay $0x3  }
0xa: {  	_ =	strace s18  }
0xb: {  	s1 =	sld [smem:$0x3FFC];
	_ =	sdelay $0x3  }
0xc: {  	_ =	strace s1  }
0xd: {  	s1 =	sld [smem:$0x3FFD];
	_ =	sdelay $0x3  }
0xe: {  	_ =	strace s1  }
0xf: {  	_ =	strace $0x8FFFFFFF  }
0x10: {  	s19 =	sld [smem:$0x3FDB];
	_ =	sdelay $0x1  }
0x11: {  	s20 =	simm.s32 $_scs_section_size  }
0x12: {  	s4 =	simm.s32 $_size__tile_overlayer_lowered;
	s5 =	simm.s32 $_tile_overlayer_lowered  }
0x13: {  	s23 =	simm.s32 $0x1BFF;
	s22 =	sshll.u32 s5, $0x1;
	s1 =	sadd.s32 s20, s19  }
0x14: {  	s6 =	simm.s32 $0x0;
	s21 =	sshll.u32 s4, $0x1;
	s4 =	sadd.s32 s22, s1  }
0x15: {  	[timem:s6], [sflag:s23] =	dma.local [hbm:s4], s21  }
0x16: {  	_ =	swait.ge [sflag:s23], s21  }
0x17: {  	s2 =	ssub.s32 $0x0, s21;
	[sflag:s23] =	ssyncset.done $0x0  }
0x18: {  	[sflag:s23] =	ssyncadd.s32 s2;
	_ =	sdelay $0x1  }
0x19: {  	s24 =	simm.s32 $0x1B8B  }
0x1a: {  	_ =	swait.ge [sflag:s24], $0x1  }
0x1b: {  	[sflag:s24] =	ssyncset.done $0x0  }
0x1c: {  	s26 =	simm.s32 $0x1B8E;
	s25 =	sld [smem:$0x3FFE];
	[sflag:s24] =	ssyncadd.s32 $0xFFFFFFFF  }
0x1d: {  	s27 =	simm.s32 $execute0_lowered;
	[smem:$0x3FD2] =	sst s26  }
0x1e: {  	s4 =	sshll.u32 s27, $0x1;
	_ =	strace $0x80000049;
	[dreg:$0x1] =	wrdreg $0xFFFFFFFF  }
0x1f: {  	s28 =	simm.s32 $_size_execute0_lowered;
	s1 =	sadd.s32 s1, s4;
	[dreg:$0x0] =	wrdreg $0x0  }
0x20: {  	s4 =	sshll.u32 s28, $0x1;
	[dreg:$0x2] =	wrdreg s1  }
0x21: {  	[dreg:$0x3] =	wrdreg s4  }
0x22: {  	[dreg:$0x4] =	wrdreg $0xC0  }
0x23: {  	_ =	task [dreg:s6], $0x5FFFF  }
0x24: {  	[dreg:$0x1] =	wrdreg $0xFFFFFFFF  }
0x25: {  	[dreg:$0x0] =	wrdreg $0x60  }
0x26: {  	[dreg:$0x2] =	wrdreg s25  }
0x27: {  	[dreg:$0x3] =	wrdreg $0x9  }
0x28: {  	_ =	task.clear_ibuf [dreg:s6], $0x4FFFF;
	_ =	strace $0x90000049  }
0x29: {  	s29 =	simm.s32 $0x9;
	_ =	strace $0x8000004B  }
0x2a: {  	_ =	swait.ge [sflag:s29], $0x1  }
0x2b: {  	[sflag:s29] =	ssyncadd.s32 $0xFFFFFFFF  }
0x2c: {  	_ =	strace $0x9000004B  }
0x2d: {  	_ =	sfence  }
0x2e: {  	s30 =	sld [smem:$0x0];
	_ =	sdelay $0x2  }
0x2f: {  	s31 =	sshll.u32 s3, $0xD;
	s3 =	sshrl.u32 s3, $0x2  }
0x30: {  	s2 =	sand.u32 $0x4000, s31;
	s1 =	sadd.s32 s3, s30  }
0x31: {  	s0 =	sor.u32 s2, s0;
	s1 =	sshll.u32 s1, $0x11  }
0x32: {  	s0 =	sor.u32 s1, s0  }
0x33: {  	s0 =	sadd.s32 $0x8F2B, s0  }
0x34: {  	[sflag:s0] =	ssyncadd.remote.s32 $0x1  }
0x35: {  	_ =	sfence.sel $0xFFFF  }
0x36: {  	[dreg:$0x0] =	wrdreg $0xFFFFFFFF;
	(pc) =	sbr.abs _section_cstart, $3  }
0x37: {  	[dreg:$0x1] =	wrdreg $0xFFFFFFFF  }
0x38: {  	_ =	task.clear_ibuf [dreg:s6], $0x2FFFF;
	_ =	strace $0x9FFFFFFF  }
0x39: {  	(tm) =	ssettm $0x7FFFFFFF  }
tec
execute0_lowered:
.L_overlay_start_1:
0x0: {  	(tag) =	ssettag $0x1  }
0x1: {  	s4 =	rddreg [dreg:$0x0]  }
0x2: {  	s0 =	rddreg [dreg:$0x1];
	_ =	strace $0x8000004A;
	s3 =	srdreg.scid  }
0x3: {  	s1 =	stileid.u32;
	s6 =	simm.s32 $0x2;
	s11 =	simm.s32 $0x0  }
.Ltmp0:
0x4: {  	p0 =	por $0x0, $0x0;
	s7 =	simm.s32 $0x19000;
	(pc) =	sbr.rel .LBB1_1-.Ltmp0, $4  }
0x5: {  	s9 =	simm.s32 $0x0;
	s8 =	simm.s32 $0x0;
	s5 =	sshll.u32 s3, $0x4  }
0x6: {  	s2 =	sadd.s32 $0x800, s4;
	s3 =	simm.s32 $0x1;
	s5 =	sand.u32 $0x10, s5  }
0x7: {  	s4 =	sadd.s32 $0x190800, s4;
	[sflag:s3] =	ssyncpa.u1 $0x0;
	s5 =	sor.u32 s1, s5  }
0x8: {  	[sflag:s6] =	ssyncpa.u1 $0x0;
	s6 =	simm.s32 $0x80;
	s10 =	smov.u32 s5  }
.LBB1_5:
0x9: {  	p1 =	slt.u32 s8, $0x2  }
0xa: {  	p2 =	sgt.s32 @!p1 s11, $0x31F  }
0xb: {  	s12 =	smov.u32 s11;
	s13 =	sshra.s32 @!p1 s11, $0x1F;
	p2 =	por !p2, p1  }
0xc: {  	s11 =	sand.u32 @!p1 s13, s11;
	s12 =	simm.s32 @p2 $0x31F  }
0xd: {  	s11 =	ssub.s32 @!p1 s12, s11  }
0xe: {  	s12 =	ssub.s32 @!p1 $0x320, s11  }
0xf: {  	s11 =	sadd.s32 @!p1 $0xFFFFFCE1, s11;
	s12 =	smul.u32 @!p1 $0xB800, s12  }
0x10: {  	p2 =	sgt.s32 @!p1 s11, $0x0  }
0x11: {  	s13 =	sadd.s32 $0x20, s10;
	p2 =	por !p2, p1;
	s11 =	sshrl.u32 @!p1 s12, $0x2  }
0x12: {  	s8 =	sadd.s32 $0x1, s8;
	s11 =	simm.s32 @!p2 $0x0;
	p2 =	sgt.s32 s13, $0x31F  }
0x13: {  	s13 =	smov.u32 @p2 s5;
	p2 =	sne.s32 s8, $0x1B  }
.Ltmp1:
0x14: {  	_ = 	snop;
	(pc) =	sbr.rel @!p2 .LBB1_6-.Ltmp1, $4  }
0x15: {  	s12 =	simm.s32 @!p1 $0x2  }
0x16: {  	p0 =	por !p0, !p0;
	_ =	swait.ge @!p1 [sflag:s12], s11  }
0x17: {  	s14 =	ssub.s32 @!p1 $0x0, s11;
	s11 =	smov.u32 s9;
	[sflag:s12] =	ssyncset.done @!p1 $0x0  }
0x18: {  	s9 =	smov.u32 s10;
	s10 =	smov.u32 s13;
	[sflag:s12] =	ssyncadd.s32 @!p1 s14  }
.LBB1_1:
0x19: {  	p1 =	sgt.u32 s8, $0x18  }
0x1a: {  	s12 =	sxor.u32 @!p1 $0xFFFFFFFF, s8  }
0x1b: {  	s13 =	sshll.u32 @!p1 s10, $0xB;
	s12 =	sshll.u32 @!p1 s12, $0xE  }
0x1c: {  	s14 =	simm.s32 @!p1 $0x0;
	s13 =	sadd.s32 @!p1 s2, s13;
	s12 =	sand.u32 @!p1 $0x4000, s12  }
0x1d: {  	[tilespmem:s12], [sflag:$0x1] =	stream.linear.gather @!p1 [hbm4b:s13+s14], $0x4000, $0x38;
	[tilespmem:$0x10100] =	vst v63  }
0x1e: {  	p1 =	seq.s32 s8, $0x0  }
0x1f: {  	p2 =	seq.s32 @!p1 s8, $0x1A  }
0x20: {  	p1 =	por p1, p2  }
.Ltmp2:
0x21: {  	_ = 	snop;
	(pc) =	sbr.rel @p1 .LBB1_5-.Ltmp2, $1  }
0x22: {  	_ =	sdelay $0x3  }
0x23: {  	s12 =	simm.s32 $0x1  }
0x24: {  	_ =	swait.ge [sflag:s3], $0x4000;
	s12 =	simm.s32 @!p0 $0x0  }
0x25: {  	[sflag:s3] =	ssyncset.done $0x0;
	s13 =	sshll.u32 s12, $0xE  }
0x26: {  	[sflag:s3] =	ssyncadd.s32 $0xFFFFC000;
	s14 =	sor.u32 $0x40, s13  }
0x27: {  	s12 =	smul.u32 $0x10200, s12;
	v0 =	vld [tilespmem:s14+$0x30]  }
0x28: {  	v2 =	vld [tilespmem:s14+$0xFFFFFFD0]  }
0x29: {  	s12 =	sshrl.u32 s12, $0x2;
	v5 =	vld [tilespmem:s14+$0xFFFFFFE0]  }
0x2a: {  	v6 =	vld [tilespmem:s14+$0xFFFFFFF0];
	s13 =	sor.u32 $0x8000, s12  }
0x2b: {  	s31 =	sand.u32 $0x1, s8;
	v1 =	vld [tilespmem:s14+$0x0];
	s15 =	sadd.s32 $0x0, s13  }
0x2c: {  	v3 =	vld [tilespmem:s14+$0x10];
	s12 =	smul.u32 $0x10200, s31;
	[tilespmem:s15+$0x3870 ss:$0x81] =	vst.msk $0xffff, v0  }
0x2d: {  	v4 =	vld [tilespmem:s14+$0x20];
	[tilespmem:s15+$0x810 ss:$0x81] =	vst.msk $0xffff, v2  }
0x2e: {  	s12 =	sshrl.u32 s12, $0x2;
	v0 =	vld [tilespmem:s14+$0xFFFFFFC0];
	[tilespmem:s15+$0x1020 ss:$0x81] =	vst.msk $0xffff, v5;
	s14 =	sadd.s32 $0x80, s14  }
0x2f: {  	s16 =	simm.s32 $0x4;
	s17 =	simm.s32 $0x8;
	s12 =	sor.u32 $0x8000, s12;
	[tilespmem:s15+$0x1830 ss:$0x81] =	vst.msk $0xffff, v6;
	v2 =	vld [tilespmem:s14+$0x30]  }
.LBB1_3:
0x30: {  	p1 =	sne.s32 s17, $0x1FC;
	v5 =	vld [tilespmem:s14+$0xFFFFFFD0];
	[tilespmem:s15+$0x2040 ss:$0x81] =	vst.msk $0xffff, v1  }
0x31: {  	v6 =	vld [tilespmem:s14+$0xFFFFFFE0];
	[tilespmem:s15+$0x2850 ss:$0x81] =	vst.msk $0xffff, v3  }
0x32: {  	s18 =	sshra.s32 s16, $0x2;
	s16 =	smov.u32 s17;
	v7 =	vld [tilespmem:s14+$0xFFFFFFF0];
	[tilespmem:s15+$0x3060 ss:$0x81] =	vst.msk $0xffff, v4  }
.Ltmp3:
0x33: {  	v1 =	vld [tilespmem:s14+$0x0];
	[tilespmem:s15+$0x0 ss:$0x81] =	vst.msk $0xffff, v0;
	s15 =	sadd.s32 s18, s13;
	(pc) =	sbr.rel @p1 .LBB1_3-.Ltmp3, $4  }
0x34: {  	v3 =	vld [tilespmem:s14+$0x10];
	[tilespmem:s15+$0x3870 ss:$0x81] =	vst.msk $0xffff, v2  }
0x35: {  	[tilespmem:s15+$0x810 ss:$0x81] =	vst.msk $0xffff, v5;
	v4 =	vld [tilespmem:s14+$0x20]  }
0x36: {  	v0 =	vld [tilespmem:s14+$0xFFFFFFC0];
	[tilespmem:s15+$0x1020 ss:$0x81] =	vst.msk $0xffff, v6;
	s14 =	sadd.s32 $0x80, s14  }
0x37: {  	s17 =	sadd.s32 $0x4, s17;
	v2 =	vld [tilespmem:s14+$0x30];
	[tilespmem:s15+$0x1830 ss:$0x81] =	vst.msk $0xffff, v7  }
0x38: {  	v5 =	vld [tilespmem:s14+$0xFFFFFFD0];
	[tilespmem:s15+$0x2040 ss:$0x81] =	vst.msk $0xffff, v1  }
0x39: {  	v58 =	vld [tilespmem:s14+$0xFFFFFFE0];
	s16 =	sshra.s32 s16, $0x2;
	[tilespmem:s15+$0x2850 ss:$0x81] =	vst.msk $0xffff, v3  }
0x3a: {  	v59 =	vld [tilespmem:s14+$0xFFFFFFF0];
	s26 =	sand.u32 $0x1FFFFFF, s9;
	p1 =	sgt.s32 s9, $0x31F;
	s17 =	smov.u32 s9;
	[tilespmem:s15+$0x3060 ss:$0x81] =	vst.msk $0xffff, v4  }
0x3b: {  	v60 =	vld [tilespmem:s14+$0x0];
	s18 =	sshra.s32 s9, $0x1F;
	s13 =	sadd.s32 s16, s13;
	s27 =	smulhi.u32 $0x147AE15, s26;
	[tilespmem:s15+$0x0 ss:$0x81] =	vst.msk $0xffff, v0  }
0x3c: {  	v61 =	vld [tilespmem:s14+$0x10];
	s17 =	simm.s32 @!p1 $0x31F;
	s18 =	sand.u32 s18, s9;
	[tilespmem:s13+$0x3870 ss:$0x81] =	vst.msk $0xffff, v2  }
0x3d: {  	v62 =	vld [tilespmem:s14+$0x20];
	s29 =	ssub.s32 s17, s18;
	s28 =	sshrl.u32 s27, $0x2;
	[tilespmem:s13+$0x810 ss:$0x81] =	vst.msk $0xffff, v5  }
0x3e: {  	v63 =	vld [tilespmem:s14+$0xFFFFFFC0];
	s17 =	ssub.s32 $0x320, s29;
	s14 =	smul.u32 $0x320, s28;
	[tilespmem:s13+$0x1020 ss:$0x81] =	vst.msk $0xffff, v58  }
0x3f: {  	s17 =	smul.u32 $0xB800, s17;
	[tilespmem:s13+$0x1830 ss:$0x81] =	vst.msk $0xffff, v59  }
.Ltmp4:
0x40: {  	[tilespmem:s13+$0x2040 ss:$0x81] =	vst.msk $0xffff, v60;
	(pc) =	sbr.rel .LBB1_5-.Ltmp4, $4  }
0x41: {  	s30 =	sadd.s32 $0xFFFFFCE1, s29;
	[tilespmem:s13+$0x2850 ss:$0x81] =	vst.msk $0xffff, v61;
	s14 =	ssub.s32 s26, s14  }
0x42: {  	p1 =	sgt.s32 s30, $0x0;
	[tilespmem:s13+$0x3060 ss:$0x81] =	vst.msk $0xffff, v62;
	s15 =	sshrl.u32 s17, $0x2;
	s14 =	sshll.u32 s14, $0x4  }
0x43: {  	[tilespmem:s13+$0x0 ss:$0x81] =	vst.msk $0xffff, v63;
	s15 =	simm.s32 @p1 $0x0;
	s31 =	sadd.s32 s4, s14  }
0x44: {  	[hbm4b:s31+s6] =	stream.strided.scatter [tilespmem:s12], [sflag:$0x2], s15, s7, s6, $0x20;
	[tilespmem:$0x10100] =	vst v63  }
.LBB1_6:
0x45: {  	_ =	sfence.sel $0x180000  }
0x46: {  	s2 =	simm.s32 $0x1;
	[bflag:$0x0] =	sbarrier.arrive $0xFFFF  }
0x47: {  	s31 =	simm.s32 $0x2;
	[sflag:s2] =	ssyncpa.u1 $0x1  }
0x48: {  	[sflag:s31] =	ssyncpa.u1 $0x1  }
0x49: {  	p0 =	sne.s32 s1, $0x0;
	_ =	strace $0x9000004A  }
0x4a: {  	s0 =	sadd.s32 @!p0 $0x100000, s0;
	[bflag:$0x2] =	sbarrier.arrive $0xFFFF  }
0x4b: {  	[sflag:s0] =	ssyncadd.tile.s32 @!p0 $0x1;
	_ =	shalt  }
.Lfunc_end1:
_tile_overlayer_lowered:
.L_overlay_start_2:
0x4c: {  	(tag) =	ssettag $0x2  }
0x4d: {  	s0 =	rddreg [dreg:$0x0];
	s2 =	stileid.u32  }
0x4e: {  	s1 =	rddreg [dreg:$0x1];
	p0 =	sne.s32 s2, $0x0  }
0x4f: {  	s3 =	rddreg [dreg:$0x2];
	[bflag:$0x3] =	sbarrier.arrive $0xFFFF;
	s2 =	simm.s32 @!p0 $0x1C01  }
0x50: {  	[timem:s3], [sflag:s2] =	dma.local @!p0 [hbm:s0], s1  }
0x51: {  	s0 =	simm.s32 @!p0 $0x1  }
0x52: {  	_ =	swait.ge @!p0 [sflag:s0], s1  }
0x53: {  	s1 =	ssub.s32 @!p0 $0x0, s1;
	[sflag:s0] =	ssyncset.done @!p0 $0x0  }
0x54: {  	[sflag:s0] =	ssyncadd.s32 @!p0 s1  }
0x55: {  	[bflag:$0x3] =	sbarrier.arrive $0xFFFF  }
0x56: {  	_ =	shalt  }

</sc_bundles>
